<compile_context>
chip_gen: v7x
topology: tpu7x:2x2x1
jax: 0.10.2.dev20260603
libtpu: 0.0.44.dev20260713+nightly
codegen_flags: <defaults>
</compile_context>

<pallas_src>
import functools

import jax
import jax.numpy as jnp
from jax import lax
from jax.experimental import pallas as pl
from jax.experimental.pallas import tpu as pltpu
from jax.experimental.pallas import tpu_sc as plsc

_B = 4096
_ND = 13
_NS = 26
_F = _ND + _NS
_V = 100000
_E = 16
_MAXN = 0.1
_NW = 32
_R = _NS * _E
_RPW = _R // _NW
_BK = 512
_SD = _ND * _E


def _sc_gather(tab, xst):
    mesh = plsc.VectorSubcoreMesh(core_axis_name="c", subcore_axis_name="s")

    @functools.partial(
        pl.kernel,
        mesh=mesh,
        out_type=jax.ShapeDtypeStruct((_R, _B), jnp.float32),
        compiler_params=pltpu.CompilerParams(use_tc_tiling_on_sc=False),
        scratch_types=[
            pltpu.VMEM((2, _B), jnp.int32),
            pltpu.VMEM((_RPW, _B), jnp.float32),
            pltpu.SemaphoreType.DMA,
        ],
    )
    def k(tab_hbm, xst_hbm, g_out, idx2, g_v, s1):
        wid = lax.axis_index("s") * 2 + lax.axis_index("c")
        r0 = wid * _RPW
        f_lo = r0 // _E
        f_hi = (r0 + _RPW - 1) // _E
        pltpu.sync_copy(xst_hbm.at[f_lo], idx2.at[0])
        pltpu.sync_copy(xst_hbm.at[f_hi], idx2.at[1])
        copies = []
        for j in range(_RPW):
            r = r0 + j
            sel = r // _E - f_lo
            copies.append(
                pltpu.async_copy(tab_hbm.at[r].at[idx2.at[sel]], g_v.at[j], s1))
        for c in copies:
            c.wait()
        pltpu.sync_copy(g_v, g_out.at[pl.ds(r0, _RPW)])

    return k(tab, xst)


def _tc_body(xdt_ref, gfo_ref, gso_ref,
             fo_dw_ref, fo_db_ref, fo_lw_ref, fo_lb_ref,
             so_dwc_ref, so_dbc_ref,
             w1dt_ref, w1st_ref, b1c_ref, w2t_ref, b2c_ref, w3r_ref, b3_ref,
             m26_ref, mexp_ref, rexp_ref,
             row_out_ref, so_out_ref,
             cs_d, cs_s, ss_acc):
    i = pl.program_id(0)

    @pl.when(i == 0)
    def _():
        cs_d[...] = jnp.zeros_like(cs_d)
        cs_s[...] = jnp.zeros_like(cs_s)
        ss_acc[...] = jnp.zeros_like(ss_acc)

    xdt = xdt_ref[...]
    gfo = gfo_ref[...]
    gso = gso_ref[...]
    m26 = m26_ref[...]
    mexp = mexp_ref[...]
    rexp = rexp_ref[...]

    def renormed(g):
        n2 = jnp.dot(m26, g * g, preferred_element_type=jnp.float32)
        n = jnp.sqrt(n2)
        sc = jnp.where(n > _MAXN, _MAXN / (n + 1e-7), 1.0)
        return g * jnp.dot(mexp, sc, preferred_element_type=jnp.float32)

    gfo_s = renormed(gfo)
    gso_s = renormed(gso)

    fo_dw_sum = jnp.sum(fo_dw_ref[...], axis=1, keepdims=True)
    fo_db_sum = jnp.sum(fo_db_ref[...], axis=1, keepdims=True)
    fo_d = xdt * fo_dw_sum + fo_db_sum
    fo_srow = jnp.dot(m26, gfo_s, preferred_element_type=jnp.float32)
    lw = fo_lw_ref[...]
    first = (jnp.dot(lw[:, :_ND], fo_d, preferred_element_type=jnp.float32)
             + jnp.dot(lw[:, _ND:], fo_srow, preferred_element_type=jnp.float32)
             + fo_lb_ref[0, 0])

    so_d = (jnp.dot(rexp, xdt, preferred_element_type=jnp.float32)
            * so_dwc_ref[...] + so_dbc_ref[...])
    so_s = gso_s

    cs_d[...] += jnp.sum(so_d, axis=1, keepdims=True)
    cs_s[...] += jnp.sum(so_s, axis=1, keepdims=True)
    ss_acc[...] += (jnp.sum(so_d * so_d, keepdims=True)[:1, :1]
                    + jnp.sum(so_s * so_s, keepdims=True)[:1, :1])

    h = (jnp.dot(w1dt_ref[...], so_d, preferred_element_type=jnp.float32)
         + jnp.dot(w1st_ref[...], so_s, preferred_element_type=jnp.float32)
         + b1c_ref[...])
    h = jnp.maximum(h, 0.0)
    h = jnp.dot(w2t_ref[...], h, preferred_element_type=jnp.float32) + b2c_ref[...]
    h = jnp.maximum(h, 0.0)
    deep = jnp.dot(w3r_ref[...], h, preferred_element_type=jnp.float32) + b3_ref[0, 0]

    row_out_ref[...] = first + deep

    csd = cs_d[...]
    css = cs_s[...]
    so_out_ref[...] = 0.5 * (jnp.sum(csd * csd, keepdims=True)[:1, :1]
                             + jnp.sum(css * css, keepdims=True)[:1, :1]
                             - ss_acc[...])


def kernel(X, fo_dense_W, fo_dense_b, fo_tables, fo_lin_W, fo_lin_b,
           so_dense_W, so_dense_b, so_tables, W1, b1, W2, b2, W3, b3):
    f32 = jnp.float32
    XdT = X[:, :_ND].astype(f32).T
    XsT = X[:, _ND:].T

    fo_v = jnp.transpose(fo_tables, (0, 2, 1)).reshape(_R, _V)
    so_v = jnp.transpose(so_tables, (0, 2, 1)).reshape(_R, _V)

    gfo = _sc_gather(fo_v, XsT)
    gso = _sc_gather(so_v, XsT)

    m26 = jnp.kron(jnp.eye(_NS, dtype=f32), jnp.ones((1, _E), f32))
    mexp = m26.T
    rexp = jnp.kron(jnp.eye(_ND, dtype=f32), jnp.ones((_E, 1), f32))

    nblk = _B // _BK
    whole = lambda shape: pl.BlockSpec(shape, lambda i: (0, 0))
    rows, so_scalar = pl.pallas_call(
        _tc_body,
        grid=(nblk,),
        in_specs=[
            pl.BlockSpec((_ND, _BK), lambda i: (0, i)),
            pl.BlockSpec((_R, _BK), lambda i: (0, i)),
            pl.BlockSpec((_R, _BK), lambda i: (0, i)),
            whole((_ND, _E)), whole((_ND, _E)),
            whole((1, _F)), whole((1, 1)),
            whole((_SD, 1)), whole((_SD, 1)),
            whole((400, _SD)), whole((400, _R)), whole((400, 1)),
            whole((400, 400)), whole((400, 1)),
            whole((1, 400)), whole((1, 1)),
            whole((_NS, _R)), whole((_R, _NS)), whole((_SD, _ND)),
        ],
        out_specs=[
            pl.BlockSpec((1, _BK), lambda i: (0, i)),
            pl.BlockSpec((1, 1), lambda i: (0, 0)),
        ],
        out_shape=[jax.ShapeDtypeStruct((1, _B), f32),
                   jax.ShapeDtypeStruct((1, 1), f32)],
        scratch_shapes=[pltpu.VMEM((_SD, 1), f32),
                        pltpu.VMEM((_R, 1), f32),
                        pltpu.VMEM((1, 1), f32)],
    )(XdT, gfo, gso,
      fo_dense_W, fo_dense_b, fo_lin_W, fo_lin_b.reshape(1, 1),
      so_dense_W.reshape(_SD, 1), so_dense_b.reshape(_SD, 1),
      W1[:_SD].T, W1[_SD:].T, b1.reshape(400, 1),
      W2.T, b2.reshape(400, 1),
      W3.reshape(1, 400), b3.reshape(1, 1),
      m26, mexp, rexp)

    return rows.reshape(_B, 1) + so_scalar

# --- scband reference (transcript-rebuilt; emitter-appended) ---
"""Pipeline reference for scband-deep-fmbase-7868380086366 (READ-ONLY COPY).

The authoritative reference and input builder live on the scoring server;
editing this copy changes nothing except your own understanding.
"""

import jax, jax.numpy as jnp
import numpy as np

B = 4096
ND = 13
NS = 26
F = ND + NS
V = 100000
E = 16
DIN = F * E
H1 = 400
H2 = 400
MAX_NORM = 0.1


def _renorm(emb):
    # torch nn.Embedding(max_norm=0.1): rows with L2 norm > max_norm are rescaled
    # to max_norm (renorm happens outside autograd, hence stop_gradient on scale).
    n = jnp.sqrt(jnp.sum(emb * emb, axis=-1, keepdims=True))
    scale = jnp.where(n > MAX_NORM, MAX_NORM / (n + 1e-7), 1.0)
    return emb * jax.lax.stop_gradient(scale)


def setup_inputs(seed: int = 0) -> dict:
    key = jax.random.key(seed)
    ks = jax.random.split(key, 16)
    X = jax.random.randint(ks[0], (B, F), 0, V, dtype=jnp.int32)
    return {
        "X": X,
        "fo_dense_W": jax.random.normal(ks[1], (ND, E), dtype=jnp.float32) * 0.1,
        "fo_dense_b": jax.random.normal(ks[2], (ND, E), dtype=jnp.float32) * 0.1,
        "fo_tables": jax.random.normal(ks[3], (NS, V, E), dtype=jnp.float32),
        "fo_lin_W": jax.random.normal(ks[4], (1, F), dtype=jnp.float32) * 0.1,
        "fo_lin_b": jax.random.normal(ks[5], (1,), dtype=jnp.float32) * 0.1,
        "so_dense_W": jax.random.normal(ks[6], (ND, E), dtype=jnp.float32) * 0.1,
        "so_dense_b": jax.random.normal(ks[7], (ND, E), dtype=jnp.float32) * 0.1,
        "so_tables": jax.random.normal(ks[8], (NS, V, E), dtype=jnp.float32),
        "W1": jax.random.normal(ks[9], (DIN, H1), dtype=jnp.float32) * 0.05,
        "b1": jnp.zeros((H1,), dtype=jnp.float32),
        "W2": jax.random.normal(ks[10], (H1, H2), dtype=jnp.float32) * 0.05,
        "b2": jnp.zeros((H2,), dtype=jnp.float32),
        "W3": jax.random.normal(ks[11], (H2, 1), dtype=jnp.float32) * 0.05,
        "b3": jnp.zeros((1,), dtype=jnp.float32),
    }


def reference(X, fo_dense_W, fo_dense_b, fo_tables, fo_lin_W, fo_lin_b,
              so_dense_W, so_dense_b, so_tables, W1, b1, W2, b2, W3, b3):
    Xd = X[:, :ND].astype(jnp.float32)          # dense fields (B, ND)
    Xs = X[:, ND:]                              # sparse field indices (B, NS)
    fidx = jnp.arange(NS)[None, :]

    # ---- first order ----
    # dense: Linear(1, E) applied per field, then summed over E -> (B, ND)
    fo_d = jnp.sum(Xd[:, :, None] * fo_dense_W[None, :, :] + fo_dense_b[None, :, :], axis=-1)
    # sparse: embedding lookup (gather) with max_norm renorm, summed over E -> (B, NS)
    fo_s = jnp.sum(_renorm(fo_tables[fidx, Xs]), axis=-1)
    first_order_features = jnp.concatenate([fo_d, fo_s], axis=1)       # (B, F)
    first_order_output = first_order_features @ fo_lin_W.T + fo_lin_b  # (B, 1)

    # ---- second order ----
    so_d = Xd[:, :, None] * so_dense_W[None, :, :] + so_dense_b[None, :, :]  # (B, ND, E)
    so_s = _renorm(so_tables[fidx, Xs])                                      # (B, NS, E)
    second_order_features = jnp.concatenate([so_d, so_s], axis=1).reshape(B, DIN)

    # python sum(tensor) iterates over dim 0 -> column sums (faithful to original)
    col_sum = jnp.sum(second_order_features, axis=0)
    sum_square = col_sum ** 2
    squared_sum = jnp.sum(second_order_features ** 2, axis=0)
    second_order_output = 0.5 * jnp.sum(sum_square - squared_sum)  # scalar

    # ---- deep net (dropout is identity in eval) ----
    h = second_order_features @ W1 + b1
    h = jnp.maximum(h, 0.0)
    h = h @ W2 + b2
    h = jnp.maximum(h, 0.0)
    deep_output = h @ W3 + b3  # (B, 1)

    return first_order_output + second_order_output + deep_output

if __name__ == "__main__":
    import jax
    _d = setup_inputs()
    print(jax.jit(kernel)(*tuple(_d.values())))

</pallas_src>

<mosaic_0001>
#map = affine_map<(d0, d1) -> (0, 0)>
module attributes {stable_mosaic.version = 14 : i64} {
  func.func @k(%arg0: i32, %arg1: i32, %arg2: memref<416x100000xf32, #tpu.memory_space<hbm>>, %arg3: memref<26x4096xi32, #tpu.memory_space<hbm>>, %arg4: memref<416x4096xf32, #tpu.memory_space<hbm>>, %arg5: memref<2x4096xi32, #tpu.memory_space<vmem>>, %arg6: memref<13x4096xf32, #tpu.memory_space<vmem>>, %arg7: memref<!tpu.dma_semaphore, #tpu.memory_space<semaphore_mem>>) attributes {dimension_semantics = [#tpu.dimension_semantics<core_parallel>, #tpu.dimension_semantics<subcore_parallel>], iteration_bounds = array<i64: 2, 16>, scalar_prefetch = 0 : i64, scratch_operands = 3 : i64, tpu.core_type = #tpu.core_type<sc_vector_subcore>, window_params = [{transform_indices = #map}, {transform_indices = #map}, {transform_indices = #map}]} {
    %mul3A = arith.constant 2 : i32
    %mul3A_0 = arith.muli %arg1, %mul3A : i32
    %add3A = arith.addi %mul3A_0, %arg0 : i32
    %mul3A_1 = arith.constant 13 : i32
    %mul3A_2 = arith.muli %add3A, %mul3A_1 : i32
    %jit3A = arith.constant 16 : i32
    %div3A = arith.divsi %mul3A_2, %jit3A : i32
    %sign3A = arith.constant 0 : i32
    %sign3A_3 = arith.cmpi sgt, %mul3A_2, %sign3A : i32
    %sign3A_4 = arith.extui %sign3A_3 : i1 to i32
    %sign3A_5 = arith.constant 0 : i32
    %sign3A_6 = arith.cmpi slt, %mul3A_2, %sign3A_5 : i32
    %sign3A_7 = arith.extui %sign3A_6 : i1 to i32
    %sign3A_8 = arith.subi %sign3A_4, %sign3A_7 : i32
    %sign3A_9 = arith.constant 0 : i32
    %sign3A_10 = arith.cmpi sgt, %jit3A, %sign3A_9 : i32
    %sign3A_11 = arith.extui %sign3A_10 : i1 to i32
    %sign3A_12 = arith.constant 0 : i32
    %sign3A_13 = arith.cmpi slt, %jit3A, %sign3A_12 : i32
    %sign3A_14 = arith.extui %sign3A_13 : i1 to i32
    %sign3A_15 = arith.subi %sign3A_11, %sign3A_14 : i32
    %ne3A = arith.cmpi ne, %sign3A_8, %sign3A_15 : i32
    %rem3A = arith.remsi %mul3A_2, %jit3A : i32
    %ne3A_16 = arith.constant 0 : i32
    %ne3A_17 = arith.cmpi ne, %rem3A, %ne3A_16 : i32
    %and3A = arith.andi %ne3A, %ne3A_17 : i1
    %sub3A = arith.constant 1 : i32
    %sub3A_18 = arith.subi %div3A, %sub3A : i32
    %select_n3A = arith.select %and3A, %sub3A_18, %div3A : i32
    %add3A_19 = arith.constant 13 : i32
    %add3A_20 = arith.addi %mul3A_2, %add3A_19 : i32
    %sub3A_21 = arith.constant 1 : i32
    %sub3A_22 = arith.subi %add3A_20, %sub3A_21 : i32
    %jit3A_23 = arith.constant 16 : i32
    %div3A_24 = arith.divsi %sub3A_22, %jit3A_23 : i32
    %sign3A_25 = arith.constant 0 : i32
    %sign3A_26 = arith.cmpi sgt, %sub3A_22, %sign3A_25 : i32
    %sign3A_27 = arith.extui %sign3A_26 : i1 to i32
    %sign3A_28 = arith.constant 0 : i32
    %sign3A_29 = arith.cmpi slt, %sub3A_22, %sign3A_28 : i32
    %sign3A_30 = arith.extui %sign3A_29 : i1 to i32
    %sign3A_31 = arith.subi %sign3A_27, %sign3A_30 : i32
    %sign3A_32 = arith.constant 0 : i32
    %sign3A_33 = arith.cmpi sgt, %jit3A_23, %sign3A_32 : i32
    %sign3A_34 = arith.extui %sign3A_33 : i1 to i32
    %sign3A_35 = arith.constant 0 : i32
    %sign3A_36 = arith.cmpi slt, %jit3A_23, %sign3A_35 : i32
    %sign3A_37 = arith.extui %sign3A_36 : i1 to i32
    %sign3A_38 = arith.subi %sign3A_34, %sign3A_37 : i32
    %ne3A_39 = arith.cmpi ne, %sign3A_31, %sign3A_38 : i32
    %rem3A_40 = arith.remsi %sub3A_22, %jit3A_23 : i32
    %ne3A_41 = arith.constant 0 : i32
    %ne3A_42 = arith.cmpi ne, %rem3A_40, %ne3A_41 : i32
    %and3A_43 = arith.andi %ne3A_39, %ne3A_42 : i1
    %sub3A_44 = arith.constant 1 : i32
    %sub3A_45 = arith.subi %div3A_24, %sub3A_44 : i32
    %select_n3A_46 = arith.select %and3A_43, %sub3A_45, %div3A_24 : i32
    %run_scoped3A = arith.constant 0 : i32
    "tpu.region"() ({
      %run_scoped3A_709 = tpu.sem_alloc : memref<!tpu.dma_semaphore, #tpu.memory_space<semaphore_mem>>
      %dma_start3A_710 = arith.constant 0 : i32
      %dma_start3A_711 = tpu.memref_slice %arg5[%run_scoped3A, %dma_start3A_710] : memref<2x4096xi32, #tpu.memory_space<vmem>> -> memref<1x4096xi32, #tpu.memory_space<vmem>>
      %dma_start3A_712 = tpu.memref_squeeze %dma_start3A_711 : memref<1x4096xi32, #tpu.memory_space<vmem>> -> memref<4096xi32, #tpu.memory_space<vmem>>
      %dma_start3A_713 = arith.constant 0 : i32
      %dma_start3A_714 = tpu.memref_slice %arg3[%select_n3A, %dma_start3A_713] : memref<26x4096xi32, #tpu.memory_space<hbm>> -> memref<1x4096xi32, #tpu.memory_space<hbm>>
      %dma_start3A_715 = tpu.memref_squeeze %dma_start3A_714 : memref<1x4096xi32, #tpu.memory_space<hbm>> -> memref<4096xi32, #tpu.memory_space<hbm>>
      %dma_start3A_716 = arith.constant 0 : i32
      %dma_start3A_717 = tpu.memref_slice %arg5[%run_scoped3A, %dma_start3A_716] : memref<2x4096xi32, #tpu.memory_space<vmem>> -> memref<1x4096xi32, #tpu.memory_space<vmem>>
      %dma_start3A_718 = tpu.memref_squeeze %dma_start3A_717 : memref<1x4096xi32, #tpu.memory_space<vmem>> -> memref<4096xi32, #tpu.memory_space<vmem>>
      %dma_start3A_719 = arith.constant 0 : i32
      %dma_start3A_720 = tpu.memref_slice %arg3[%select_n3A, %dma_start3A_719] : memref<26x4096xi32, #tpu.memory_space<hbm>> -> memref<1x4096xi32, #tpu.memory_space<hbm>>
      %dma_start3A_721 = tpu.memref_squeeze %dma_start3A_720 : memref<1x4096xi32, #tpu.memory_space<hbm>> -> memref<4096xi32, #tpu.memory_space<hbm>>
      tpu.enqueue_dma source(%dma_start3A_721 : memref<4096xi32, #tpu.memory_space<hbm>>) target(%dma_start3A_718 : memref<4096xi32, #tpu.memory_space<vmem>>) target_semaphore(%run_scoped3A_709 : memref<!tpu.dma_semaphore, #tpu.memory_space<semaphore_mem>>)
      %dma_wait3A_722 = arith.constant 0 : i32
      %dma_wait3A_723 = tpu.memref_slice %arg5[%run_scoped3A, %dma_wait3A_722] : memref<2x4096xi32, #tpu.memory_space<vmem>> -> memref<1x4096xi32, #tpu.memory_space<vmem>>
      %dma_wait3A_724 = tpu.memref_squeeze %dma_wait3A_723 : memref<1x4096xi32, #tpu.memory_space<vmem>> -> memref<4096xi32, #tpu.memory_space<vmem>>
      %dma_wait3A_725 = arith.constant 0 : i32
      %dma_wait3A_726 = tpu.memref_slice %arg3[%select_n3A, %dma_wait3A_725] : memref<26x4096xi32, #tpu.memory_space<hbm>> -> memref<1x4096xi32, #tpu.memory_space<hbm>>
      %dma_wait3A_727 = tpu.memref_squeeze %dma_wait3A_726 : memref<1x4096xi32, #tpu.memory_space<hbm>> -> memref<4096xi32, #tpu.memory_space<hbm>>
      %dma_wait3A_728 = arith.constant 0 : i32
      %dma_wait3A_729 = tpu.memref_slice %arg5[%run_scoped3A, %dma_wait3A_728] : memref<2x4096xi32, #tpu.memory_space<vmem>> -> memref<1x4096xi32, #tpu.memory_space<vmem>>
      %dma_wait3A_730 = tpu.memref_squeeze %dma_wait3A_729 : memref<1x4096xi32, #tpu.memory_space<vmem>> -> memref<4096xi32, #tpu.memory_space<vmem>>
      %dma_wait3A_731 = arith.constant 0 : i32
      %dma_wait3A_732 = tpu.memref_slice %arg3[%select_n3A, %dma_wait3A_731] : memref<26x4096xi32, #tpu.memory_space<hbm>> -> memref<1x4096xi32, #tpu.memory_space<hbm>>
      %dma_wait3A_733 = tpu.memref_squeeze %dma_wait3A_732 : memref<1x4096xi32, #tpu.memory_space<hbm>> -> memref<4096xi32, #tpu.memory_space<hbm>>
      tpu.wait_dma2 semaphore(%run_scoped3A_709 : memref<!tpu.dma_semaphore, #tpu.memory_space<semaphore_mem>>) src(%dma_wait3A_733 : memref<4096xi32, #tpu.memory_space<hbm>>) dst(%dma_wait3A_730 : memref<4096xi32, #tpu.memory_space<vmem>>)
      tpu.yield
    }) : () -> ()
    %run_scoped3A_47 = arith.constant 1 : i32
    "tpu.region"() ({
      %run_scoped3A_709 = tpu.sem_alloc : memref<!tpu.dma_semaphore, #tpu.memory_space<semaphore_mem>>
      %dma_start3A_710 = arith.constant 0 : i32
      %dma_start3A_711 = tpu.memref_slice %arg5[%run_scoped3A_47, %dma_start3A_710] : memref<2x4096xi32, #tpu.memory_space<vmem>> -> memref<1x4096xi32, #tpu.memory_space<vmem>>
      %dma_start3A_712 = tpu.memref_squeeze %dma_start3A_711 : memref<1x4096xi32, #tpu.memory_space<vmem>> -> memref<4096xi32, #tpu.memory_space<vmem>>
      %dma_start3A_713 = arith.constant 0 : i32
      %dma_start3A_714 = tpu.memref_slice %arg3[%select_n3A_46, %dma_start3A_713] : memref<26x4096xi32, #tpu.memory_space<hbm>> -> memref<1x4096xi32, #tpu.memory_space<hbm>>
      %dma_start3A_715 = tpu.memref_squeeze %dma_start3A_714 : memref<1x4096xi32, #tpu.memory_space<hbm>> -> memref<4096xi32, #tpu.memory_space<hbm>>
      %dma_start3A_716 = arith.constant 0 : i32
      %dma_start3A_717 = tpu.memref_slice %arg5[%run_scoped3A_47, %dma_start3A_716] : memref<2x4096xi32, #tpu.memory_space<vmem>> -> memref<1x4096xi32, #tpu.memory_space<vmem>>
      %dma_start3A_718 = tpu.memref_squeeze %dma_start3A_717 : memref<1x4096xi32, #tpu.memory_space<vmem>> -> memref<4096xi32, #tpu.memory_space<vmem>>
      %dma_start3A_719 = arith.constant 0 : i32
      %dma_start3A_720 = tpu.memref_slice %arg3[%select_n3A_46, %dma_start3A_719] : memref<26x4096xi32, #tpu.memory_space<hbm>> -> memref<1x4096xi32, #tpu.memory_space<hbm>>
      %dma_start3A_721 = tpu.memref_squeeze %dma_start3A_720 : memref<1x4096xi32, #tpu.memory_space<hbm>> -> memref<4096xi32, #tpu.memory_space<hbm>>
      tpu.enqueue_dma source(%dma_start3A_721 : memref<4096xi32, #tpu.memory_space<hbm>>) target(%dma_start3A_718 : memref<4096xi32, #tpu.memory_space<vmem>>) target_semaphore(%run_scoped3A_709 : memref<!tpu.dma_semaphore, #tpu.memory_space<semaphore_mem>>)
      %dma_wait3A_722 = arith.constant 0 : i32
      %dma_wait3A_723 = tpu.memref_slice %arg5[%run_scoped3A_47, %dma_wait3A_722] : memref<2x4096xi32, #tpu.memory_space<vmem>> -> memref<1x4096xi32, #tpu.memory_space<vmem>>
      %dma_wait3A_724 = tpu.memref_squeeze %dma_wait3A_723 : memref<1x4096xi32, #tpu.memory_space<vmem>> -> memref<4096xi32, #tpu.memory_space<vmem>>
      %dma_wait3A_725 = arith.constant 0 : i32
      %dma_wait3A_726 = tpu.memref_slice %arg3[%select_n3A_46, %dma_wait3A_725] : memref<26x4096xi32, #tpu.memory_space<hbm>> -> memref<1x4096xi32, #tpu.memory_space<hbm>>
      %dma_wait3A_727 = tpu.memref_squeeze %dma_wait3A_726 : memref<1x4096xi32, #tpu.memory_space<hbm>> -> memref<4096xi32, #tpu.memory_space<hbm>>
      %dma_wait3A_728 = arith.constant 0 : i32
      %dma_wait3A_729 = tpu.memref_slice %arg5[%run_scoped3A_47, %dma_wait3A_728] : memref<2x4096xi32, #tpu.memory_space<vmem>> -> memref<1x4096xi32, #tpu.memory_space<vmem>>
      %dma_wait3A_730 = tpu.memref_squeeze %dma_wait3A_729 : memref<1x4096xi32, #tpu.memory_space<vmem>> -> memref<4096xi32, #tpu.memory_space<vmem>>
      %dma_wait3A_731 = arith.constant 0 : i32
      %dma_wait3A_732 = tpu.memref_slice %arg3[%select_n3A_46, %dma_wait3A_731] : memref<26x4096xi32, #tpu.memory_space<hbm>> -> memref<1x4096xi32, #tpu.memory_space<hbm>>
      %dma_wait3A_733 = tpu.memref_squeeze %dma_wait3A_732 : memref<1x4096xi32, #tpu.memory_space<hbm>> -> memref<4096xi32, #tpu.memory_space<hbm>>
      tpu.wait_dma2 semaphore(%run_scoped3A_709 : memref<!tpu.dma_semaphore, #tpu.memory_space<semaphore_mem>>) src(%dma_wait3A_733 : memref<4096xi32, #tpu.memory_space<hbm>>) dst(%dma_wait3A_730 : memref<4096xi32, #tpu.memory_space<vmem>>)
      tpu.yield
    }) : () -> ()
    %add3A_48 = arith.constant 0 : i32
    %add3A_49 = arith.addi %mul3A_2, %add3A_48 : i32
    %jit3A_50 = arith.constant 16 : i32
    %div3A_51 = arith.divsi %add3A_49, %jit3A_50 : i32
    %sign3A_52 = arith.constant 0 : i32
    %sign3A_53 = arith.cmpi sgt, %add3A_49, %sign3A_52 : i32
    %sign3A_54 = arith.extui %sign3A_53 : i1 to i32
    %sign3A_55 = arith.constant 0 : i32
    %sign3A_56 = arith.cmpi slt, %add3A_49, %sign3A_55 : i32
    %sign3A_57 = arith.extui %sign3A_56 : i1 to i32
    %sign3A_58 = arith.subi %sign3A_54, %sign3A_57 : i32
    %sign3A_59 = arith.constant 0 : i32
    %sign3A_60 = arith.cmpi sgt, %jit3A_50, %sign3A_59 : i32
    %sign3A_61 = arith.extui %sign3A_60 : i1 to i32
    %sign3A_62 = arith.constant 0 : i32
    %sign3A_63 = arith.cmpi slt, %jit3A_50, %sign3A_62 : i32
    %sign3A_64 = arith.extui %sign3A_63 : i1 to i32
    %sign3A_65 = arith.subi %sign3A_61, %sign3A_64 : i32
    %ne3A_66 = arith.cmpi ne, %sign3A_58, %sign3A_65 : i32
    %rem3A_67 = arith.remsi %add3A_49, %jit3A_50 : i32
    %ne3A_68 = arith.constant 0 : i32
    %ne3A_69 = arith.cmpi ne, %rem3A_67, %ne3A_68 : i32
    %and3A_70 = arith.andi %ne3A_66, %ne3A_69 : i1
    %sub3A_71 = arith.constant 1 : i32
    %sub3A_72 = arith.subi %div3A_51, %sub3A_71 : i32
    %select_n3A_73 = arith.select %and3A_70, %sub3A_72, %div3A_51 : i32
    %sub3A_74 = arith.subi %select_n3A_73, %select_n3A : i32
    %dma_start3A = arith.constant 0 : i32
    %dma_start3A_75 = arith.constant 0 : i32
    %dma_start3A_76 = tpu.memref_slice %arg6[%dma_start3A, %dma_start3A_75] : memref<13x4096xf32, #tpu.memory_space<vmem>> -> memref<1x4096xf32, #tpu.memory_space<vmem>>
    %dma_start3A_77 = tpu.memref_squeeze %dma_start3A_76 : memref<1x4096xf32, #tpu.memory_space<vmem>> -> memref<4096xf32, #tpu.memory_space<vmem>>
    %dma_start3A_78 = arith.constant 0 : i32
    %dma_start3A_79 = tpu.memref_slice %arg5[%sub3A_74, %dma_start3A_78] : memref<2x4096xi32, #tpu.memory_space<vmem>> -> memref<1x4096xi32, #tpu.memory_space<vmem>>
    %dma_start3A_80 = tpu.memref_squeeze %dma_start3A_79 : memref<1x4096xi32, #tpu.memory_space<vmem>> -> memref<4096xi32, #tpu.memory_space<vmem>>
    %dma_start3A_81 = arith.constant 0 : i32
    %dma_start3A_82 = tpu.memref_slice %arg2[%add3A_49, %dma_start3A_81] : memref<416x100000xf32, #tpu.memory_space<hbm>> -> memref<1x100000xf32, #tpu.memory_space<hbm>>
    %dma_start3A_83 = tpu.memref_squeeze %dma_start3A_82 : memref<1x100000xf32, #tpu.memory_space<hbm>> -> memref<100000xf32, #tpu.memory_space<hbm>>
    %dma_start3A_84 = arith.constant 0 : i32
    %dma_start3A_85 = tpu.memref_slice %dma_start3A_83[%dma_start3A_84] : memref<100000xf32, #tpu.memory_space<hbm>> -> memref<100000xf32, #tpu.memory_space<hbm>>
    tpu.enqueue_indirect_dma source(%dma_start3A_85 : memref<100000xf32, #tpu.memory_space<hbm>>) target(%dma_start3A_77 : memref<4096xf32, #tpu.memory_space<vmem>>) offsets(%dma_start3A_80 : memref<4096xi32, #tpu.memory_space<vmem>>) semaphore(%arg7 : memref<!tpu.dma_semaphore, #tpu.memory_space<semaphore_mem>>)
    %add3A_86 = arith.constant 1 : i32
    %add3A_87 = arith.addi %mul3A_2, %add3A_86 : i32
    %jit3A_88 = arith.constant 16 : i32
    %div3A_89 = arith.divsi %add3A_87, %jit3A_88 : i32
    %sign3A_90 = arith.constant 0 : i32
    %sign3A_91 = arith.cmpi sgt, %add3A_87, %sign3A_90 : i32
    %sign3A_92 = arith.extui %sign3A_91 : i1 to i32
    %sign3A_93 = arith.constant 0 : i32
    %sign3A_94 = arith.cmpi slt, %add3A_87, %sign3A_93 : i32
    %sign3A_95 = arith.extui %sign3A_94 : i1 to i32
    %sign3A_96 = arith.subi %sign3A_92, %sign3A_95 : i32
    %sign3A_97 = arith.constant 0 : i32
    %sign3A_98 = arith.cmpi sgt, %jit3A_88, %sign3A_97 : i32
    %sign3A_99 = arith.extui %sign3A_98 : i1 to i32
    %sign3A_100 = arith.constant 0 : i32
    %sign3A_101 = arith.cmpi slt, %jit3A_88, %sign3A_100 : i32
    %sign3A_102 = arith.extui %sign3A_101 : i1 to i32
    %sign3A_103 = arith.subi %sign3A_99, %sign3A_102 : i32
    %ne3A_104 = arith.cmpi ne, %sign3A_96, %sign3A_103 : i32
    %rem3A_105 = arith.remsi %add3A_87, %jit3A_88 : i32
    %ne3A_106 = arith.constant 0 : i32
    %ne3A_107 = arith.cmpi ne, %rem3A_105, %ne3A_106 : i32
    %and3A_108 = arith.andi %ne3A_104, %ne3A_107 : i1
    %sub3A_109 = arith.constant 1 : i32
    %sub3A_110 = arith.subi %div3A_89, %sub3A_109 : i32
    %select_n3A_111 = arith.select %and3A_108, %sub3A_110, %div3A_89 : i32
    %sub3A_112 = arith.subi %select_n3A_111, %select_n3A : i32
    %dma_start3A_113 = arith.constant 1 : i32
    %dma_start3A_114 = arith.constant 0 : i32
    %dma_start3A_115 = tpu.memref_slice %arg6[%dma_start3A_113, %dma_start3A_114] : memref<13x4096xf32, #tpu.memory_space<vmem>> -> memref<1x4096xf32, #tpu.memory_space<vmem>>
    %dma_start3A_116 = tpu.memref_squeeze %dma_start3A_115 : memref<1x4096xf32, #tpu.memory_space<vmem>> -> memref<4096xf32, #tpu.memory_space<vmem>>
    %dma_start3A_117 = arith.constant 0 : i32
    %dma_start3A_118 = tpu.memref_slice %arg5[%sub3A_112, %dma_start3A_117] : memref<2x4096xi32, #tpu.memory_space<vmem>> -> memref<1x4096xi32, #tpu.memory_space<vmem>>
    %dma_start3A_119 = tpu.memref_squeeze %dma_start3A_118 : memref<1x4096xi32, #tpu.memory_space<vmem>> -> memref<4096xi32, #tpu.memory_space<vmem>>
    %dma_start3A_120 = arith.constant 0 : i32
    %dma_start3A_121 = tpu.memref_slice %arg2[%add3A_87, %dma_start3A_120] : memref<416x100000xf32, #tpu.memory_space<hbm>> -> memref<1x100000xf32, #tpu.memory_space<hbm>>
    %dma_start3A_122 = tpu.memref_squeeze %dma_start3A_121 : memref<1x100000xf32, #tpu.memory_space<hbm>> -> memref<100000xf32, #tpu.memory_space<hbm>>
    %dma_start3A_123 = arith.constant 0 : i32
    %dma_start3A_124 = tpu.memref_slice %dma_start3A_122[%dma_start3A_123] : memref<100000xf32, #tpu.memory_space<hbm>> -> memref<100000xf32, #tpu.memory_space<hbm>>
    tpu.enqueue_indirect_dma source(%dma_start3A_124 : memref<100000xf32, #tpu.memory_space<hbm>>) target(%dma_start3A_116 : memref<4096xf32, #tpu.memory_space<vmem>>) offsets(%dma_start3A_119 : memref<4096xi32, #tpu.memory_space<vmem>>) semaphore(%arg7 : memref<!tpu.dma_semaphore, #tpu.memory_space<semaphore_mem>>)
    %add3A_125 = arith.constant 2 : i32
    %add3A_126 = arith.addi %mul3A_2, %add3A_125 : i32
    %jit3A_127 = arith.constant 16 : i32
    %div3A_128 = arith.divsi %add3A_126, %jit3A_127 : i32
    %sign3A_129 = arith.constant 0 : i32
    %sign3A_130 = arith.cmpi sgt, %add3A_126, %sign3A_129 : i32
    %sign3A_131 = arith.extui %sign3A_130 : i1 to i32
    %sign3A_132 = arith.constant 0 : i32
    %sign3A_133 = arith.cmpi slt, %add3A_126, %sign3A_132 : i32
    %sign3A_134 = arith.extui %sign3A_133 : i1 to i32
    %sign3A_135 = arith.subi %sign3A_131, %sign3A_134 : i32
    %sign3A_136 = arith.constant 0 : i32
    %sign3A_137 = arith.cmpi sgt, %jit3A_127, %sign3A_136 : i32
    %sign3A_138 = arith.extui %sign3A_137 : i1 to i32
    %sign3A_139 = arith.constant 0 : i32
    %sign3A_140 = arith.cmpi slt, %jit3A_127, %sign3A_139 : i32
    %sign3A_141 = arith.extui %sign3A_140 : i1 to i32
    %sign3A_142 = arith.subi %sign3A_138, %sign3A_141 : i32
    %ne3A_143 = arith.cmpi ne, %sign3A_135, %sign3A_142 : i32
    %rem3A_144 = arith.remsi %add3A_126, %jit3A_127 : i32
    %ne3A_145 = arith.constant 0 : i32
    %ne3A_146 = arith.cmpi ne, %rem3A_144, %ne3A_145 : i32
    %and3A_147 = arith.andi %ne3A_143, %ne3A_146 : i1
    %sub3A_148 = arith.constant 1 : i32
    %sub3A_149 = arith.subi %div3A_128, %sub3A_148 : i32
    %select_n3A_150 = arith.select %and3A_147, %sub3A_149, %div3A_128 : i32
    %sub3A_151 = arith.subi %select_n3A_150, %select_n3A : i32
    %dma_start3A_152 = arith.constant 2 : i32
    %dma_start3A_153 = arith.constant 0 : i32
    %dma_start3A_154 = tpu.memref_slice %arg6[%dma_start3A_152, %dma_start3A_153] : memref<13x4096xf32, #tpu.memory_space<vmem>> -> memref<1x4096xf32, #tpu.memory_space<vmem>>
    %dma_start3A_155 = tpu.memref_squeeze %dma_start3A_154 : memref<1x4096xf32, #tpu.memory_space<vmem>> -> memref<4096xf32, #tpu.memory_space<vmem>>
    %dma_start3A_156 = arith.constant 0 : i32
    %dma_start3A_157 = tpu.memref_slice %arg5[%sub3A_151, %dma_start3A_156] : memref<2x4096xi32, #tpu.memory_space<vmem>> -> memref<1x4096xi32, #tpu.memory_space<vmem>>
    %dma_start3A_158 = tpu.memref_squeeze %dma_start3A_157 : memref<1x4096xi32, #tpu.memory_space<vmem>> -> memref<4096xi32, #tpu.memory_space<vmem>>
    %dma_start3A_159 = arith.constant 0 : i32
    %dma_start3A_160 = tpu.memref_slice %arg2[%add3A_126, %dma_start3A_159] : memref<416x100000xf32, #tpu.memory_space<hbm>> -> memref<1x100000xf32, #tpu.memory_space<hbm>>
    %dma_start3A_161 = tpu.memref_squeeze %dma_start3A_160 : memref<1x100000xf32, #tpu.memory_space<hbm>> -> memref<100000xf32, #tpu.memory_space<hbm>>
    %dma_start3A_162 = arith.constant 0 : i32
    %dma_start3A_163 = tpu.memref_slice %dma_start3A_161[%dma_start3A_162] : memref<100000xf32, #tpu.memory_space<hbm>> -> memref<100000xf32, #tpu.memory_space<hbm>>
    tpu.enqueue_indirect_dma source(%dma_start3A_163 : memref<100000xf32, #tpu.memory_space<hbm>>) target(%dma_start3A_155 : memref<4096xf32, #tpu.memory_space<vmem>>) offsets(%dma_start3A_158 : memref<4096xi32, #tpu.memory_space<vmem>>) semaphore(%arg7 : memref<!tpu.dma_semaphore, #tpu.memory_space<semaphore_mem>>)
    %add3A_164 = arith.constant 3 : i32
    %add3A_165 = arith.addi %mul3A_2, %add3A_164 : i32
    %jit3A_166 = arith.constant 16 : i32
    %div3A_167 = arith.divsi %add3A_165, %jit3A_166 : i32
    %sign3A_168 = arith.constant 0 : i32
    %sign3A_169 = arith.cmpi sgt, %add3A_165, %sign3A_168 : i32
    %sign3A_170 = arith.extui %sign3A_169 : i1 to i32
    %sign3A_171 = arith.constant 0 : i32
    %sign3A_172 = arith.cmpi slt, %add3A_165, %sign3A_171 : i32
    %sign3A_173 = arith.extui %sign3A_172 : i1 to i32
    %sign3A_174 = arith.subi %sign3A_170, %sign3A_173 : i32
    %sign3A_175 = arith.constant 0 : i32
    %sign3A_176 = arith.cmpi sgt, %jit3A_166, %sign3A_175 : i32
    %sign3A_177 = arith.extui %sign3A_176 : i1 to i32
    %sign3A_178 = arith.constant 0 : i32
    %sign3A_179 = arith.cmpi slt, %jit3A_166, %sign3A_178 : i32
    %sign3A_180 = arith.extui %sign3A_179 : i1 to i32
    %sign3A_181 = arith.subi %sign3A_177, %sign3A_180 : i32
    %ne3A_182 = arith.cmpi ne, %sign3A_174, %sign3A_181 : i32
    %rem3A_183 = arith.remsi %add3A_165, %jit3A_166 : i32
    %ne3A_184 = arith.constant 0 : i32
    %ne3A_185 = arith.cmpi ne, %rem3A_183, %ne3A_184 : i32
    %and3A_186 = arith.andi %ne3A_182, %ne3A_185 : i1
    %sub3A_187 = arith.constant 1 : i32
    %sub3A_188 = arith.subi %div3A_167, %sub3A_187 : i32
    %select_n3A_189 = arith.select %and3A_186, %sub3A_188, %div3A_167 : i32
    %sub3A_190 = arith.subi %select_n3A_189, %select_n3A : i32
    %dma_start3A_191 = arith.constant 3 : i32
    %dma_start3A_192 = arith.constant 0 : i32
    %dma_start3A_193 = tpu.memref_slice %arg6[%dma_start3A_191, %dma_start3A_192] : memref<13x4096xf32, #tpu.memory_space<vmem>> -> memref<1x4096xf32, #tpu.memory_space<vmem>>
    %dma_start3A_194 = tpu.memref_squeeze %dma_start3A_193 : memref<1x4096xf32, #tpu.memory_space<vmem>> -> memref<4096xf32, #tpu.memory_space<vmem>>
    %dma_start3A_195 = arith.constant 0 : i32
    %dma_start3A_196 = tpu.memref_slice %arg5[%sub3A_190, %dma_start3A_195] : memref<2x4096xi32, #tpu.memory_space<vmem>> -> memref<1x4096xi32, #tpu.memory_space<vmem>>
    %dma_start3A_197 = tpu.memref_squeeze %dma_start3A_196 : memref<1x4096xi32, #tpu.memory_space<vmem>> -> memref<4096xi32, #tpu.memory_space<vmem>>
    %dma_start3A_198 = arith.constant 0 : i32
    %dma_start3A_199 = tpu.memref_slice %arg2[%add3A_165, %dma_start3A_198] : memref<416x100000xf32, #tpu.memory_space<hbm>> -> memref<1x100000xf32, #tpu.memory_space<hbm>>
    %dma_start3A_200 = tpu.memref_squeeze %dma_start3A_199 : memref<1x100000xf32, #tpu.memory_space<hbm>> -> memref<100000xf32, #tpu.memory_space<hbm>>
    %dma_start3A_201 = arith.constant 0 : i32
    %dma_start3A_202 = tpu.memref_slice %dma_start3A_200[%dma_start3A_201] : memref<100000xf32, #tpu.memory_space<hbm>> -> memref<100000xf32, #tpu.memory_space<hbm>>
    tpu.enqueue_indirect_dma source(%dma_start3A_202 : memref<100000xf32, #tpu.memory_space<hbm>>) target(%dma_start3A_194 : memref<4096xf32, #tpu.memory_space<vmem>>) offsets(%dma_start3A_197 : memref<4096xi32, #tpu.memory_space<vmem>>) semaphore(%arg7 : memref<!tpu.dma_semaphore, #tpu.memory_space<semaphore_mem>>)
    %add3A_203 = arith.constant 4 : i32
    %add3A_204 = arith.addi %mul3A_2, %add3A_203 : i32
    %jit3A_205 = arith.constant 16 : i32
    %div3A_206 = arith.divsi %add3A_204, %jit3A_205 : i32
    %sign3A_207 = arith.constant 0 : i32
    %sign3A_208 = arith.cmpi sgt, %add3A_204, %sign3A_207 : i32
    %sign3A_209 = arith.extui %sign3A_208 : i1 to i32
    %sign3A_210 = arith.constant 0 : i32
    %sign3A_211 = arith.cmpi slt, %add3A_204, %sign3A_210 : i32
    %sign3A_212 = arith.extui %sign3A_211 : i1 to i32
    %sign3A_213 = arith.subi %sign3A_209, %sign3A_212 : i32
    %sign3A_214 = arith.constant 0 : i32
    %sign3A_215 = arith.cmpi sgt, %jit3A_205, %sign3A_214 : i32
    %sign3A_216 = arith.extui %sign3A_215 : i1 to i32
    %sign3A_217 = arith.constant 0 : i32
    %sign3A_218 = arith.cmpi slt, %jit3A_205, %sign3A_217 : i32
    %sign3A_219 = arith.extui %sign3A_218 : i1 to i32
    %sign3A_220 = arith.subi %sign3A_216, %sign3A_219 : i32
    %ne3A_221 = arith.cmpi ne, %sign3A_213, %sign3A_220 : i32
    %rem3A_222 = arith.remsi %add3A_204, %jit3A_205 : i32
    %ne3A_223 = arith.constant 0 : i32
    %ne3A_224 = arith.cmpi ne, %rem3A_222, %ne3A_223 : i32
    %and3A_225 = arith.andi %ne3A_221, %ne3A_224 : i1
    %sub3A_226 = arith.constant 1 : i32
    %sub3A_227 = arith.subi %div3A_206, %sub3A_226 : i32
    %select_n3A_228 = arith.select %and3A_225, %sub3A_227, %div3A_206 : i32
    %sub3A_229 = arith.subi %select_n3A_228, %select_n3A : i32
    %dma_start3A_230 = arith.constant 4 : i32
    %dma_start3A_231 = arith.constant 0 : i32
    %dma_start3A_232 = tpu.memref_slice %arg6[%dma_start3A_230, %dma_start3A_231] : memref<13x4096xf32, #tpu.memory_space<vmem>> -> memref<1x4096xf32, #tpu.memory_space<vmem>>
    %dma_start3A_233 = tpu.memref_squeeze %dma_start3A_232 : memref<1x4096xf32, #tpu.memory_space<vmem>> -> memref<4096xf32, #tpu.memory_space<vmem>>
    %dma_start3A_234 = arith.constant 0 : i32
    %dma_start3A_235 = tpu.memref_slice %arg5[%sub3A_229, %dma_start3A_234] : memref<2x4096xi32, #tpu.memory_space<vmem>> -> memref<1x4096xi32, #tpu.memory_space<vmem>>
    %dma_start3A_236 = tpu.memref_squeeze %dma_start3A_235 : memref<1x4096xi32, #tpu.memory_space<vmem>> -> memref<4096xi32, #tpu.memory_space<vmem>>
    %dma_start3A_237 = arith.constant 0 : i32
    %dma_start3A_238 = tpu.memref_slice %arg2[%add3A_204, %dma_start3A_237] : memref<416x100000xf32, #tpu.memory_space<hbm>> -> memref<1x100000xf32, #tpu.memory_space<hbm>>
    %dma_start3A_239 = tpu.memref_squeeze %dma_start3A_238 : memref<1x100000xf32, #tpu.memory_space<hbm>> -> memref<100000xf32, #tpu.memory_space<hbm>>
    %dma_start3A_240 = arith.constant 0 : i32
    %dma_start3A_241 = tpu.memref_slice %dma_start3A_239[%dma_start3A_240] : memref<100000xf32, #tpu.memory_space<hbm>> -> memref<100000xf32, #tpu.memory_space<hbm>>
    tpu.enqueue_indirect_dma source(%dma_start3A_241 : memref<100000xf32, #tpu.memory_space<hbm>>) target(%dma_start3A_233 : memref<4096xf32, #tpu.memory_space<vmem>>) offsets(%dma_start3A_236 : memref<4096xi32, #tpu.memory_space<vmem>>) semaphore(%arg7 : memref<!tpu.dma_semaphore, #tpu.memory_space<semaphore_mem>>)
    %add3A_242 = arith.constant 5 : i32
    %add3A_243 = arith.addi %mul3A_2, %add3A_242 : i32
    %jit3A_244 = arith.constant 16 : i32
    %div3A_245 = arith.divsi %add3A_243, %jit3A_244 : i32
    %sign3A_246 = arith.constant 0 : i32
    %sign3A_247 = arith.cmpi sgt, %add3A_243, %sign3A_246 : i32
    %sign3A_248 = arith.extui %sign3A_247 : i1 to i32
    %sign3A_249 = arith.constant 0 : i32
    %sign3A_250 = arith.cmpi slt, %add3A_243, %sign3A_249 : i32
    %sign3A_251 = arith.extui %sign3A_250 : i1 to i32
    %sign3A_252 = arith.subi %sign3A_248, %sign3A_251 : i32
    %sign3A_253 = arith.constant 0 : i32
    %sign3A_254 = arith.cmpi sgt, %jit3A_244, %sign3A_253 : i32
    %sign3A_255 = arith.extui %sign3A_254 : i1 to i32
    %sign3A_256 = arith.constant 0 : i32
    %sign3A_257 = arith.cmpi slt, %jit3A_244, %sign3A_256 : i32
    %sign3A_258 = arith.extui %sign3A_257 : i1 to i32
    %sign3A_259 = arith.subi %sign3A_255, %sign3A_258 : i32
    %ne3A_260 = arith.cmpi ne, %sign3A_252, %sign3A_259 : i32
    %rem3A_261 = arith.remsi %add3A_243, %jit3A_244 : i32
    %ne3A_262 = arith.constant 0 : i32
    %ne3A_263 = arith.cmpi ne, %rem3A_261, %ne3A_262 : i32
    %and3A_264 = arith.andi %ne3A_260, %ne3A_263 : i1
    %sub3A_265 = arith.constant 1 : i32
    %sub3A_266 = arith.subi %div3A_245, %sub3A_265 : i32
    %select_n3A_267 = arith.select %and3A_264, %sub3A_266, %div3A_245 : i32
    %sub3A_268 = arith.subi %select_n3A_267, %select_n3A : i32
    %dma_start3A_269 = arith.constant 5 : i32
    %dma_start3A_270 = arith.constant 0 : i32
    %dma_start3A_271 = tpu.memref_slice %arg6[%dma_start3A_269, %dma_start3A_270] : memref<13x4096xf32, #tpu.memory_space<vmem>> -> memref<1x4096xf32, #tpu.memory_space<vmem>>
    %dma_start3A_272 = tpu.memref_squeeze %dma_start3A_271 : memref<1x4096xf32, #tpu.memory_space<vmem>> -> memref<4096xf32, #tpu.memory_space<vmem>>
    %dma_start3A_273 = arith.constant 0 : i32
    %dma_start3A_274 = tpu.memref_slice %arg5[%sub3A_268, %dma_start3A_273] : memref<2x4096xi32, #tpu.memory_space<vmem>> -> memref<1x4096xi32, #tpu.memory_space<vmem>>
    %dma_start3A_275 = tpu.memref_squeeze %dma_start3A_274 : memref<1x4096xi32, #tpu.memory_space<vmem>> -> memref<4096xi32, #tpu.memory_space<vmem>>
    %dma_start3A_276 = arith.constant 0 : i32
    %dma_start3A_277 = tpu.memref_slice %arg2[%add3A_243, %dma_start3A_276] : memref<416x100000xf32, #tpu.memory_space<hbm>> -> memref<1x100000xf32, #tpu.memory_space<hbm>>
    %dma_start3A_278 = tpu.memref_squeeze %dma_start3A_277 : memref<1x100000xf32, #tpu.memory_space<hbm>> -> memref<100000xf32, #tpu.memory_space<hbm>>
    %dma_start3A_279 = arith.constant 0 : i32
    %dma_start3A_280 = tpu.memref_slice %dma_start3A_278[%dma_start3A_279] : memref<100000xf32, #tpu.memory_space<hbm>> -> memref<100000xf32, #tpu.memory_space<hbm>>
    tpu.enqueue_indirect_dma source(%dma_start3A_280 : memref<100000xf32, #tpu.memory_space<hbm>>) target(%dma_start3A_272 : memref<4096xf32, #tpu.memory_space<vmem>>) offsets(%dma_start3A_275 : memref<4096xi32, #tpu.memory_space<vmem>>) semaphore(%arg7 : memref<!tpu.dma_semaphore, #tpu.memory_space<semaphore_mem>>)
    %add3A_281 = arith.constant 6 : i32
    %add3A_282 = arith.addi %mul3A_2, %add3A_281 : i32
    %jit3A_283 = arith.constant 16 : i32
    %div3A_284 = arith.divsi %add3A_282, %jit3A_283 : i32
    %sign3A_285 = arith.constant 0 : i32
    %sign3A_286 = arith.cmpi sgt, %add3A_282, %sign3A_285 : i32
    %sign3A_287 = arith.extui %sign3A_286 : i1 to i32
    %sign3A_288 = arith.constant 0 : i32
    %sign3A_289 = arith.cmpi slt, %add3A_282, %sign3A_288 : i32
    %sign3A_290 = arith.extui %sign3A_289 : i1 to i32
    %sign3A_291 = arith.subi %sign3A_287, %sign3A_290 : i32
    %sign3A_292 = arith.constant 0 : i32
    %sign3A_293 = arith.cmpi sgt, %jit3A_283, %sign3A_292 : i32
    %sign3A_294 = arith.extui %sign3A_293 : i1 to i32
    %sign3A_295 = arith.constant 0 : i32
    %sign3A_296 = arith.cmpi slt, %jit3A_283, %sign3A_295 : i32
    %sign3A_297 = arith.extui %sign3A_296 : i1 to i32
    %sign3A_298 = arith.subi %sign3A_294, %sign3A_297 : i32
    %ne3A_299 = arith.cmpi ne, %sign3A_291, %sign3A_298 : i32
    %rem3A_300 = arith.remsi %add3A_282, %jit3A_283 : i32
    %ne3A_301 = arith.constant 0 : i32
    %ne3A_302 = arith.cmpi ne, %rem3A_300, %ne3A_301 : i32
    %and3A_303 = arith.andi %ne3A_299, %ne3A_302 : i1
    %sub3A_304 = arith.constant 1 : i32
    %sub3A_305 = arith.subi %div3A_284, %sub3A_304 : i32
    %select_n3A_306 = arith.select %and3A_303, %sub3A_305, %div3A_284 : i32
    %sub3A_307 = arith.subi %select_n3A_306, %select_n3A : i32
    %dma_start3A_308 = arith.constant 6 : i32
    %dma_start3A_309 = arith.constant 0 : i32
    %dma_start3A_310 = tpu.memref_slice %arg6[%dma_start3A_308, %dma_start3A_309] : memref<13x4096xf32, #tpu.memory_space<vmem>> -> memref<1x4096xf32, #tpu.memory_space<vmem>>
    %dma_start3A_311 = tpu.memref_squeeze %dma_start3A_310 : memref<1x4096xf32, #tpu.memory_space<vmem>> -> memref<4096xf32, #tpu.memory_space<vmem>>
    %dma_start3A_312 = arith.constant 0 : i32
    %dma_start3A_313 = tpu.memref_slice %arg5[%sub3A_307, %dma_start3A_312] : memref<2x4096xi32, #tpu.memory_space<vmem>> -> memref<1x4096xi32, #tpu.memory_space<vmem>>
    %dma_start3A_314 = tpu.memref_squeeze %dma_start3A_313 : memref<1x4096xi32, #tpu.memory_space<vmem>> -> memref<4096xi32, #tpu.memory_space<vmem>>
    %dma_start3A_315 = arith.constant 0 : i32
    %dma_start3A_316 = tpu.memref_slice %arg2[%add3A_282, %dma_start3A_315] : memref<416x100000xf32, #tpu.memory_space<hbm>> -> memref<1x100000xf32, #tpu.memory_space<hbm>>
    %dma_start3A_317 = tpu.memref_squeeze %dma_start3A_316 : memref<1x100000xf32, #tpu.memory_space<hbm>> -> memref<100000xf32, #tpu.memory_space<hbm>>
    %dma_start3A_318 = arith.constant 0 : i32
    %dma_start3A_319 = tpu.memref_slice %dma_start3A_317[%dma_start3A_318] : memref<100000xf32, #tpu.memory_space<hbm>> -> memref<100000xf32, #tpu.memory_space<hbm>>
    tpu.enqueue_indirect_dma source(%dma_start3A_319 : memref<100000xf32, #tpu.memory_space<hbm>>) target(%dma_start3A_311 : memref<4096xf32, #tpu.memory_space<vmem>>) offsets(%dma_start3A_314 : memref<4096xi32, #tpu.memory_space<vmem>>) semaphore(%arg7 : memref<!tpu.dma_semaphore, #tpu.memory_space<semaphore_mem>>)
    %add3A_320 = arith.constant 7 : i32
    %add3A_321 = arith.addi %mul3A_2, %add3A_320 : i32
    %jit3A_322 = arith.constant 16 : i32
    %div3A_323 = arith.divsi %add3A_321, %jit3A_322 : i32
    %sign3A_324 = arith.constant 0 : i32
    %sign3A_325 = arith.cmpi sgt, %add3A_321, %sign3A_324 : i32
    %sign3A_326 = arith.extui %sign3A_325 : i1 to i32
    %sign3A_327 = arith.constant 0 : i32
    %sign3A_328 = arith.cmpi slt, %add3A_321, %sign3A_327 : i32
    %sign3A_329 = arith.extui %sign3A_328 : i1 to i32
    %sign3A_330 = arith.subi %sign3A_326, %sign3A_329 : i32
    %sign3A_331 = arith.constant 0 : i32
    %sign3A_332 = arith.cmpi sgt, %jit3A_322, %sign3A_331 : i32
    %sign3A_333 = arith.extui %sign3A_332 : i1 to i32
    %sign3A_334 = arith.constant 0 : i32
    %sign3A_335 = arith.cmpi slt, %jit3A_322, %sign3A_334 : i32
    %sign3A_336 = arith.extui %sign3A_335 : i1 to i32
    %sign3A_337 = arith.subi %sign3A_333, %sign3A_336 : i32
    %ne3A_338 = arith.cmpi ne, %sign3A_330, %sign3A_337 : i32
    %rem3A_339 = arith.remsi %add3A_321, %jit3A_322 : i32
    %ne3A_340 = arith.constant 0 : i32
    %ne3A_341 = arith.cmpi ne, %rem3A_339, %ne3A_340 : i32
    %and3A_342 = arith.andi %ne3A_338, %ne3A_341 : i1
    %sub3A_343 = arith.constant 1 : i32
    %sub3A_344 = arith.subi %div3A_323, %sub3A_343 : i32
    %select_n3A_345 = arith.select %and3A_342, %sub3A_344, %div3A_323 : i32
    %sub3A_346 = arith.subi %select_n3A_345, %select_n3A : i32
    %dma_start3A_347 = arith.constant 7 : i32
    %dma_start3A_348 = arith.constant 0 : i32
    %dma_start3A_349 = tpu.memref_slice %arg6[%dma_start3A_347, %dma_start3A_348] : memref<13x4096xf32, #tpu.memory_space<vmem>> -> memref<1x4096xf32, #tpu.memory_space<vmem>>
    %dma_start3A_350 = tpu.memref_squeeze %dma_start3A_349 : memref<1x4096xf32, #tpu.memory_space<vmem>> -> memref<4096xf32, #tpu.memory_space<vmem>>
    %dma_start3A_351 = arith.constant 0 : i32
    %dma_start3A_352 = tpu.memref_slice %arg5[%sub3A_346, %dma_start3A_351] : memref<2x4096xi32, #tpu.memory_space<vmem>> -> memref<1x4096xi32, #tpu.memory_space<vmem>>
    %dma_start3A_353 = tpu.memref_squeeze %dma_start3A_352 : memref<1x4096xi32, #tpu.memory_space<vmem>> -> memref<4096xi32, #tpu.memory_space<vmem>>
    %dma_start3A_354 = arith.constant 0 : i32
    %dma_start3A_355 = tpu.memref_slice %arg2[%add3A_321, %dma_start3A_354] : memref<416x100000xf32, #tpu.memory_space<hbm>> -> memref<1x100000xf32, #tpu.memory_space<hbm>>
    %dma_start3A_356 = tpu.memref_squeeze %dma_start3A_355 : memref<1x100000xf32, #tpu.memory_space<hbm>> -> memref<100000xf32, #tpu.memory_space<hbm>>
    %dma_start3A_357 = arith.constant 0 : i32
    %dma_start3A_358 = tpu.memref_slice %dma_start3A_356[%dma_start3A_357] : memref<100000xf32, #tpu.memory_space<hbm>> -> memref<100000xf32, #tpu.memory_space<hbm>>
    tpu.enqueue_indirect_dma source(%dma_start3A_358 : memref<100000xf32, #tpu.memory_space<hbm>>) target(%dma_start3A_350 : memref<4096xf32, #tpu.memory_space<vmem>>) offsets(%dma_start3A_353 : memref<4096xi32, #tpu.memory_space<vmem>>) semaphore(%arg7 : memref<!tpu.dma_semaphore, #tpu.memory_space<semaphore_mem>>)
    %add3A_359 = arith.constant 8 : i32
    %add3A_360 = arith.addi %mul3A_2, %add3A_359 : i32
    %jit3A_361 = arith.constant 16 : i32
    %div3A_362 = arith.divsi %add3A_360, %jit3A_361 : i32
    %sign3A_363 = arith.constant 0 : i32
    %sign3A_364 = arith.cmpi sgt, %add3A_360, %sign3A_363 : i32
    %sign3A_365 = arith.extui %sign3A_364 : i1 to i32
    %sign3A_366 = arith.constant 0 : i32
    %sign3A_367 = arith.cmpi slt, %add3A_360, %sign3A_366 : i32
    %sign3A_368 = arith.extui %sign3A_367 : i1 to i32
    %sign3A_369 = arith.subi %sign3A_365, %sign3A_368 : i32
    %sign3A_370 = arith.constant 0 : i32
    %sign3A_371 = arith.cmpi sgt, %jit3A_361, %sign3A_370 : i32
    %sign3A_372 = arith.extui %sign3A_371 : i1 to i32
    %sign3A_373 = arith.constant 0 : i32
    %sign3A_374 = arith.cmpi slt, %jit3A_361, %sign3A_373 : i32
    %sign3A_375 = arith.extui %sign3A_374 : i1 to i32
    %sign3A_376 = arith.subi %sign3A_372, %sign3A_375 : i32
    %ne3A_377 = arith.cmpi ne, %sign3A_369, %sign3A_376 : i32
    %rem3A_378 = arith.remsi %add3A_360, %jit3A_361 : i32
    %ne3A_379 = arith.constant 0 : i32
    %ne3A_380 = arith.cmpi ne, %rem3A_378, %ne3A_379 : i32
    %and3A_381 = arith.andi %ne3A_377, %ne3A_380 : i1
    %sub3A_382 = arith.constant 1 : i32
    %sub3A_383 = arith.subi %div3A_362, %sub3A_382 : i32
    %select_n3A_384 = arith.select %and3A_381, %sub3A_383, %div3A_362 : i32
    %sub3A_385 = arith.subi %select_n3A_384, %select_n3A : i32
    %dma_start3A_386 = arith.constant 8 : i32
    %dma_start3A_387 = arith.constant 0 : i32
    %dma_start3A_388 = tpu.memref_slice %arg6[%dma_start3A_386, %dma_start3A_387] : memref<13x4096xf32, #tpu.memory_space<vmem>> -> memref<1x4096xf32, #tpu.memory_space<vmem>>
    %dma_start3A_389 = tpu.memref_squeeze %dma_start3A_388 : memref<1x4096xf32, #tpu.memory_space<vmem>> -> memref<4096xf32, #tpu.memory_space<vmem>>
    %dma_start3A_390 = arith.constant 0 : i32
    %dma_start3A_391 = tpu.memref_slice %arg5[%sub3A_385, %dma_start3A_390] : memref<2x4096xi32, #tpu.memory_space<vmem>> -> memref<1x4096xi32, #tpu.memory_space<vmem>>
    %dma_start3A_392 = tpu.memref_squeeze %dma_start3A_391 : memref<1x4096xi32, #tpu.memory_space<vmem>> -> memref<4096xi32, #tpu.memory_space<vmem>>
    %dma_start3A_393 = arith.constant 0 : i32
    %dma_start3A_394 = tpu.memref_slice %arg2[%add3A_360, %dma_start3A_393] : memref<416x100000xf32, #tpu.memory_space<hbm>> -> memref<1x100000xf32, #tpu.memory_space<hbm>>
    %dma_start3A_395 = tpu.memref_squeeze %dma_start3A_394 : memref<1x100000xf32, #tpu.memory_space<hbm>> -> memref<100000xf32, #tpu.memory_space<hbm>>
    %dma_start3A_396 = arith.constant 0 : i32
    %dma_start3A_397 = tpu.memref_slice %dma_start3A_395[%dma_start3A_396] : memref<100000xf32, #tpu.memory_space<hbm>> -> memref<100000xf32, #tpu.memory_space<hbm>>
    tpu.enqueue_indirect_dma source(%dma_start3A_397 : memref<100000xf32, #tpu.memory_space<hbm>>) target(%dma_start3A_389 : memref<4096xf32, #tpu.memory_space<vmem>>) offsets(%dma_start3A_392 : memref<4096xi32, #tpu.memory_space<vmem>>) semaphore(%arg7 : memref<!tpu.dma_semaphore, #tpu.memory_space<semaphore_mem>>)
    %add3A_398 = arith.constant 9 : i32
    %add3A_399 = arith.addi %mul3A_2, %add3A_398 : i32
    %jit3A_400 = arith.constant 16 : i32
    %div3A_401 = arith.divsi %add3A_399, %jit3A_400 : i32
    %sign3A_402 = arith.constant 0 : i32
    %sign3A_403 = arith.cmpi sgt, %add3A_399, %sign3A_402 : i32
    %sign3A_404 = arith.extui %sign3A_403 : i1 to i32
    %sign3A_405 = arith.constant 0 : i32
    %sign3A_406 = arith.cmpi slt, %add3A_399, %sign3A_405 : i32
    %sign3A_407 = arith.extui %sign3A_406 : i1 to i32
    %sign3A_408 = arith.subi %sign3A_404, %sign3A_407 : i32
    %sign3A_409 = arith.constant 0 : i32
    %sign3A_410 = arith.cmpi sgt, %jit3A_400, %sign3A_409 : i32
    %sign3A_411 = arith.extui %sign3A_410 : i1 to i32
    %sign3A_412 = arith.constant 0 : i32
    %sign3A_413 = arith.cmpi slt, %jit3A_400, %sign3A_412 : i32
    %sign3A_414 = arith.extui %sign3A_413 : i1 to i32
    %sign3A_415 = arith.subi %sign3A_411, %sign3A_414 : i32
    %ne3A_416 = arith.cmpi ne, %sign3A_408, %sign3A_415 : i32
    %rem3A_417 = arith.remsi %add3A_399, %jit3A_400 : i32
    %ne3A_418 = arith.constant 0 : i32
    %ne3A_419 = arith.cmpi ne, %rem3A_417, %ne3A_418 : i32
    %and3A_420 = arith.andi %ne3A_416, %ne3A_419 : i1
    %sub3A_421 = arith.constant 1 : i32
    %sub3A_422 = arith.subi %div3A_401, %sub3A_421 : i32
    %select_n3A_423 = arith.select %and3A_420, %sub3A_422, %div3A_401 : i32
    %sub3A_424 = arith.subi %select_n3A_423, %select_n3A : i32
    %dma_start3A_425 = arith.constant 9 : i32
    %dma_start3A_426 = arith.constant 0 : i32
    %dma_start3A_427 = tpu.memref_slice %arg6[%dma_start3A_425, %dma_start3A_426] : memref<13x4096xf32, #tpu.memory_space<vmem>> -> memref<1x4096xf32, #tpu.memory_space<vmem>>
    %dma_start3A_428 = tpu.memref_squeeze %dma_start3A_427 : memref<1x4096xf32, #tpu.memory_space<vmem>> -> memref<4096xf32, #tpu.memory_space<vmem>>
    %dma_start3A_429 = arith.constant 0 : i32
    %dma_start3A_430 = tpu.memref_slice %arg5[%sub3A_424, %dma_start3A_429] : memref<2x4096xi32, #tpu.memory_space<vmem>> -> memref<1x4096xi32, #tpu.memory_space<vmem>>
    %dma_start3A_431 = tpu.memref_squeeze %dma_start3A_430 : memref<1x4096xi32, #tpu.memory_space<vmem>> -> memref<4096xi32, #tpu.memory_space<vmem>>
    %dma_start3A_432 = arith.constant 0 : i32
    %dma_start3A_433 = tpu.memref_slice %arg2[%add3A_399, %dma_start3A_432] : memref<416x100000xf32, #tpu.memory_space<hbm>> -> memref<1x100000xf32, #tpu.memory_space<hbm>>
    %dma_start3A_434 = tpu.memref_squeeze %dma_start3A_433 : memref<1x100000xf32, #tpu.memory_space<hbm>> -> memref<100000xf32, #tpu.memory_space<hbm>>
    %dma_start3A_435 = arith.constant 0 : i32
    %dma_start3A_436 = tpu.memref_slice %dma_start3A_434[%dma_start3A_435] : memref<100000xf32, #tpu.memory_space<hbm>> -> memref<100000xf32, #tpu.memory_space<hbm>>
    tpu.enqueue_indirect_dma source(%dma_start3A_436 : memref<100000xf32, #tpu.memory_space<hbm>>) target(%dma_start3A_428 : memref<4096xf32, #tpu.memory_space<vmem>>) offsets(%dma_start3A_431 : memref<4096xi32, #tpu.memory_space<vmem>>) semaphore(%arg7 : memref<!tpu.dma_semaphore, #tpu.memory_space<semaphore_mem>>)
    %add3A_437 = arith.constant 10 : i32
    %add3A_438 = arith.addi %mul3A_2, %add3A_437 : i32
    %jit3A_439 = arith.constant 16 : i32
    %div3A_440 = arith.divsi %add3A_438, %jit3A_439 : i32
    %sign3A_441 = arith.constant 0 : i32
    %sign3A_442 = arith.cmpi sgt, %add3A_438, %sign3A_441 : i32
    %sign3A_443 = arith.extui %sign3A_442 : i1 to i32
    %sign3A_444 = arith.constant 0 : i32
    %sign3A_445 = arith.cmpi slt, %add3A_438, %sign3A_444 : i32
    %sign3A_446 = arith.extui %sign3A_445 : i1 to i32
    %sign3A_447 = arith.subi %sign3A_443, %sign3A_446 : i32
    %sign3A_448 = arith.constant 0 : i32
    %sign3A_449 = arith.cmpi sgt, %jit3A_439, %sign3A_448 : i32
    %sign3A_450 = arith.extui %sign3A_449 : i1 to i32
    %sign3A_451 = arith.constant 0 : i32
    %sign3A_452 = arith.cmpi slt, %jit3A_439, %sign3A_451 : i32
    %sign3A_453 = arith.extui %sign3A_452 : i1 to i32
    %sign3A_454 = arith.subi %sign3A_450, %sign3A_453 : i32
    %ne3A_455 = arith.cmpi ne, %sign3A_447, %sign3A_454 : i32
    %rem3A_456 = arith.remsi %add3A_438, %jit3A_439 : i32
    %ne3A_457 = arith.constant 0 : i32
    %ne3A_458 = arith.cmpi ne, %rem3A_456, %ne3A_457 : i32
    %and3A_459 = arith.andi %ne3A_455, %ne3A_458 : i1
    %sub3A_460 = arith.constant 1 : i32
    %sub3A_461 = arith.subi %div3A_440, %sub3A_460 : i32
    %select_n3A_462 = arith.select %and3A_459, %sub3A_461, %div3A_440 : i32
    %sub3A_463 = arith.subi %select_n3A_462, %select_n3A : i32
    %dma_start3A_464 = arith.constant 10 : i32
    %dma_start3A_465 = arith.constant 0 : i32
    %dma_start3A_466 = tpu.memref_slice %arg6[%dma_start3A_464, %dma_start3A_465] : memref<13x4096xf32, #tpu.memory_space<vmem>> -> memref<1x4096xf32, #tpu.memory_space<vmem>>
    %dma_start3A_467 = tpu.memref_squeeze %dma_start3A_466 : memref<1x4096xf32, #tpu.memory_space<vmem>> -> memref<4096xf32, #tpu.memory_space<vmem>>
    %dma_start3A_468 = arith.constant 0 : i32
    %dma_start3A_469 = tpu.memref_slice %arg5[%sub3A_463, %dma_start3A_468] : memref<2x4096xi32, #tpu.memory_space<vmem>> -> memref<1x4096xi32, #tpu.memory_space<vmem>>
    %dma_start3A_470 = tpu.memref_squeeze %dma_start3A_469 : memref<1x4096xi32, #tpu.memory_space<vmem>> -> memref<4096xi32, #tpu.memory_space<vmem>>
    %dma_start3A_471 = arith.constant 0 : i32
    %dma_start3A_472 = tpu.memref_slice %arg2[%add3A_438, %dma_start3A_471] : memref<416x100000xf32, #tpu.memory_space<hbm>> -> memref<1x100000xf32, #tpu.memory_space<hbm>>
    %dma_start3A_473 = tpu.memref_squeeze %dma_start3A_472 : memref<1x100000xf32, #tpu.memory_space<hbm>> -> memref<100000xf32, #tpu.memory_space<hbm>>
    %dma_start3A_474 = arith.constant 0 : i32
    %dma_start3A_475 = tpu.memref_slice %dma_start3A_473[%dma_start3A_474] : memref<100000xf32, #tpu.memory_space<hbm>> -> memref<100000xf32, #tpu.memory_space<hbm>>
    tpu.enqueue_indirect_dma source(%dma_start3A_475 : memref<100000xf32, #tpu.memory_space<hbm>>) target(%dma_start3A_467 : memref<4096xf32, #tpu.memory_space<vmem>>) offsets(%dma_start3A_470 : memref<4096xi32, #tpu.memory_space<vmem>>) semaphore(%arg7 : memref<!tpu.dma_semaphore, #tpu.memory_space<semaphore_mem>>)
    %add3A_476 = arith.constant 11 : i32
    %add3A_477 = arith.addi %mul3A_2, %add3A_476 : i32
    %jit3A_478 = arith.constant 16 : i32
    %div3A_479 = arith.divsi %add3A_477, %jit3A_478 : i32
    %sign3A_480 = arith.constant 0 : i32
    %sign3A_481 = arith.cmpi sgt, %add3A_477, %sign3A_480 : i32
    %sign3A_482 = arith.extui %sign3A_481 : i1 to i32
    %sign3A_483 = arith.constant 0 : i32
    %sign3A_484 = arith.cmpi slt, %add3A_477, %sign3A_483 : i32
    %sign3A_485 = arith.extui %sign3A_484 : i1 to i32
    %sign3A_486 = arith.subi %sign3A_482, %sign3A_485 : i32
    %sign3A_487 = arith.constant 0 : i32
    %sign3A_488 = arith.cmpi sgt, %jit3A_478, %sign3A_487 : i32
    %sign3A_489 = arith.extui %sign3A_488 : i1 to i32
    %sign3A_490 = arith.constant 0 : i32
    %sign3A_491 = arith.cmpi slt, %jit3A_478, %sign3A_490 : i32
    %sign3A_492 = arith.extui %sign3A_491 : i1 to i32
    %sign3A_493 = arith.subi %sign3A_489, %sign3A_492 : i32
    %ne3A_494 = arith.cmpi ne, %sign3A_486, %sign3A_493 : i32
    %rem3A_495 = arith.remsi %add3A_477, %jit3A_478 : i32
    %ne3A_496 = arith.constant 0 : i32
    %ne3A_497 = arith.cmpi ne, %rem3A_495, %ne3A_496 : i32
    %and3A_498 = arith.andi %ne3A_494, %ne3A_497 : i1
    %sub3A_499 = arith.constant 1 : i32
    %sub3A_500 = arith.subi %div3A_479, %sub3A_499 : i32
    %select_n3A_501 = arith.select %and3A_498, %sub3A_500, %div3A_479 : i32
    %sub3A_502 = arith.subi %select_n3A_501, %select_n3A : i32
    %dma_start3A_503 = arith.constant 11 : i32
    %dma_start3A_504 = arith.constant 0 : i32
    %dma_start3A_505 = tpu.memref_slice %arg6[%dma_start3A_503, %dma_start3A_504] : memref<13x4096xf32, #tpu.memory_space<vmem>> -> memref<1x4096xf32, #tpu.memory_space<vmem>>
    %dma_start3A_506 = tpu.memref_squeeze %dma_start3A_505 : memref<1x4096xf32, #tpu.memory_space<vmem>> -> memref<4096xf32, #tpu.memory_space<vmem>>
    %dma_start3A_507 = arith.constant 0 : i32
    %dma_start3A_508 = tpu.memref_slice %arg5[%sub3A_502, %dma_start3A_507] : memref<2x4096xi32, #tpu.memory_space<vmem>> -> memref<1x4096xi32, #tpu.memory_space<vmem>>
    %dma_start3A_509 = tpu.memref_squeeze %dma_start3A_508 : memref<1x4096xi32, #tpu.memory_space<vmem>> -> memref<4096xi32, #tpu.memory_space<vmem>>
    %dma_start3A_510 = arith.constant 0 : i32
    %dma_start3A_511 = tpu.memref_slice %arg2[%add3A_477, %dma_start3A_510] : memref<416x100000xf32, #tpu.memory_space<hbm>> -> memref<1x100000xf32, #tpu.memory_space<hbm>>
    %dma_start3A_512 = tpu.memref_squeeze %dma_start3A_511 : memref<1x100000xf32, #tpu.memory_space<hbm>> -> memref<100000xf32, #tpu.memory_space<hbm>>
    %dma_start3A_513 = arith.constant 0 : i32
    %dma_start3A_514 = tpu.memref_slice %dma_start3A_512[%dma_start3A_513] : memref<100000xf32, #tpu.memory_space<hbm>> -> memref<100000xf32, #tpu.memory_space<hbm>>
    tpu.enqueue_indirect_dma source(%dma_start3A_514 : memref<100000xf32, #tpu.memory_space<hbm>>) target(%dma_start3A_506 : memref<4096xf32, #tpu.memory_space<vmem>>) offsets(%dma_start3A_509 : memref<4096xi32, #tpu.memory_space<vmem>>) semaphore(%arg7 : memref<!tpu.dma_semaphore, #tpu.memory_space<semaphore_mem>>)
    %add3A_515 = arith.constant 12 : i32
    %add3A_516 = arith.addi %mul3A_2, %add3A_515 : i32
    %jit3A_517 = arith.constant 16 : i32
    %div3A_518 = arith.divsi %add3A_516, %jit3A_517 : i32
    %sign3A_519 = arith.constant 0 : i32
    %sign3A_520 = arith.cmpi sgt, %add3A_516, %sign3A_519 : i32
    %sign3A_521 = arith.extui %sign3A_520 : i1 to i32
    %sign3A_522 = arith.constant 0 : i32
    %sign3A_523 = arith.cmpi slt, %add3A_516, %sign3A_522 : i32
    %sign3A_524 = arith.extui %sign3A_523 : i1 to i32
    %sign3A_525 = arith.subi %sign3A_521, %sign3A_524 : i32
    %sign3A_526 = arith.constant 0 : i32
    %sign3A_527 = arith.cmpi sgt, %jit3A_517, %sign3A_526 : i32
    %sign3A_528 = arith.extui %sign3A_527 : i1 to i32
    %sign3A_529 = arith.constant 0 : i32
    %sign3A_530 = arith.cmpi slt, %jit3A_517, %sign3A_529 : i32
    %sign3A_531 = arith.extui %sign3A_530 : i1 to i32
    %sign3A_532 = arith.subi %sign3A_528, %sign3A_531 : i32
    %ne3A_533 = arith.cmpi ne, %sign3A_525, %sign3A_532 : i32
    %rem3A_534 = arith.remsi %add3A_516, %jit3A_517 : i32
    %ne3A_535 = arith.constant 0 : i32
    %ne3A_536 = arith.cmpi ne, %rem3A_534, %ne3A_535 : i32
    %and3A_537 = arith.andi %ne3A_533, %ne3A_536 : i1
    %sub3A_538 = arith.constant 1 : i32
    %sub3A_539 = arith.subi %div3A_518, %sub3A_538 : i32
    %select_n3A_540 = arith.select %and3A_537, %sub3A_539, %div3A_518 : i32
    %sub3A_541 = arith.subi %select_n3A_540, %select_n3A : i32
    %dma_start3A_542 = arith.constant 12 : i32
    %dma_start3A_543 = arith.constant 0 : i32
    %dma_start3A_544 = tpu.memref_slice %arg6[%dma_start3A_542, %dma_start3A_543] : memref<13x4096xf32, #tpu.memory_space<vmem>> -> memref<1x4096xf32, #tpu.memory_space<vmem>>
    %dma_start3A_545 = tpu.memref_squeeze %dma_start3A_544 : memref<1x4096xf32, #tpu.memory_space<vmem>> -> memref<4096xf32, #tpu.memory_space<vmem>>
    %dma_start3A_546 = arith.constant 0 : i32
    %dma_start3A_547 = tpu.memref_slice %arg5[%sub3A_541, %dma_start3A_546] : memref<2x4096xi32, #tpu.memory_space<vmem>> -> memref<1x4096xi32, #tpu.memory_space<vmem>>
    %dma_start3A_548 = tpu.memref_squeeze %dma_start3A_547 : memref<1x4096xi32, #tpu.memory_space<vmem>> -> memref<4096xi32, #tpu.memory_space<vmem>>
    %dma_start3A_549 = arith.constant 0 : i32
    %dma_start3A_550 = tpu.memref_slice %arg2[%add3A_516, %dma_start3A_549] : memref<416x100000xf32, #tpu.memory_space<hbm>> -> memref<1x100000xf32, #tpu.memory_space<hbm>>
    %dma_start3A_551 = tpu.memref_squeeze %dma_start3A_550 : memref<1x100000xf32, #tpu.memory_space<hbm>> -> memref<100000xf32, #tpu.memory_space<hbm>>
    %dma_start3A_552 = arith.constant 0 : i32
    %dma_start3A_553 = tpu.memref_slice %dma_start3A_551[%dma_start3A_552] : memref<100000xf32, #tpu.memory_space<hbm>> -> memref<100000xf32, #tpu.memory_space<hbm>>
    tpu.enqueue_indirect_dma source(%dma_start3A_553 : memref<100000xf32, #tpu.memory_space<hbm>>) target(%dma_start3A_545 : memref<4096xf32, #tpu.memory_space<vmem>>) offsets(%dma_start3A_548 : memref<4096xi32, #tpu.memory_space<vmem>>) semaphore(%arg7 : memref<!tpu.dma_semaphore, #tpu.memory_space<semaphore_mem>>)
    %dma_wait3A = arith.constant 0 : i32
    %dma_wait3A_554 = arith.constant 0 : i32
    %dma_wait3A_555 = tpu.memref_slice %arg6[%dma_wait3A, %dma_wait3A_554] : memref<13x4096xf32, #tpu.memory_space<vmem>> -> memref<1x4096xf32, #tpu.memory_space<vmem>>
    %dma_wait3A_556 = tpu.memref_squeeze %dma_wait3A_555 : memref<1x4096xf32, #tpu.memory_space<vmem>> -> memref<4096xf32, #tpu.memory_space<vmem>>
    %dma_wait3A_557 = arith.constant 0 : i32
    %dma_wait3A_558 = tpu.memref_slice %arg5[%sub3A_74, %dma_wait3A_557] : memref<2x4096xi32, #tpu.memory_space<vmem>> -> memref<1x4096xi32, #tpu.memory_space<vmem>>
    %dma_wait3A_559 = tpu.memref_squeeze %dma_wait3A_558 : memref<1x4096xi32, #tpu.memory_space<vmem>> -> memref<4096xi32, #tpu.memory_space<vmem>>
    %dma_wait3A_560 = arith.constant 0 : i32
    %dma_wait3A_561 = tpu.memref_slice %arg2[%add3A_49, %dma_wait3A_560] : memref<416x100000xf32, #tpu.memory_space<hbm>> -> memref<1x100000xf32, #tpu.memory_space<hbm>>
    %dma_wait3A_562 = tpu.memref_squeeze %dma_wait3A_561 : memref<1x100000xf32, #tpu.memory_space<hbm>> -> memref<100000xf32, #tpu.memory_space<hbm>>
    %dma_wait3A_563 = arith.constant 0 : i32
    %dma_wait3A_564 = tpu.memref_slice %dma_wait3A_562[%dma_wait3A_563] : memref<100000xf32, #tpu.memory_space<hbm>> -> memref<100000xf32, #tpu.memory_space<hbm>>
    tpu.wait_indirect_dma semaphore(%arg7 : memref<!tpu.dma_semaphore, #tpu.memory_space<semaphore_mem>>) src(%dma_wait3A_564 : memref<100000xf32, #tpu.memory_space<hbm>>) dst(%dma_wait3A_556 : memref<4096xf32, #tpu.memory_space<vmem>>)
    %dma_wait3A_565 = arith.constant 1 : i32
    %dma_wait3A_566 = arith.constant 0 : i32
    %dma_wait3A_567 = tpu.memref_slice %arg6[%dma_wait3A_565, %dma_wait3A_566] : memref<13x4096xf32, #tpu.memory_space<vmem>> -> memref<1x4096xf32, #tpu.memory_space<vmem>>
    %dma_wait3A_568 = tpu.memref_squeeze %dma_wait3A_567 : memref<1x4096xf32, #tpu.memory_space<vmem>> -> memref<4096xf32, #tpu.memory_space<vmem>>
    %dma_wait3A_569 = arith.constant 0 : i32
    %dma_wait3A_570 = tpu.memref_slice %arg5[%sub3A_112, %dma_wait3A_569] : memref<2x4096xi32, #tpu.memory_space<vmem>> -> memref<1x4096xi32, #tpu.memory_space<vmem>>
    %dma_wait3A_571 = tpu.memref_squeeze %dma_wait3A_570 : memref<1x4096xi32, #tpu.memory_space<vmem>> -> memref<4096xi32, #tpu.memory_space<vmem>>
    %dma_wait3A_572 = arith.constant 0 : i32
    %dma_wait3A_573 = tpu.memref_slice %arg2[%add3A_87, %dma_wait3A_572] : memref<416x100000xf32, #tpu.memory_space<hbm>> -> memref<1x100000xf32, #tpu.memory_space<hbm>>
    %dma_wait3A_574 = tpu.memref_squeeze %dma_wait3A_573 : memref<1x100000xf32, #tpu.memory_space<hbm>> -> memref<100000xf32, #tpu.memory_space<hbm>>
    %dma_wait3A_575 = arith.constant 0 : i32
    %dma_wait3A_576 = tpu.memref_slice %dma_wait3A_574[%dma_wait3A_575] : memref<100000xf32, #tpu.memory_space<hbm>> -> memref<100000xf32, #tpu.memory_space<hbm>>
    tpu.wait_indirect_dma semaphore(%arg7 : memref<!tpu.dma_semaphore, #tpu.memory_space<semaphore_mem>>) src(%dma_wait3A_576 : memref<100000xf32, #tpu.memory_space<hbm>>) dst(%dma_wait3A_568 : memref<4096xf32, #tpu.memory_space<vmem>>)
    %dma_wait3A_577 = arith.constant 2 : i32
    %dma_wait3A_578 = arith.constant 0 : i32
    %dma_wait3A_579 = tpu.memref_slice %arg6[%dma_wait3A_577, %dma_wait3A_578] : memref<13x4096xf32, #tpu.memory_space<vmem>> -> memref<1x4096xf32, #tpu.memory_space<vmem>>
    %dma_wait3A_580 = tpu.memref_squeeze %dma_wait3A_579 : memref<1x4096xf32, #tpu.memory_space<vmem>> -> memref<4096xf32, #tpu.memory_space<vmem>>
    %dma_wait3A_581 = arith.constant 0 : i32
    %dma_wait3A_582 = tpu.memref_slice %arg5[%sub3A_151, %dma_wait3A_581] : memref<2x4096xi32, #tpu.memory_space<vmem>> -> memref<1x4096xi32, #tpu.memory_space<vmem>>
    %dma_wait3A_583 = tpu.memref_squeeze %dma_wait3A_582 : memref<1x4096xi32, #tpu.memory_space<vmem>> -> memref<4096xi32, #tpu.memory_space<vmem>>
    %dma_wait3A_584 = arith.constant 0 : i32
    %dma_wait3A_585 = tpu.memref_slice %arg2[%add3A_126, %dma_wait3A_584] : memref<416x100000xf32, #tpu.memory_space<hbm>> -> memref<1x100000xf32, #tpu.memory_space<hbm>>
    %dma_wait3A_586 = tpu.memref_squeeze %dma_wait3A_585 : memref<1x100000xf32, #tpu.memory_space<hbm>> -> memref<100000xf32, #tpu.memory_space<hbm>>
    %dma_wait3A_587 = arith.constant 0 : i32
    %dma_wait3A_588 = tpu.memref_slice %dma_wait3A_586[%dma_wait3A_587] : memref<100000xf32, #tpu.memory_space<hbm>> -> memref<100000xf32, #tpu.memory_space<hbm>>
    tpu.wait_indirect_dma semaphore(%arg7 : memref<!tpu.dma_semaphore, #tpu.memory_space<semaphore_mem>>) src(%dma_wait3A_588 : memref<100000xf32, #tpu.memory_space<hbm>>) dst(%dma_wait3A_580 : memref<4096xf32, #tpu.memory_space<vmem>>)
    %dma_wait3A_589 = arith.constant 3 : i32
    %dma_wait3A_590 = arith.constant 0 : i32
    %dma_wait3A_591 = tpu.memref_slice %arg6[%dma_wait3A_589, %dma_wait3A_590] : memref<13x4096xf32, #tpu.memory_space<vmem>> -> memref<1x4096xf32, #tpu.memory_space<vmem>>
    %dma_wait3A_592 = tpu.memref_squeeze %dma_wait3A_591 : memref<1x4096xf32, #tpu.memory_space<vmem>> -> memref<4096xf32, #tpu.memory_space<vmem>>
    %dma_wait3A_593 = arith.constant 0 : i32
    %dma_wait3A_594 = tpu.memref_slice %arg5[%sub3A_190, %dma_wait3A_593] : memref<2x4096xi32, #tpu.memory_space<vmem>> -> memref<1x4096xi32, #tpu.memory_space<vmem>>
    %dma_wait3A_595 = tpu.memref_squeeze %dma_wait3A_594 : memref<1x4096xi32, #tpu.memory_space<vmem>> -> memref<4096xi32, #tpu.memory_space<vmem>>
    %dma_wait3A_596 = arith.constant 0 : i32
    %dma_wait3A_597 = tpu.memref_slice %arg2[%add3A_165, %dma_wait3A_596] : memref<416x100000xf32, #tpu.memory_space<hbm>> -> memref<1x100000xf32, #tpu.memory_space<hbm>>
    %dma_wait3A_598 = tpu.memref_squeeze %dma_wait3A_597 : memref<1x100000xf32, #tpu.memory_space<hbm>> -> memref<100000xf32, #tpu.memory_space<hbm>>
    %dma_wait3A_599 = arith.constant 0 : i32
    %dma_wait3A_600 = tpu.memref_slice %dma_wait3A_598[%dma_wait3A_599] : memref<100000xf32, #tpu.memory_space<hbm>> -> memref<100000xf32, #tpu.memory_space<hbm>>
    tpu.wait_indirect_dma semaphore(%arg7 : memref<!tpu.dma_semaphore, #tpu.memory_space<semaphore_mem>>) src(%dma_wait3A_600 : memref<100000xf32, #tpu.memory_space<hbm>>) dst(%dma_wait3A_592 : memref<4096xf32, #tpu.memory_space<vmem>>)
    %dma_wait3A_601 = arith.constant 4 : i32
    %dma_wait3A_602 = arith.constant 0 : i32
    %dma_wait3A_603 = tpu.memref_slice %arg6[%dma_wait3A_601, %dma_wait3A_602] : memref<13x4096xf32, #tpu.memory_space<vmem>> -> memref<1x4096xf32, #tpu.memory_space<vmem>>
    %dma_wait3A_604 = tpu.memref_squeeze %dma_wait3A_603 : memref<1x4096xf32, #tpu.memory_space<vmem>> -> memref<4096xf32, #tpu.memory_space<vmem>>
    %dma_wait3A_605 = arith.constant 0 : i32
    %dma_wait3A_606 = tpu.memref_slice %arg5[%sub3A_229, %dma_wait3A_605] : memref<2x4096xi32, #tpu.memory_space<vmem>> -> memref<1x4096xi32, #tpu.memory_space<vmem>>
    %dma_wait3A_607 = tpu.memref_squeeze %dma_wait3A_606 : memref<1x4096xi32, #tpu.memory_space<vmem>> -> memref<4096xi32, #tpu.memory_space<vmem>>
    %dma_wait3A_608 = arith.constant 0 : i32
    %dma_wait3A_609 = tpu.memref_slice %arg2[%add3A_204, %dma_wait3A_608] : memref<416x100000xf32, #tpu.memory_space<hbm>> -> memref<1x100000xf32, #tpu.memory_space<hbm>>
    %dma_wait3A_610 = tpu.memref_squeeze %dma_wait3A_609 : memref<1x100000xf32, #tpu.memory_space<hbm>> -> memref<100000xf32, #tpu.memory_space<hbm>>
    %dma_wait3A_611 = arith.constant 0 : i32
    %dma_wait3A_612 = tpu.memref_slice %dma_wait3A_610[%dma_wait3A_611] : memref<100000xf32, #tpu.memory_space<hbm>> -> memref<100000xf32, #tpu.memory_space<hbm>>
    tpu.wait_indirect_dma semaphore(%arg7 : memref<!tpu.dma_semaphore, #tpu.memory_space<semaphore_mem>>) src(%dma_wait3A_612 : memref<100000xf32, #tpu.memory_space<hbm>>) dst(%dma_wait3A_604 : memref<4096xf32, #tpu.memory_space<vmem>>)
    %dma_wait3A_613 = arith.constant 5 : i32
    %dma_wait3A_614 = arith.constant 0 : i32
    %dma_wait3A_615 = tpu.memref_slice %arg6[%dma_wait3A_613, %dma_wait3A_614] : memref<13x4096xf32, #tpu.memory_space<vmem>> -> memref<1x4096xf32, #tpu.memory_space<vmem>>
    %dma_wait3A_616 = tpu.memref_squeeze %dma_wait3A_615 : memref<1x4096xf32, #tpu.memory_space<vmem>> -> memref<4096xf32, #tpu.memory_space<vmem>>
    %dma_wait3A_617 = arith.constant 0 : i32
    %dma_wait3A_618 = tpu.memref_slice %arg5[%sub3A_268, %dma_wait3A_617] : memref<2x4096xi32, #tpu.memory_space<vmem>> -> memref<1x4096xi32, #tpu.memory_space<vmem>>
    %dma_wait3A_619 = tpu.memref_squeeze %dma_wait3A_618 : memref<1x4096xi32, #tpu.memory_space<vmem>> -> memref<4096xi32, #tpu.memory_space<vmem>>
    %dma_wait3A_620 = arith.constant 0 : i32
    %dma_wait3A_621 = tpu.memref_slice %arg2[%add3A_243, %dma_wait3A_620] : memref<416x100000xf32, #tpu.memory_space<hbm>> -> memref<1x100000xf32, #tpu.memory_space<hbm>>
    %dma_wait3A_622 = tpu.memref_squeeze %dma_wait3A_621 : memref<1x100000xf32, #tpu.memory_space<hbm>> -> memref<100000xf32, #tpu.memory_space<hbm>>
    %dma_wait3A_623 = arith.constant 0 : i32
    %dma_wait3A_624 = tpu.memref_slice %dma_wait3A_622[%dma_wait3A_623] : memref<100000xf32, #tpu.memory_space<hbm>> -> memref<100000xf32, #tpu.memory_space<hbm>>
    tpu.wait_indirect_dma semaphore(%arg7 : memref<!tpu.dma_semaphore, #tpu.memory_space<semaphore_mem>>) src(%dma_wait3A_624 : memref<100000xf32, #tpu.memory_space<hbm>>) dst(%dma_wait3A_616 : memref<4096xf32, #tpu.memory_space<vmem>>)
    %dma_wait3A_625 = arith.constant 6 : i32
    %dma_wait3A_626 = arith.constant 0 : i32
    %dma_wait3A_627 = tpu.memref_slice %arg6[%dma_wait3A_625, %dma_wait3A_626] : memref<13x4096xf32, #tpu.memory_space<vmem>> -> memref<1x4096xf32, #tpu.memory_space<vmem>>
    %dma_wait3A_628 = tpu.memref_squeeze %dma_wait3A_627 : memref<1x4096xf32, #tpu.memory_space<vmem>> -> memref<4096xf32, #tpu.memory_space<vmem>>
    %dma_wait3A_629 = arith.constant 0 : i32
    %dma_wait3A_630 = tpu.memref_slice %arg5[%sub3A_307, %dma_wait3A_629] : memref<2x4096xi32, #tpu.memory_space<vmem>> -> memref<1x4096xi32, #tpu.memory_space<vmem>>
    %dma_wait3A_631 = tpu.memref_squeeze %dma_wait3A_630 : memref<1x4096xi32, #tpu.memory_space<vmem>> -> memref<4096xi32, #tpu.memory_space<vmem>>
    %dma_wait3A_632 = arith.constant 0 : i32
    %dma_wait3A_633 = tpu.memref_slice %arg2[%add3A_282, %dma_wait3A_632] : memref<416x100000xf32, #tpu.memory_space<hbm>> -> memref<1x100000xf32, #tpu.memory_space<hbm>>
    %dma_wait3A_634 = tpu.memref_squeeze %dma_wait3A_633 : memref<1x100000xf32, #tpu.memory_space<hbm>> -> memref<100000xf32, #tpu.memory_space<hbm>>
    %dma_wait3A_635 = arith.constant 0 : i32
    %dma_wait3A_636 = tpu.memref_slice %dma_wait3A_634[%dma_wait3A_635] : memref<100000xf32, #tpu.memory_space<hbm>> -> memref<100000xf32, #tpu.memory_space<hbm>>
    tpu.wait_indirect_dma semaphore(%arg7 : memref<!tpu.dma_semaphore, #tpu.memory_space<semaphore_mem>>) src(%dma_wait3A_636 : memref<100000xf32, #tpu.memory_space<hbm>>) dst(%dma_wait3A_628 : memref<4096xf32, #tpu.memory_space<vmem>>)
    %dma_wait3A_637 = arith.constant 7 : i32
    %dma_wait3A_638 = arith.constant 0 : i32
    %dma_wait3A_639 = tpu.memref_slice %arg6[%dma_wait3A_637, %dma_wait3A_638] : memref<13x4096xf32, #tpu.memory_space<vmem>> -> memref<1x4096xf32, #tpu.memory_space<vmem>>
    %dma_wait3A_640 = tpu.memref_squeeze %dma_wait3A_639 : memref<1x4096xf32, #tpu.memory_space<vmem>> -> memref<4096xf32, #tpu.memory_space<vmem>>
    %dma_wait3A_641 = arith.constant 0 : i32
    %dma_wait3A_642 = tpu.memref_slice %arg5[%sub3A_346, %dma_wait3A_641] : memref<2x4096xi32, #tpu.memory_space<vmem>> -> memref<1x4096xi32, #tpu.memory_space<vmem>>
    %dma_wait3A_643 = tpu.memref_squeeze %dma_wait3A_642 : memref<1x4096xi32, #tpu.memory_space<vmem>> -> memref<4096xi32, #tpu.memory_space<vmem>>
    %dma_wait3A_644 = arith.constant 0 : i32
    %dma_wait3A_645 = tpu.memref_slice %arg2[%add3A_321, %dma_wait3A_644] : memref<416x100000xf32, #tpu.memory_space<hbm>> -> memref<1x100000xf32, #tpu.memory_space<hbm>>
    %dma_wait3A_646 = tpu.memref_squeeze %dma_wait3A_645 : memref<1x100000xf32, #tpu.memory_space<hbm>> -> memref<100000xf32, #tpu.memory_space<hbm>>
    %dma_wait3A_647 = arith.constant 0 : i32
    %dma_wait3A_648 = tpu.memref_slice %dma_wait3A_646[%dma_wait3A_647] : memref<100000xf32, #tpu.memory_space<hbm>> -> memref<100000xf32, #tpu.memory_space<hbm>>
    tpu.wait_indirect_dma semaphore(%arg7 : memref<!tpu.dma_semaphore, #tpu.memory_space<semaphore_mem>>) src(%dma_wait3A_648 : memref<100000xf32, #tpu.memory_space<hbm>>) dst(%dma_wait3A_640 : memref<4096xf32, #tpu.memory_space<vmem>>)
    %dma_wait3A_649 = arith.constant 8 : i32
    %dma_wait3A_650 = arith.constant 0 : i32
    %dma_wait3A_651 = tpu.memref_slice %arg6[%dma_wait3A_649, %dma_wait3A_650] : memref<13x4096xf32, #tpu.memory_space<vmem>> -> memref<1x4096xf32, #tpu.memory_space<vmem>>
    %dma_wait3A_652 = tpu.memref_squeeze %dma_wait3A_651 : memref<1x4096xf32, #tpu.memory_space<vmem>> -> memref<4096xf32, #tpu.memory_space<vmem>>
    %dma_wait3A_653 = arith.constant 0 : i32
    %dma_wait3A_654 = tpu.memref_slice %arg5[%sub3A_385, %dma_wait3A_653] : memref<2x4096xi32, #tpu.memory_space<vmem>> -> memref<1x4096xi32, #tpu.memory_space<vmem>>
    %dma_wait3A_655 = tpu.memref_squeeze %dma_wait3A_654 : memref<1x4096xi32, #tpu.memory_space<vmem>> -> memref<4096xi32, #tpu.memory_space<vmem>>
    %dma_wait3A_656 = arith.constant 0 : i32
    %dma_wait3A_657 = tpu.memref_slice %arg2[%add3A_360, %dma_wait3A_656] : memref<416x100000xf32, #tpu.memory_space<hbm>> -> memref<1x100000xf32, #tpu.memory_space<hbm>>
    %dma_wait3A_658 = tpu.memref_squeeze %dma_wait3A_657 : memref<1x100000xf32, #tpu.memory_space<hbm>> -> memref<100000xf32, #tpu.memory_space<hbm>>
    %dma_wait3A_659 = arith.constant 0 : i32
    %dma_wait3A_660 = tpu.memref_slice %dma_wait3A_658[%dma_wait3A_659] : memref<100000xf32, #tpu.memory_space<hbm>> -> memref<100000xf32, #tpu.memory_space<hbm>>
    tpu.wait_indirect_dma semaphore(%arg7 : memref<!tpu.dma_semaphore, #tpu.memory_space<semaphore_mem>>) src(%dma_wait3A_660 : memref<100000xf32, #tpu.memory_space<hbm>>) dst(%dma_wait3A_652 : memref<4096xf32, #tpu.memory_space<vmem>>)
    %dma_wait3A_661 = arith.constant 9 : i32
    %dma_wait3A_662 = arith.constant 0 : i32
    %dma_wait3A_663 = tpu.memref_slice %arg6[%dma_wait3A_661, %dma_wait3A_662] : memref<13x4096xf32, #tpu.memory_space<vmem>> -> memref<1x4096xf32, #tpu.memory_space<vmem>>
    %dma_wait3A_664 = tpu.memref_squeeze %dma_wait3A_663 : memref<1x4096xf32, #tpu.memory_space<vmem>> -> memref<4096xf32, #tpu.memory_space<vmem>>
    %dma_wait3A_665 = arith.constant 0 : i32
    %dma_wait3A_666 = tpu.memref_slice %arg5[%sub3A_424, %dma_wait3A_665] : memref<2x4096xi32, #tpu.memory_space<vmem>> -> memref<1x4096xi32, #tpu.memory_space<vmem>>
    %dma_wait3A_667 = tpu.memref_squeeze %dma_wait3A_666 : memref<1x4096xi32, #tpu.memory_space<vmem>> -> memref<4096xi32, #tpu.memory_space<vmem>>
    %dma_wait3A_668 = arith.constant 0 : i32
    %dma_wait3A_669 = tpu.memref_slice %arg2[%add3A_399, %dma_wait3A_668] : memref<416x100000xf32, #tpu.memory_space<hbm>> -> memref<1x100000xf32, #tpu.memory_space<hbm>>
    %dma_wait3A_670 = tpu.memref_squeeze %dma_wait3A_669 : memref<1x100000xf32, #tpu.memory_space<hbm>> -> memref<100000xf32, #tpu.memory_space<hbm>>
    %dma_wait3A_671 = arith.constant 0 : i32
    %dma_wait3A_672 = tpu.memref_slice %dma_wait3A_670[%dma_wait3A_671] : memref<100000xf32, #tpu.memory_space<hbm>> -> memref<100000xf32, #tpu.memory_space<hbm>>
    tpu.wait_indirect_dma semaphore(%arg7 : memref<!tpu.dma_semaphore, #tpu.memory_space<semaphore_mem>>) src(%dma_wait3A_672 : memref<100000xf32, #tpu.memory_space<hbm>>) dst(%dma_wait3A_664 : memref<4096xf32, #tpu.memory_space<vmem>>)
    %dma_wait3A_673 = arith.constant 10 : i32
    %dma_wait3A_674 = arith.constant 0 : i32
    %dma_wait3A_675 = tpu.memref_slice %arg6[%dma_wait3A_673, %dma_wait3A_674] : memref<13x4096xf32, #tpu.memory_space<vmem>> -> memref<1x4096xf32, #tpu.memory_space<vmem>>
    %dma_wait3A_676 = tpu.memref_squeeze %dma_wait3A_675 : memref<1x4096xf32, #tpu.memory_space<vmem>> -> memref<4096xf32, #tpu.memory_space<vmem>>
    %dma_wait3A_677 = arith.constant 0 : i32
    %dma_wait3A_678 = tpu.memref_slice %arg5[%sub3A_463, %dma_wait3A_677] : memref<2x4096xi32, #tpu.memory_space<vmem>> -> memref<1x4096xi32, #tpu.memory_space<vmem>>
    %dma_wait3A_679 = tpu.memref_squeeze %dma_wait3A_678 : memref<1x4096xi32, #tpu.memory_space<vmem>> -> memref<4096xi32, #tpu.memory_space<vmem>>
    %dma_wait3A_680 = arith.constant 0 : i32
    %dma_wait3A_681 = tpu.memref_slice %arg2[%add3A_438, %dma_wait3A_680] : memref<416x100000xf32, #tpu.memory_space<hbm>> -> memref<1x100000xf32, #tpu.memory_space<hbm>>
    %dma_wait3A_682 = tpu.memref_squeeze %dma_wait3A_681 : memref<1x100000xf32, #tpu.memory_space<hbm>> -> memref<100000xf32, #tpu.memory_space<hbm>>
    %dma_wait3A_683 = arith.constant 0 : i32
    %dma_wait3A_684 = tpu.memref_slice %dma_wait3A_682[%dma_wait3A_683] : memref<100000xf32, #tpu.memory_space<hbm>> -> memref<100000xf32, #tpu.memory_space<hbm>>
    tpu.wait_indirect_dma semaphore(%arg7 : memref<!tpu.dma_semaphore, #tpu.memory_space<semaphore_mem>>) src(%dma_wait3A_684 : memref<100000xf32, #tpu.memory_space<hbm>>) dst(%dma_wait3A_676 : memref<4096xf32, #tpu.memory_space<vmem>>)
    %dma_wait3A_685 = arith.constant 11 : i32
    %dma_wait3A_686 = arith.constant 0 : i32
    %dma_wait3A_687 = tpu.memref_slice %arg6[%dma_wait3A_685, %dma_wait3A_686] : memref<13x4096xf32, #tpu.memory_space<vmem>> -> memref<1x4096xf32, #tpu.memory_space<vmem>>
    %dma_wait3A_688 = tpu.memref_squeeze %dma_wait3A_687 : memref<1x4096xf32, #tpu.memory_space<vmem>> -> memref<4096xf32, #tpu.memory_space<vmem>>
    %dma_wait3A_689 = arith.constant 0 : i32
    %dma_wait3A_690 = tpu.memref_slice %arg5[%sub3A_502, %dma_wait3A_689] : memref<2x4096xi32, #tpu.memory_space<vmem>> -> memref<1x4096xi32, #tpu.memory_space<vmem>>
    %dma_wait3A_691 = tpu.memref_squeeze %dma_wait3A_690 : memref<1x4096xi32, #tpu.memory_space<vmem>> -> memref<4096xi32, #tpu.memory_space<vmem>>
    %dma_wait3A_692 = arith.constant 0 : i32
    %dma_wait3A_693 = tpu.memref_slice %arg2[%add3A_477, %dma_wait3A_692] : memref<416x100000xf32, #tpu.memory_space<hbm>> -> memref<1x100000xf32, #tpu.memory_space<hbm>>
    %dma_wait3A_694 = tpu.memref_squeeze %dma_wait3A_693 : memref<1x100000xf32, #tpu.memory_space<hbm>> -> memref<100000xf32, #tpu.memory_space<hbm>>
    %dma_wait3A_695 = arith.constant 0 : i32
    %dma_wait3A_696 = tpu.memref_slice %dma_wait3A_694[%dma_wait3A_695] : memref<100000xf32, #tpu.memory_space<hbm>> -> memref<100000xf32, #tpu.memory_space<hbm>>
    tpu.wait_indirect_dma semaphore(%arg7 : memref<!tpu.dma_semaphore, #tpu.memory_space<semaphore_mem>>) src(%dma_wait3A_696 : memref<100000xf32, #tpu.memory_space<hbm>>) dst(%dma_wait3A_688 : memref<4096xf32, #tpu.memory_space<vmem>>)
    %dma_wait3A_697 = arith.constant 12 : i32
    %dma_wait3A_698 = arith.constant 0 : i32
    %dma_wait3A_699 = tpu.memref_slice %arg6[%dma_wait3A_697, %dma_wait3A_698] : memref<13x4096xf32, #tpu.memory_space<vmem>> -> memref<1x4096xf32, #tpu.memory_space<vmem>>
    %dma_wait3A_700 = tpu.memref_squeeze %dma_wait3A_699 : memref<1x4096xf32, #tpu.memory_space<vmem>> -> memref<4096xf32, #tpu.memory_space<vmem>>
    %dma_wait3A_701 = arith.constant 0 : i32
    %dma_wait3A_702 = tpu.memref_slice %arg5[%sub3A_541, %dma_wait3A_701] : memref<2x4096xi32, #tpu.memory_space<vmem>> -> memref<1x4096xi32, #tpu.memory_space<vmem>>
    %dma_wait3A_703 = tpu.memref_squeeze %dma_wait3A_702 : memref<1x4096xi32, #tpu.memory_space<vmem>> -> memref<4096xi32, #tpu.memory_space<vmem>>
    %dma_wait3A_704 = arith.constant 0 : i32
    %dma_wait3A_705 = tpu.memref_slice %arg2[%add3A_516, %dma_wait3A_704] : memref<416x100000xf32, #tpu.memory_space<hbm>> -> memref<1x100000xf32, #tpu.memory_space<hbm>>
    %dma_wait3A_706 = tpu.memref_squeeze %dma_wait3A_705 : memref<1x100000xf32, #tpu.memory_space<hbm>> -> memref<100000xf32, #tpu.memory_space<hbm>>
    %dma_wait3A_707 = arith.constant 0 : i32
    %dma_wait3A_708 = tpu.memref_slice %dma_wait3A_706[%dma_wait3A_707] : memref<100000xf32, #tpu.memory_space<hbm>> -> memref<100000xf32, #tpu.memory_space<hbm>>
    tpu.wait_indirect_dma semaphore(%arg7 : memref<!tpu.dma_semaphore, #tpu.memory_space<semaphore_mem>>) src(%dma_wait3A_708 : memref<100000xf32, #tpu.memory_space<hbm>>) dst(%dma_wait3A_700 : memref<4096xf32, #tpu.memory_space<vmem>>)
    "tpu.region"() ({
      %run_scoped3A_709 = tpu.sem_alloc : memref<!tpu.dma_semaphore, #tpu.memory_space<semaphore_mem>>
      %dma_start3A_710 = arith.constant 0 : i32
      %dma_start3A_711 = tpu.memref_slice %arg4[%mul3A_2, %dma_start3A_710] : memref<416x4096xf32, #tpu.memory_space<hbm>> -> memref<13x4096xf32, #tpu.memory_space<hbm>>
      %dma_start3A_712 = arith.constant 0 : i32
      %dma_start3A_713 = tpu.memref_slice %arg4[%mul3A_2, %dma_start3A_712] : memref<416x4096xf32, #tpu.memory_space<hbm>> -> memref<13x4096xf32, #tpu.memory_space<hbm>>
      tpu.enqueue_dma source(%arg6 : memref<13x4096xf32, #tpu.memory_space<vmem>>) target(%dma_start3A_713 : memref<13x4096xf32, #tpu.memory_space<hbm>>) target_semaphore(%run_scoped3A_709 : memref<!tpu.dma_semaphore, #tpu.memory_space<semaphore_mem>>)
      %dma_wait3A_714 = arith.constant 0 : i32
      %dma_wait3A_715 = tpu.memref_slice %arg4[%mul3A_2, %dma_wait3A_714] : memref<416x4096xf32, #tpu.memory_space<hbm>> -> memref<13x4096xf32, #tpu.memory_space<hbm>>
      %dma_wait3A_716 = arith.constant 0 : i32
      %dma_wait3A_717 = tpu.memref_slice %arg4[%mul3A_2, %dma_wait3A_716] : memref<416x4096xf32, #tpu.memory_space<hbm>> -> memref<13x4096xf32, #tpu.memory_space<hbm>>
      tpu.wait_dma2 semaphore(%run_scoped3A_709 : memref<!tpu.dma_semaphore, #tpu.memory_space<semaphore_mem>>) src(%arg6 : memref<13x4096xf32, #tpu.memory_space<vmem>>) dst(%dma_wait3A_717 : memref<13x4096xf32, #tpu.memory_space<hbm>>)
      tpu.yield
    }) : () -> ()
    return
  }
}

#map = affine_map<(d0, d1) -> (0, 0)>
module attributes {stable_mosaic.version = 14 : i64} {
  func.func @k(%arg0: i32, %arg1: i32, %arg2: memref<416x100000xf32, #tpu.memory_space<hbm>>, %arg3: memref<26x4096xi32, #tpu.memory_space<hbm>>, %arg4: memref<416x4096xf32, #tpu.memory_space<hbm>>, %arg5: memref<2x4096xi32, #tpu.memory_space<vmem>>, %arg6: memref<13x4096xf32, #tpu.memory_space<vmem>>, %arg7: memref<!tpu.dma_semaphore, #tpu.memory_space<semaphore_mem>>) attributes {dimension_semantics = [#tpu.dimension_semantics<core_parallel>, #tpu.dimension_semantics<subcore_parallel>], iteration_bounds = array<i64: 2, 16>, scalar_prefetch = 0 : i64, scratch_operands = 3 : i64, tpu.core_type = #tpu.core_type<sc_vector_subcore>, window_params = [{transform_indices = #map}, {transform_indices = #map}, {transform_indices = #map}]} {
    %mul3A = arith.constant 2 : i32
    %mul3A_0 = arith.muli %arg1, %mul3A : i32
    %add3A = arith.addi %mul3A_0, %arg0 : i32
    %mul3A_1 = arith.constant 13 : i32
    %mul3A_2 = arith.muli %add3A, %mul3A_1 : i32
    %jit3A = arith.constant 16 : i32
    %div3A = arith.divsi %mul3A_2, %jit3A : i32
    %sign3A = arith.constant 0 : i32
    %sign3A_3 = arith.cmpi sgt, %mul3A_2, %sign3A : i32
    %sign3A_4 = arith.extui %sign3A_3 : i1 to i32
    %sign3A_5 = arith.constant 0 : i32
    %sign3A_6 = arith.cmpi slt, %mul3A_2, %sign3A_5 : i32
    %sign3A_7 = arith.extui %sign3A_6 : i1 to i32
    %sign3A_8 = arith.subi %sign3A_4, %sign3A_7 : i32
    %sign3A_9 = arith.constant 0 : i32
    %sign3A_10 = arith.cmpi sgt, %jit3A, %sign3A_9 : i32
    %sign3A_11 = arith.extui %sign3A_10 : i1 to i32
    %sign3A_12 = arith.constant 0 : i32
    %sign3A_13 = arith.cmpi slt, %jit3A, %sign3A_12 : i32
    %sign3A_14 = arith.extui %sign3A_13 : i1 to i32
    %sign3A_15 = arith.subi %sign3A_11, %sign3A_14 : i32
    %ne3A = arith.cmpi ne, %sign3A_8, %sign3A_15 : i32
    %rem3A = arith.remsi %mul3A_2, %jit3A : i32
    %ne3A_16 = arith.constant 0 : i32
    %ne3A_17 = arith.cmpi ne, %rem3A, %ne3A_16 : i32
    %and3A = arith.andi %ne3A, %ne3A_17 : i1
    %sub3A = arith.constant 1 : i32
    %sub3A_18 = arith.subi %div3A, %sub3A : i32
    %select_n3A = arith.select %and3A, %sub3A_18, %div3A : i32
    %add3A_19 = arith.constant 13 : i32
    %add3A_20 = arith.addi %mul3A_2, %add3A_19 : i32
    %sub3A_21 = arith.constant 1 : i32
    %sub3A_22 = arith.subi %add3A_20, %sub3A_21 : i32
    %jit3A_23 = arith.constant 16 : i32
    %div3A_24 = arith.divsi %sub3A_22, %jit3A_23 : i32
    %sign3A_25 = arith.constant 0 : i32
    %sign3A_26 = arith.cmpi sgt, %sub3A_22, %sign3A_25 : i32
    %sign3A_27 = arith.extui %sign3A_26 : i1 to i32
    %sign3A_28 = arith.constant 0 : i32
    %sign3A_29 = arith.cmpi slt, %sub3A_22, %sign3A_28 : i32
    %sign3A_30 = arith.extui %sign3A_29 : i1 to i32
    %sign3A_31 = arith.subi %sign3A_27, %sign3A_30 : i32
    %sign3A_32 = arith.constant 0 : i32
    %sign3A_33 = arith.cmpi sgt, %jit3A_23, %sign3A_32 : i32
    %sign3A_34 = arith.extui %sign3A_33 : i1 to i32
    %sign3A_35 = arith.constant 0 : i32
    %sign3A_36 = arith.cmpi slt, %jit3A_23, %sign3A_35 : i32
    %sign3A_37 = arith.extui %sign3A_36 : i1 to i32
    %sign3A_38 = arith.subi %sign3A_34, %sign3A_37 : i32
    %ne3A_39 = arith.cmpi ne, %sign3A_31, %sign3A_38 : i32
    %rem3A_40 = arith.remsi %sub3A_22, %jit3A_23 : i32
    %ne3A_41 = arith.constant 0 : i32
    %ne3A_42 = arith.cmpi ne, %rem3A_40, %ne3A_41 : i32
    %and3A_43 = arith.andi %ne3A_39, %ne3A_42 : i1
    %sub3A_44 = arith.constant 1 : i32
    %sub3A_45 = arith.subi %div3A_24, %sub3A_44 : i32
    %select_n3A_46 = arith.select %and3A_43, %sub3A_45, %div3A_24 : i32
    %run_scoped3A = arith.constant 0 : i32
    "tpu.region"() ({
      %run_scoped3A_709 = tpu.sem_alloc : memref<!tpu.dma_semaphore, #tpu.memory_space<semaphore_mem>>
      %dma_start3A_710 = arith.constant 0 : i32
      %dma_start3A_711 = tpu.memref_slice %arg5[%run_scoped3A, %dma_start3A_710] : memref<2x4096xi32, #tpu.memory_space<vmem>> -> memref<1x4096xi32, #tpu.memory_space<vmem>>
      %dma_start3A_712 = tpu.memref_squeeze %dma_start3A_711 : memref<1x4096xi32, #tpu.memory_space<vmem>> -> memref<4096xi32, #tpu.memory_space<vmem>>
      %dma_start3A_713 = arith.constant 0 : i32
      %dma_start3A_714 = tpu.memref_slice %arg3[%select_n3A, %dma_start3A_713] : memref<26x4096xi32, #tpu.memory_space<hbm>> -> memref<1x4096xi32, #tpu.memory_space<hbm>>
      %dma_start3A_715 = tpu.memref_squeeze %dma_start3A_714 : memref<1x4096xi32, #tpu.memory_space<hbm>> -> memref<4096xi32, #tpu.memory_space<hbm>>
      %dma_start3A_716 = arith.constant 0 : i32
      %dma_start3A_717 = tpu.memref_slice %arg5[%run_scoped3A, %dma_start3A_716] : memref<2x4096xi32, #tpu.memory_space<vmem>> -> memref<1x4096xi32, #tpu.memory_space<vmem>>
      %dma_start3A_718 = tpu.memref_squeeze %dma_start3A_717 : memref<1x4096xi32, #tpu.memory_space<vmem>> -> memref<4096xi32, #tpu.memory_space<vmem>>
      %dma_start3A_719 = arith.constant 0 : i32
      %dma_start3A_720 = tpu.memref_slice %arg3[%select_n3A, %dma_start3A_719] : memref<26x4096xi32, #tpu.memory_space<hbm>> -> memref<1x4096xi32, #tpu.memory_space<hbm>>
      %dma_start3A_721 = tpu.memref_squeeze %dma_start3A_720 : memref<1x4096xi32, #tpu.memory_space<hbm>> -> memref<4096xi32, #tpu.memory_space<hbm>>
      tpu.enqueue_dma source(%dma_start3A_721 : memref<4096xi32, #tpu.memory_space<hbm>>) target(%dma_start3A_718 : memref<4096xi32, #tpu.memory_space<vmem>>) target_semaphore(%run_scoped3A_709 : memref<!tpu.dma_semaphore, #tpu.memory_space<semaphore_mem>>)
      %dma_wait3A_722 = arith.constant 0 : i32
      %dma_wait3A_723 = tpu.memref_slice %arg5[%run_scoped3A, %dma_wait3A_722] : memref<2x4096xi32, #tpu.memory_space<vmem>> -> memref<1x4096xi32, #tpu.memory_space<vmem>>
      %dma_wait3A_724 = tpu.memref_squeeze %dma_wait3A_723 : memref<1x4096xi32, #tpu.memory_space<vmem>> -> memref<4096xi32, #tpu.memory_space<vmem>>
      %dma_wait3A_725 = arith.constant 0 : i32
      %dma_wait3A_726 = tpu.memref_slice %arg3[%select_n3A, %dma_wait3A_725] : memref<26x4096xi32, #tpu.memory_space<hbm>> -> memref<1x4096xi32, #tpu.memory_space<hbm>>
      %dma_wait3A_727 = tpu.memref_squeeze %dma_wait3A_726 : memref<1x4096xi32, #tpu.memory_space<hbm>> -> memref<4096xi32, #tpu.memory_space<hbm>>
      %dma_wait3A_728 = arith.constant 0 : i32
      %dma_wait3A_729 = tpu.memref_slice %arg5[%run_scoped3A, %dma_wait3A_728] : memref<2x4096xi32, #tpu.memory_space<vmem>> -> memref<1x4096xi32, #tpu.memory_space<vmem>>
      %dma_wait3A_730 = tpu.memref_squeeze %dma_wait3A_729 : memref<1x4096xi32, #tpu.memory_space<vmem>> -> memref<4096xi32, #tpu.memory_space<vmem>>
      %dma_wait3A_731 = arith.constant 0 : i32
      %dma_wait3A_732 = tpu.memref_slice %arg3[%select_n3A, %dma_wait3A_731] : memref<26x4096xi32, #tpu.memory_space<hbm>> -> memref<1x4096xi32, #tpu.memory_space<hbm>>
      %dma_wait3A_733 = tpu.memref_squeeze %dma_wait3A_732 : memref<1x4096xi32, #tpu.memory_space<hbm>> -> memref<4096xi32, #tpu.memory_space<hbm>>
      tpu.wait_dma2 semaphore(%run_scoped3A_709 : memref<!tpu.dma_semaphore, #tpu.memory_space<semaphore_mem>>) src(%dma_wait3A_733 : memref<4096xi32, #tpu.memory_space<hbm>>) dst(%dma_wait3A_730 : memref<4096xi32, #tpu.memory_space<vmem>>)
      tpu.yield
    }) : () -> ()
    %run_scoped3A_47 = arith.constant 1 : i32
    "tpu.region"() ({
      %run_scoped3A_709 = tpu.sem_alloc : memref<!tpu.dma_semaphore, #tpu.memory_space<semaphore_mem>>
      %dma_start3A_710 = arith.constant 0 : i32
      %dma_start3A_711 = tpu.memref_slice %arg5[%run_scoped3A_47, %dma_start3A_710] : memref<2x4096xi32, #tpu.memory_space<vmem>> -> memref<1x4096xi32, #tpu.memory_space<vmem>>
      %dma_start3A_712 = tpu.memref_squeeze %dma_start3A_711 : memref<1x4096xi32, #tpu.memory_space<vmem>> -> memref<4096xi32, #tpu.memory_space<vmem>>
      %dma_start3A_713 = arith.constant 0 : i32
      %dma_start3A_714 = tpu.memref_slice %arg3[%select_n3A_46, %dma_start3A_713] : memref<26x4096xi32, #tpu.memory_space<hbm>> -> memref<1x4096xi32, #tpu.memory_space<hbm>>
      %dma_start3A_715 = tpu.memref_squeeze %dma_start3A_714 : memref<1x4096xi32, #tpu.memory_space<hbm>> -> memref<4096xi32, #tpu.memory_space<hbm>>
      %dma_start3A_716 = arith.constant 0 : i32
      %dma_start3A_717 = tpu.memref_slice %arg5[%run_scoped3A_47, %dma_start3A_716] : memref<2x4096xi32, #tpu.memory_space<vmem>> -> memref<1x4096xi32, #tpu.memory_space<vmem>>
      %dma_start3A_718 = tpu.memref_squeeze %dma_start3A_717 : memref<1x4096xi32, #tpu.memory_space<vmem>> -> memref<4096xi32, #tpu.memory_space<vmem>>
      %dma_start3A_719 = arith.constant 0 : i32
      %dma_start3A_720 = tpu.memref_slice %arg3[%select_n3A_46, %dma_start3A_719] : memref<26x4096xi32, #tpu.memory_space<hbm>> -> memref<1x4096xi32, #tpu.memory_space<hbm>>
      %dma_start3A_721 = tpu.memref_squeeze %dma_start3A_720 : memref<1x4096xi32, #tpu.memory_space<hbm>> -> memref<4096xi32, #tpu.memory_space<hbm>>
      tpu.enqueue_dma source(%dma_start3A_721 : memref<4096xi32, #tpu.memory_space<hbm>>) target(%dma_start3A_718 : memref<4096xi32, #tpu.memory_space<vmem>>) target_semaphore(%run_scoped3A_709 : memref<!tpu.dma_semaphore, #tpu.memory_space<semaphore_mem>>)
      %dma_wait3A_722 = arith.constant 0 : i32
      %dma_wait3A_723 = tpu.memref_slice %arg5[%run_scoped3A_47, %dma_wait3A_722] : memref<2x4096xi32, #tpu.memory_space<vmem>> -> memref<1x4096xi32, #tpu.memory_space<vmem>>
      %dma_wait3A_724 = tpu.memref_squeeze %dma_wait3A_723 : memref<1x4096xi32, #tpu.memory_space<vmem>> -> memref<4096xi32, #tpu.memory_space<vmem>>
      %dma_wait3A_725 = arith.constant 0 : i32
      %dma_wait3A_726 = tpu.memref_slice %arg3[%select_n3A_46, %dma_wait3A_725] : memref<26x4096xi32, #tpu.memory_space<hbm>> -> memref<1x4096xi32, #tpu.memory_space<hbm>>
      %dma_wait3A_727 = tpu.memref_squeeze %dma_wait3A_726 : memref<1x4096xi32, #tpu.memory_space<hbm>> -> memref<4096xi32, #tpu.memory_space<hbm>>
      %dma_wait3A_728 = arith.constant 0 : i32
      %dma_wait3A_729 = tpu.memref_slice %arg5[%run_scoped3A_47, %dma_wait3A_728] : memref<2x4096xi32, #tpu.memory_space<vmem>> -> memref<1x4096xi32, #tpu.memory_space<vmem>>
      %dma_wait3A_730 = tpu.memref_squeeze %dma_wait3A_729 : memref<1x4096xi32, #tpu.memory_space<vmem>> -> memref<4096xi32, #tpu.memory_space<vmem>>
      %dma_wait3A_731 = arith.constant 0 : i32
      %dma_wait3A_732 = tpu.memref_slice %arg3[%select_n3A_46, %dma_wait3A_731] : memref<26x4096xi32, #tpu.memory_space<hbm>> -> memref<1x4096xi32, #tpu.memory_space<hbm>>
      %dma_wait3A_733 = tpu.memref_squeeze %dma_wait3A_732 : memref<1x4096xi32, #tpu.memory_space<hbm>> -> memref<4096xi32, #tpu.memory_space<hbm>>
      tpu.wait_dma2 semaphore(%run_scoped3A_709 : memref<!tpu.dma_semaphore, #tpu.memory_space<semaphore_mem>>) src(%dma_wait3A_733 : memref<4096xi32, #tpu.memory_space<hbm>>) dst(%dma_wait3A_730 : memref<4096xi32, #tpu.memory_space<vmem>>)
      tpu.yield
    }) : () -> ()
    %add3A_48 = arith.constant 0 : i32
    %add3A_49 = arith.addi %mul3A_2, %add3A_48 : i32
    %jit3A_50 = arith.constant 16 : i32
    %div3A_51 = arith.divsi %add3A_49, %jit3A_50 : i32
    %sign3A_52 = arith.constant 0 : i32
    %sign3A_53 = arith.cmpi sgt, %add3A_49, %sign3A_52 : i32
    %sign3A_54 = arith.extui %sign3A_53 : i1 to i32
    %sign3A_55 = arith.constant 0 : i32
    %sign3A_56 = arith.cmpi slt, %add3A_49, %sign3A_55 : i32
    %sign3A_57 = arith.extui %sign3A_56 : i1 to i32
    %sign3A_58 = arith.subi %sign3A_54, %sign3A_57 : i32
    %sign3A_59 = arith.constant 0 : i32
    %sign3A_60 = arith.cmpi sgt, %jit3A_50, %sign3A_59 : i32
    %sign3A_61 = arith.extui %sign3A_60 : i1 to i32
    %sign3A_62 = arith.constant 0 : i32
    %sign3A_63 = arith.cmpi slt, %jit3A_50, %sign3A_62 : i32
    %sign3A_64 = arith.extui %sign3A_63 : i1 to i32
    %sign3A_65 = arith.subi %sign3A_61, %sign3A_64 : i32
    %ne3A_66 = arith.cmpi ne, %sign3A_58, %sign3A_65 : i32
    %rem3A_67 = arith.remsi %add3A_49, %jit3A_50 : i32
    %ne3A_68 = arith.constant 0 : i32
    %ne3A_69 = arith.cmpi ne, %rem3A_67, %ne3A_68 : i32
    %and3A_70 = arith.andi %ne3A_66, %ne3A_69 : i1
    %sub3A_71 = arith.constant 1 : i32
    %sub3A_72 = arith.subi %div3A_51, %sub3A_71 : i32
    %select_n3A_73 = arith.select %and3A_70, %sub3A_72, %div3A_51 : i32
    %sub3A_74 = arith.subi %select_n3A_73, %select_n3A : i32
    %dma_start3A = arith.constant 0 : i32
    %dma_start3A_75 = arith.constant 0 : i32
    %dma_start3A_76 = tpu.memref_slice %arg6[%dma_start3A, %dma_start3A_75] : memref<13x4096xf32, #tpu.memory_space<vmem>> -> memref<1x4096xf32, #tpu.memory_space<vmem>>
    %dma_start3A_77 = tpu.memref_squeeze %dma_start3A_76 : memref<1x4096xf32, #tpu.memory_space<vmem>> -> memref<4096xf32, #tpu.memory_space<vmem>>
    %dma_start3A_78 = arith.constant 0 : i32
    %dma_start3A_79 = tpu.memref_slice %arg5[%sub3A_74, %dma_start3A_78] : memref<2x4096xi32, #tpu.memory_space<vmem>> -> memref<1x4096xi32, #tpu.memory_space<vmem>>
    %dma_start3A_80 = tpu.memref_squeeze %dma_start3A_79 : memref<1x4096xi32, #tpu.memory_space<vmem>> -> memref<4096xi32, #tpu.memory_space<vmem>>
    %dma_start3A_81 = arith.constant 0 : i32
    %dma_start3A_82 = tpu.memref_slice %arg2[%add3A_49, %dma_start3A_81] : memref<416x100000xf32, #tpu.memory_space<hbm>> -> memref<1x100000xf32, #tpu.memory_space<hbm>>
    %dma_start3A_83 = tpu.memref_squeeze %dma_start3A_82 : memref<1x100000xf32, #tpu.memory_space<hbm>> -> memref<100000xf32, #tpu.memory_space<hbm>>
    %dma_start3A_84 = arith.constant 0 : i32
    %dma_start3A_85 = tpu.memref_slice %dma_start3A_83[%dma_start3A_84] : memref<100000xf32, #tpu.memory_space<hbm>> -> memref<100000xf32, #tpu.memory_space<hbm>>
    tpu.enqueue_indirect_dma source(%dma_start3A_85 : memref<100000xf32, #tpu.memory_space<hbm>>) target(%dma_start3A_77 : memref<4096xf32, #tpu.memory_space<vmem>>) offsets(%dma_start3A_80 : memref<4096xi32, #tpu.memory_space<vmem>>) semaphore(%arg7 : memref<!tpu.dma_semaphore, #tpu.memory_space<semaphore_mem>>)
    %add3A_86 = arith.constant 1 : i32
    %add3A_87 = arith.addi %mul3A_2, %add3A_86 : i32
    %jit3A_88 = arith.constant 16 : i32
    %div3A_89 = arith.divsi %add3A_87, %jit3A_88 : i32
    %sign3A_90 = arith.constant 0 : i32
    %sign3A_91 = arith.cmpi sgt, %add3A_87, %sign3A_90 : i32
    %sign3A_92 = arith.extui %sign3A_91 : i1 to i32
    %sign3A_93 = arith.constant 0 : i32
    %sign3A_94 = arith.cmpi slt, %add3A_87, %sign3A_93 : i32
    %sign3A_95 = arith.extui %sign3A_94 : i1 to i32
    %sign3A_96 = arith.subi %sign3A_92, %sign3A_95 : i32
    %sign3A_97 = arith.constant 0 : i32
    %sign3A_98 = arith.cmpi sgt, %jit3A_88, %sign3A_97 : i32
    %sign3A_99 = arith.extui %sign3A_98 : i1 to i32
    %sign3A_100 = arith.constant 0 : i32
    %sign3A_101 = arith.cmpi slt, %jit3A_88, %sign3A_100 : i32
    %sign3A_102 = arith.extui %sign3A_101 : i1 to i32
    %sign3A_103 = arith.subi %sign3A_99, %sign3A_102 : i32
    %ne3A_104 = arith.cmpi ne, %sign3A_96, %sign3A_103 : i32
    %rem3A_105 = arith.remsi %add3A_87, %jit3A_88 : i32
    %ne3A_106 = arith.constant 0 : i32
    %ne3A_107 = arith.cmpi ne, %rem3A_105, %ne3A_106 : i32
    %and3A_108 = arith.andi %ne3A_104, %ne3A_107 : i1
    %sub3A_109 = arith.constant 1 : i32
    %sub3A_110 = arith.subi %div3A_89, %sub3A_109 : i32
    %select_n3A_111 = arith.select %and3A_108, %sub3A_110, %div3A_89 : i32
    %sub3A_112 = arith.subi %select_n3A_111, %select_n3A : i32
    %dma_start3A_113 = arith.constant 1 : i32
    %dma_start3A_114 = arith.constant 0 : i32
    %dma_start3A_115 = tpu.memref_slice %arg6[%dma_start3A_113, %dma_start3A_114] : memref<13x4096xf32, #tpu.memory_space<vmem>> -> memref<1x4096xf32, #tpu.memory_space<vmem>>
    %dma_start3A_116 = tpu.memref_squeeze %dma_start3A_115 : memref<1x4096xf32, #tpu.memory_space<vmem>> -> memref<4096xf32, #tpu.memory_space<vmem>>
    %dma_start3A_117 = arith.constant 0 : i32
    %dma_start3A_118 = tpu.memref_slice %arg5[%sub3A_112, %dma_start3A_117] : memref<2x4096xi32, #tpu.memory_space<vmem>> -> memref<1x4096xi32, #tpu.memory_space<vmem>>
    %dma_start3A_119 = tpu.memref_squeeze %dma_start3A_118 : memref<1x4096xi32, #tpu.memory_space<vmem>> -> memref<4096xi32, #tpu.memory_space<vmem>>
    %dma_start3A_120 = arith.constant 0 : i32
    %dma_start3A_121 = tpu.memref_slice %arg2[%add3A_87, %dma_start3A_120] : memref<416x100000xf32, #tpu.memory_space<hbm>> -> memref<1x100000xf32, #tpu.memory_space<hbm>>
    %dma_start3A_122 = tpu.memref_squeeze %dma_start3A_121 : memref<1x100000xf32, #tpu.memory_space<hbm>> -> memref<100000xf32, #tpu.memory_space<hbm>>
    %dma_start3A_123 = arith.constant 0 : i32
    %dma_start3A_124 = tpu.memref_slice %dma_start3A_122[%dma_start3A_123] : memref<100000xf32, #tpu.memory_space<hbm>> -> memref<100000xf32, #tpu.memory_space<hbm>>
    tpu.enqueue_indirect_dma source(%dma_start3A_124 : memref<100000xf32, #tpu.memory_space<hbm>>) target(%dma_start3A_116 : memref<4096xf32, #tpu.memory_space<vmem>>) offsets(%dma_start3A_119 : memref<4096xi32, #tpu.memory_space<vmem>>) semaphore(%arg7 : memref<!tpu.dma_semaphore, #tpu.memory_space<semaphore_mem>>)
    %add3A_125 = arith.constant 2 : i32
    %add3A_126 = arith.addi %mul3A_2, %add3A_125 : i32
    %jit3A_127 = arith.constant 16 : i32
    %div3A_128 = arith.divsi %add3A_126, %jit3A_127 : i32
    %sign3A_129 = arith.constant 0 : i32
    %sign3A_130 = arith.cmpi sgt, %add3A_126, %sign3A_129 : i32
    %sign3A_131 = arith.extui %sign3A_130 : i1 to i32
    %sign3A_132 = arith.constant 0 : i32
    %sign3A_133 = arith.cmpi slt, %add3A_126, %sign3A_132 : i32
    %sign3A_134 = arith.extui %sign3A_133 : i1 to i32
    %sign3A_135 = arith.subi %sign3A_131, %sign3A_134 : i32
    %sign3A_136 = arith.constant 0 : i32
    %sign3A_137 = arith.cmpi sgt, %jit3A_127, %sign3A_136 : i32
    %sign3A_138 = arith.extui %sign3A_137 : i1 to i32
    %sign3A_139 = arith.constant 0 : i32
    %sign3A_140 = arith.cmpi slt, %jit3A_127, %sign3A_139 : i32
    %sign3A_141 = arith.extui %sign3A_140 : i1 to i32
    %sign3A_142 = arith.subi %sign3A_138, %sign3A_141 : i32
    %ne3A_143 = arith.cmpi ne, %sign3A_135, %sign3A_142 : i32
    %rem3A_144 = arith.remsi %add3A_126, %jit3A_127 : i32
    %ne3A_145 = arith.constant 0 : i32
    %ne3A_146 = arith.cmpi ne, %rem3A_144, %ne3A_145 : i32
    %and3A_147 = arith.andi %ne3A_143, %ne3A_146 : i1
    %sub3A_148 = arith.constant 1 : i32
    %sub3A_149 = arith.subi %div3A_128, %sub3A_148 : i32
    %select_n3A_150 = arith.select %and3A_147, %sub3A_149, %div3A_128 : i32
    %sub3A_151 = arith.subi %select_n3A_150, %select_n3A : i32
    %dma_start3A_152 = arith.constant 2 : i32
    %dma_start3A_153 = arith.constant 0 : i32
    %dma_start3A_154 = tpu.memref_slice %arg6[%dma_start3A_152, %dma_start3A_153] : memref<13x4096xf32, #tpu.memory_space<vmem>> -> memref<1x4096xf32, #tpu.memory_space<vmem>>
    %dma_start3A_155 = tpu.memref_squeeze %dma_start3A_154 : memref<1x4096xf32, #tpu.memory_space<vmem>> -> memref<4096xf32, #tpu.memory_space<vmem>>
    %dma_start3A_156 = arith.constant 0 : i32
    %dma_start3A_157 = tpu.memref_slice %arg5[%sub3A_151, %dma_start3A_156] : memref<2x4096xi32, #tpu.memory_space<vmem>> -> memref<1x4096xi32, #tpu.memory_space<vmem>>
    %dma_start3A_158 = tpu.memref_squeeze %dma_start3A_157 : memref<1x4096xi32, #tpu.memory_space<vmem>> -> memref<4096xi32, #tpu.memory_space<vmem>>
    %dma_start3A_159 = arith.constant 0 : i32
    %dma_start3A_160 = tpu.memref_slice %arg2[%add3A_126, %dma_start3A_159] : memref<416x100000xf32, #tpu.memory_space<hbm>> -> memref<1x100000xf32, #tpu.memory_space<hbm>>
    %dma_start3A_161 = tpu.memref_squeeze %dma_start3A_160 : memref<1x100000xf32, #tpu.memory_space<hbm>> -> memref<100000xf32, #tpu.memory_space<hbm>>
    %dma_start3A_162 = arith.constant 0 : i32
    %dma_start3A_163 = tpu.memref_slice %dma_start3A_161[%dma_start3A_162] : memref<100000xf32, #tpu.memory_space<hbm>> -> memref<100000xf32, #tpu.memory_space<hbm>>
    tpu.enqueue_indirect_dma source(%dma_start3A_163 : memref<100000xf32, #tpu.memory_space<hbm>>) target(%dma_start3A_155 : memref<4096xf32, #tpu.memory_space<vmem>>) offsets(%dma_start3A_158 : memref<4096xi32, #tpu.memory_space<vmem>>) semaphore(%arg7 : memref<!tpu.dma_semaphore, #tpu.memory_space<semaphore_mem>>)
    %add3A_164 = arith.constant 3 : i32
    %add3A_165 = arith.addi %mul3A_2, %add3A_164 : i32
    %jit3A_166 = arith.constant 16 : i32
    %div3A_167 = arith.divsi %add3A_165, %jit3A_166 : i32
    %sign3A_168 = arith.constant 0 : i32
    %sign3A_169 = arith.cmpi sgt, %add3A_165, %sign3A_168 : i32
    %sign3A_170 = arith.extui %sign3A_169 : i1 to i32
    %sign3A_171 = arith.constant 0 : i32
    %sign3A_172 = arith.cmpi slt, %add3A_165, %sign3A_171 : i32
    %sign3A_173 = arith.extui %sign3A_172 : i1 to i32
    %sign3A_174 = arith.subi %sign3A_170, %sign3A_173 : i32
    %sign3A_175 = arith.constant 0 : i32
    %sign3A_176 = arith.cmpi sgt, %jit3A_166, %sign3A_175 : i32
    %sign3A_177 = arith.extui %sign3A_176 : i1 to i32
    %sign3A_178 = arith.constant 0 : i32
    %sign3A_179 = arith.cmpi slt, %jit3A_166, %sign3A_178 : i32
    %sign3A_180 = arith.extui %sign3A_179 : i1 to i32
    %sign3A_181 = arith.subi %sign3A_177, %sign3A_180 : i32
    %ne3A_182 = arith.cmpi ne, %sign3A_174, %sign3A_181 : i32
    %rem3A_183 = arith.remsi %add3A_165, %jit3A_166 : i32
    %ne3A_184 = arith.constant 0 : i32
    %ne3A_185 = arith.cmpi ne, %rem3A_183, %ne3A_184 : i32
    %and3A_186 = arith.andi %ne3A_182, %ne3A_185 : i1
    %sub3A_187 = arith.constant 1 : i32
    %sub3A_188 = arith.subi %div3A_167, %sub3A_187 : i32
    %select_n3A_189 = arith.select %and3A_186, %sub3A_188, %div3A_167 : i32
    %sub3A_190 = arith.subi %select_n3A_189, %select_n3A : i32
    %dma_start3A_191 = arith.constant 3 : i32
    %dma_start3A_192 = arith.constant 0 : i32
    %dma_start3A_193 = tpu.memref_slice %arg6[%dma_start3A_191, %dma_start3A_192] : memref<13x4096xf32, #tpu.memory_space<vmem>> -> memref<1x4096xf32, #tpu.memory_space<vmem>>
    %dma_start3A_194 = tpu.memref_squeeze %dma_start3A_193 : memref<1x4096xf32, #tpu.memory_space<vmem>> -> memref<4096xf32, #tpu.memory_space<vmem>>
    %dma_start3A_195 = arith.constant 0 : i32
    %dma_start3A_196 = tpu.memref_slice %arg5[%sub3A_190, %dma_start3A_195] : memref<2x4096xi32, #tpu.memory_space<vmem>> -> memref<1x4096xi32, #tpu.memory_space<vmem>>
    %dma_start3A_197 = tpu.memref_squeeze %dma_start3A_196 : memref<1x4096xi32, #tpu.memory_space<vmem>> -> memref<4096xi32, #tpu.memory_space<vmem>>
    %dma_start3A_198 = arith.constant 0 : i32
    %dma_start3A_199 = tpu.memref_slice %arg2[%add3A_165, %dma_start3A_198] : memref<416x100000xf32, #tpu.memory_space<hbm>> -> memref<1x100000xf32, #tpu.memory_space<hbm>>
    %dma_start3A_200 = tpu.memref_squeeze %dma_start3A_199 : memref<1x100000xf32, #tpu.memory_space<hbm>> -> memref<100000xf32, #tpu.memory_space<hbm>>
    %dma_start3A_201 = arith.constant 0 : i32
    %dma_start3A_202 = tpu.memref_slice %dma_start3A_200[%dma_start3A_201] : memref<100000xf32, #tpu.memory_space<hbm>> -> memref<100000xf32, #tpu.memory_space<hbm>>
    tpu.enqueue_indirect_dma source(%dma_start3A_202 : memref<100000xf32, #tpu.memory_space<hbm>>) target(%dma_start3A_194 : memref<4096xf32, #tpu.memory_space<vmem>>) offsets(%dma_start3A_197 : memref<4096xi32, #tpu.memory_space<vmem>>) semaphore(%arg7 : memref<!tpu.dma_semaphore, #tpu.memory_space<semaphore_mem>>)
    %add3A_203 = arith.constant 4 : i32
    %add3A_204 = arith.addi %mul3A_2, %add3A_203 : i32
    %jit3A_205 = arith.constant 16 : i32
    %div3A_206 = arith.divsi %add3A_204, %jit3A_205 : i32
    %sign3A_207 = arith.constant 0 : i32
    %sign3A_208 = arith.cmpi sgt, %add3A_204, %sign3A_207 : i32
    %sign3A_209 = arith.extui %sign3A_208 : i1 to i32
    %sign3A_210 = arith.constant 0 : i32
    %sign3A_211 = arith.cmpi slt, %add3A_204, %sign3A_210 : i32
    %sign3A_212 = arith.extui %sign3A_211 : i1 to i32
    %sign3A_213 = arith.subi %sign3A_209, %sign3A_212 : i32
    %sign3A_214 = arith.constant 0 : i32
    %sign3A_215 = arith.cmpi sgt, %jit3A_205, %sign3A_214 : i32
    %sign3A_216 = arith.extui %sign3A_215 : i1 to i32
    %sign3A_217 = arith.constant 0 : i32
    %sign3A_218 = arith.cmpi slt, %jit3A_205, %sign3A_217 : i32
    %sign3A_219 = arith.extui %sign3A_218 : i1 to i32
    %sign3A_220 = arith.subi %sign3A_216, %sign3A_219 : i32
    %ne3A_221 = arith.cmpi ne, %sign3A_213, %sign3A_220 : i32
    %rem3A_222 = arith.remsi %add3A_204, %jit3A_205 : i32
    %ne3A_223 = arith.constant 0 : i32
    %ne3A_224 = arith.cmpi ne, %rem3A_222, %ne3A_223 : i32
    %and3A_225 = arith.andi %ne3A_221, %ne3A_224 : i1
    %sub3A_226 = arith.constant 1 : i32
    %sub3A_227 = arith.subi %div3A_206, %sub3A_226 : i32
    %select_n3A_228 = arith.select %and3A_225, %sub3A_227, %div3A_206 : i32
    %sub3A_229 = arith.subi %select_n3A_228, %select_n3A : i32
    %dma_start3A_230 = arith.constant 4 : i32
    %dma_start3A_231 = arith.constant 0 : i32
    %dma_start3A_232 = tpu.memref_slice %arg6[%dma_start3A_230, %dma_start3A_231] : memref<13x4096xf32, #tpu.memory_space<vmem>> -> memref<1x4096xf32, #tpu.memory_space<vmem>>
    %dma_start3A_233 = tpu.memref_squeeze %dma_start3A_232 : memref<1x4096xf32, #tpu.memory_space<vmem>> -> memref<4096xf32, #tpu.memory_space<vmem>>
    %dma_start3A_234 = arith.constant 0 : i32
    %dma_start3A_235 = tpu.memref_slice %arg5[%sub3A_229, %dma_start3A_234] : memref<2x4096xi32, #tpu.memory_space<vmem>> -> memref<1x4096xi32, #tpu.memory_space<vmem>>
    %dma_start3A_236 = tpu.memref_squeeze %dma_start3A_235 : memref<1x4096xi32, #tpu.memory_space<vmem>> -> memref<4096xi32, #tpu.memory_space<vmem>>
    %dma_start3A_237 = arith.constant 0 : i32
    %dma_start3A_238 = tpu.memref_slice %arg2[%add3A_204, %dma_start3A_237] : memref<416x100000xf32, #tpu.memory_space<hbm>> -> memref<1x100000xf32, #tpu.memory_space<hbm>>
    %dma_start3A_239 = tpu.memref_squeeze %dma_start3A_238 : memref<1x100000xf32, #tpu.memory_space<hbm>> -> memref<100000xf32, #tpu.memory_space<hbm>>
    %dma_start3A_240 = arith.constant 0 : i32
    %dma_start3A_241 = tpu.memref_slice %dma_start3A_239[%dma_start3A_240] : memref<100000xf32, #tpu.memory_space<hbm>> -> memref<100000xf32, #tpu.memory_space<hbm>>
    tpu.enqueue_indirect_dma source(%dma_start3A_241 : memref<100000xf32, #tpu.memory_space<hbm>>) target(%dma_start3A_233 : memref<4096xf32, #tpu.memory_space<vmem>>) offsets(%dma_start3A_236 : memref<4096xi32, #tpu.memory_space<vmem>>) semaphore(%arg7 : memref<!tpu.dma_semaphore, #tpu.memory_space<semaphore_mem>>)
    %add3A_242 = arith.constant 5 : i32
    %add3A_243 = arith.addi %mul3A_2, %add3A_242 : i32
    %jit3A_244 = arith.constant 16 : i32
    %div3A_245 = arith.divsi %add3A_243, %jit3A_244 : i32
    %sign3A_246 = arith.constant 0 : i32
    %sign3A_247 = arith.cmpi sgt, %add3A_243, %sign3A_246 : i32
    %sign3A_248 = arith.extui %sign3A_247 : i1 to i32
    %sign3A_249 = arith.constant 0 : i32
    %sign3A_250 = arith.cmpi slt, %add3A_243, %sign3A_249 : i32
    %sign3A_251 = arith.extui %sign3A_250 : i1 to i32
    %sign3A_252 = arith.subi %sign3A_248, %sign3A_251 : i32
    %sign3A_253 = arith.constant 0 : i32
    %sign3A_254 = arith.cmpi sgt, %jit3A_244, %sign3A_253 : i32
    %sign3A_255 = arith.extui %sign3A_254 : i1 to i32
    %sign3A_256 = arith.constant 0 : i32
    %sign3A_257 = arith.cmpi slt, %jit3A_244, %sign3A_256 : i32
    %sign3A_258 = arith.extui %sign3A_257 : i1 to i32
    %sign3A_259 = arith.subi %sign3A_255, %sign3A_258 : i32
    %ne3A_260 = arith.cmpi ne, %sign3A_252, %sign3A_259 : i32
    %rem3A_261 = arith.remsi %add3A_243, %jit3A_244 : i32
    %ne3A_262 = arith.constant 0 : i32
    %ne3A_263 = arith.cmpi ne, %rem3A_261, %ne3A_262 : i32
    %and3A_264 = arith.andi %ne3A_260, %ne3A_263 : i1
    %sub3A_265 = arith.constant 1 : i32
    %sub3A_266 = arith.subi %div3A_245, %sub3A_265 : i32
    %select_n3A_267 = arith.select %and3A_264, %sub3A_266, %div3A_245 : i32
    %sub3A_268 = arith.subi %select_n3A_267, %select_n3A : i32
    %dma_start3A_269 = arith.constant 5 : i32
    %dma_start3A_270 = arith.constant 0 : i32
    %dma_start3A_271 = tpu.memref_slice %arg6[%dma_start3A_269, %dma_start3A_270] : memref<13x4096xf32, #tpu.memory_space<vmem>> -> memref<1x4096xf32, #tpu.memory_space<vmem>>
    %dma_start3A_272 = tpu.memref_squeeze %dma_start3A_271 : memref<1x4096xf32, #tpu.memory_space<vmem>> -> memref<4096xf32, #tpu.memory_space<vmem>>
    %dma_start3A_273 = arith.constant 0 : i32
    %dma_start3A_274 = tpu.memref_slice %arg5[%sub3A_268, %dma_start3A_273] : memref<2x4096xi32, #tpu.memory_space<vmem>> -> memref<1x4096xi32, #tpu.memory_space<vmem>>
    %dma_start3A_275 = tpu.memref_squeeze %dma_start3A_274 : memref<1x4096xi32, #tpu.memory_space<vmem>> -> memref<4096xi32, #tpu.memory_space<vmem>>
    %dma_start3A_276 = arith.constant 0 : i32
    %dma_start3A_277 = tpu.memref_slice %arg2[%add3A_243, %dma_start3A_276] : memref<416x100000xf32, #tpu.memory_space<hbm>> -> memref<1x100000xf32, #tpu.memory_space<hbm>>
    %dma_start3A_278 = tpu.memref_squeeze %dma_start3A_277 : memref<1x100000xf32, #tpu.memory_space<hbm>> -> memref<100000xf32, #tpu.memory_space<hbm>>
    %dma_start3A_279 = arith.constant 0 : i32
    %dma_start3A_280 = tpu.memref_slice %dma_start3A_278[%dma_start3A_279] : memref<100000xf32, #tpu.memory_space<hbm>> -> memref<100000xf32, #tpu.memory_space<hbm>>
    tpu.enqueue_indirect_dma source(%dma_start3A_280 : memref<100000xf32, #tpu.memory_space<hbm>>) target(%dma_start3A_272 : memref<4096xf32, #tpu.memory_space<vmem>>) offsets(%dma_start3A_275 : memref<4096xi32, #tpu.memory_space<vmem>>) semaphore(%arg7 : memref<!tpu.dma_semaphore, #tpu.memory_space<semaphore_mem>>)
    %add3A_281 = arith.constant 6 : i32
    %add3A_282 = arith.addi %mul3A_2, %add3A_281 : i32
    %jit3A_283 = arith.constant 16 : i32
    %div3A_284 = arith.divsi %add3A_282, %jit3A_283 : i32
    %sign3A_285 = arith.constant 0 : i32
    %sign3A_286 = arith.cmpi sgt, %add3A_282, %sign3A_285 : i32
    %sign3A_287 = arith.extui %sign3A_286 : i1 to i32
    %sign3A_288 = arith.constant 0 : i32
    %sign3A_289 = arith.cmpi slt, %add3A_282, %sign3A_288 : i32
    %sign3A_290 = arith.extui %sign3A_289 : i1 to i32
    %sign3A_291 = arith.subi %sign3A_287, %sign3A_290 : i32
    %sign3A_292 = arith.constant 0 : i32
    %sign3A_293 = arith.cmpi sgt, %jit3A_283, %sign3A_292 : i32
    %sign3A_294 = arith.extui %sign3A_293 : i1 to i32
    %sign3A_295 = arith.constant 0 : i32
    %sign3A_296 = arith.cmpi slt, %jit3A_283, %sign3A_295 : i32
    %sign3A_297 = arith.extui %sign3A_296 : i1 to i32
    %sign3A_298 = arith.subi %sign3A_294, %sign3A_297 : i32
    %ne3A_299 = arith.cmpi ne, %sign3A_291, %sign3A_298 : i32
    %rem3A_300 = arith.remsi %add3A_282, %jit3A_283 : i32
    %ne3A_301 = arith.constant 0 : i32
    %ne3A_302 = arith.cmpi ne, %rem3A_300, %ne3A_301 : i32
    %and3A_303 = arith.andi %ne3A_299, %ne3A_302 : i1
    %sub3A_304 = arith.constant 1 : i32
    %sub3A_305 = arith.subi %div3A_284, %sub3A_304 : i32
    %select_n3A_306 = arith.select %and3A_303, %sub3A_305, %div3A_284 : i32
    %sub3A_307 = arith.subi %select_n3A_306, %select_n3A : i32
    %dma_start3A_308 = arith.constant 6 : i32
    %dma_start3A_309 = arith.constant 0 : i32
    %dma_start3A_310 = tpu.memref_slice %arg6[%dma_start3A_308, %dma_start3A_309] : memref<13x4096xf32, #tpu.memory_space<vmem>> -> memref<1x4096xf32, #tpu.memory_space<vmem>>
    %dma_start3A_311 = tpu.memref_squeeze %dma_start3A_310 : memref<1x4096xf32, #tpu.memory_space<vmem>> -> memref<4096xf32, #tpu.memory_space<vmem>>
    %dma_start3A_312 = arith.constant 0 : i32
    %dma_start3A_313 = tpu.memref_slice %arg5[%sub3A_307, %dma_start3A_312] : memref<2x4096xi32, #tpu.memory_space<vmem>> -> memref<1x4096xi32, #tpu.memory_space<vmem>>
    %dma_start3A_314 = tpu.memref_squeeze %dma_start3A_313 : memref<1x4096xi32, #tpu.memory_space<vmem>> -> memref<4096xi32, #tpu.memory_space<vmem>>
    %dma_start3A_315 = arith.constant 0 : i32
    %dma_start3A_316 = tpu.memref_slice %arg2[%add3A_282, %dma_start3A_315] : memref<416x100000xf32, #tpu.memory_space<hbm>> -> memref<1x100000xf32, #tpu.memory_space<hbm>>
    %dma_start3A_317 = tpu.memref_squeeze %dma_start3A_316 : memref<1x100000xf32, #tpu.memory_space<hbm>> -> memref<100000xf32, #tpu.memory_space<hbm>>
    %dma_start3A_318 = arith.constant 0 : i32
    %dma_start3A_319 = tpu.memref_slice %dma_start3A_317[%dma_start3A_318] : memref<100000xf32, #tpu.memory_space<hbm>> -> memref<100000xf32, #tpu.memory_space<hbm>>
    tpu.enqueue_indirect_dma source(%dma_start3A_319 : memref<100000xf32, #tpu.memory_space<hbm>>) target(%dma_start3A_311 : memref<4096xf32, #tpu.memory_space<vmem>>) offsets(%dma_start3A_314 : memref<4096xi32, #tpu.memory_space<vmem>>) semaphore(%arg7 : memref<!tpu.dma_semaphore, #tpu.memory_space<semaphore_mem>>)
    %add3A_320 = arith.constant 7 : i32
    %add3A_321 = arith.addi %mul3A_2, %add3A_320 : i32
    %jit3A_322 = arith.constant 16 : i32
    %div3A_323 = arith.divsi %add3A_321, %jit3A_322 : i32
    %sign3A_324 = arith.constant 0 : i32
    %sign3A_325 = arith.cmpi sgt, %add3A_321, %sign3A_324 : i32
    %sign3A_326 = arith.extui %sign3A_325 : i1 to i32
    %sign3A_327 = arith.constant 0 : i32
    %sign3A_328 = arith.cmpi slt, %add3A_321, %sign3A_327 : i32
    %sign3A_329 = arith.extui %sign3A_328 : i1 to i32
    %sign3A_330 = arith.subi %sign3A_326, %sign3A_329 : i32
    %sign3A_331 = arith.constant 0 : i32
    %sign3A_332 = arith.cmpi sgt, %jit3A_322, %sign3A_331 : i32
    %sign3A_333 = arith.extui %sign3A_332 : i1 to i32
    %sign3A_334 = arith.constant 0 : i32
    %sign3A_335 = arith.cmpi slt, %jit3A_322, %sign3A_334 : i32
    %sign3A_336 = arith.extui %sign3A_335 : i1 to i32
    %sign3A_337 = arith.subi %sign3A_333, %sign3A_336 : i32
    %ne3A_338 = arith.cmpi ne, %sign3A_330, %sign3A_337 : i32
    %rem3A_339 = arith.remsi %add3A_321, %jit3A_322 : i32
    %ne3A_340 = arith.constant 0 : i32
    %ne3A_341 = arith.cmpi ne, %rem3A_339, %ne3A_340 : i32
    %and3A_342 = arith.andi %ne3A_338, %ne3A_341 : i1
    %sub3A_343 = arith.constant 1 : i32
    %sub3A_344 = arith.subi %div3A_323, %sub3A_343 : i32
    %select_n3A_345 = arith.select %and3A_342, %sub3A_344, %div3A_323 : i32
    %sub3A_346 = arith.subi %select_n3A_345, %select_n3A : i32
    %dma_start3A_347 = arith.constant 7 : i32
    %dma_start3A_348 = arith.constant 0 : i32
    %dma_start3A_349 = tpu.memref_slice %arg6[%dma_start3A_347, %dma_start3A_348] : memref<13x4096xf32, #tpu.memory_space<vmem>> -> memref<1x4096xf32, #tpu.memory_space<vmem>>
    %dma_start3A_350 = tpu.memref_squeeze %dma_start3A_349 : memref<1x4096xf32, #tpu.memory_space<vmem>> -> memref<4096xf32, #tpu.memory_space<vmem>>
    %dma_start3A_351 = arith.constant 0 : i32
    %dma_start3A_352 = tpu.memref_slice %arg5[%sub3A_346, %dma_start3A_351] : memref<2x4096xi32, #tpu.memory_space<vmem>> -> memref<1x4096xi32, #tpu.memory_space<vmem>>
    %dma_start3A_353 = tpu.memref_squeeze %dma_start3A_352 : memref<1x4096xi32, #tpu.memory_space<vmem>> -> memref<4096xi32, #tpu.memory_space<vmem>>
    %dma_start3A_354 = arith.constant 0 : i32
    %dma_start3A_355 = tpu.memref_slice %arg2[%add3A_321, %dma_start3A_354] : memref<416x100000xf32, #tpu.memory_space<hbm>> -> memref<1x100000xf32, #tpu.memory_space<hbm>>
    %dma_start3A_356 = tpu.memref_squeeze %dma_start3A_355 : memref<1x100000xf32, #tpu.memory_space<hbm>> -> memref<100000xf32, #tpu.memory_space<hbm>>
    %dma_start3A_357 = arith.constant 0 : i32
    %dma_start3A_358 = tpu.memref_slice %dma_start3A_356[%dma_start3A_357] : memref<100000xf32, #tpu.memory_space<hbm>> -> memref<100000xf32, #tpu.memory_space<hbm>>
    tpu.enqueue_indirect_dma source(%dma_start3A_358 : memref<100000xf32, #tpu.memory_space<hbm>>) target(%dma_start3A_350 : memref<4096xf32, #tpu.memory_space<vmem>>) offsets(%dma_start3A_353 : memref<4096xi32, #tpu.memory_space<vmem>>) semaphore(%arg7 : memref<!tpu.dma_semaphore, #tpu.memory_space<semaphore_mem>>)
    %add3A_359 = arith.constant 8 : i32
    %add3A_360 = arith.addi %mul3A_2, %add3A_359 : i32
    %jit3A_361 = arith.constant 16 : i32
    %div3A_362 = arith.divsi %add3A_360, %jit3A_361 : i32
    %sign3A_363 = arith.constant 0 : i32
    %sign3A_364 = arith.cmpi sgt, %add3A_360, %sign3A_363 : i32
    %sign3A_365 = arith.extui %sign3A_364 : i1 to i32
    %sign3A_366 = arith.constant 0 : i32
    %sign3A_367 = arith.cmpi slt, %add3A_360, %sign3A_366 : i32
    %sign3A_368 = arith.extui %sign3A_367 : i1 to i32
    %sign3A_369 = arith.subi %sign3A_365, %sign3A_368 : i32
    %sign3A_370 = arith.constant 0 : i32
    %sign3A_371 = arith.cmpi sgt, %jit3A_361, %sign3A_370 : i32
    %sign3A_372 = arith.extui %sign3A_371 : i1 to i32
    %sign3A_373 = arith.constant 0 : i32
    %sign3A_374 = arith.cmpi slt, %jit3A_361, %sign3A_373 : i32
    %sign3A_375 = arith.extui %sign3A_374 : i1 to i32
    %sign3A_376 = arith.subi %sign3A_372, %sign3A_375 : i32
    %ne3A_377 = arith.cmpi ne, %sign3A_369, %sign3A_376 : i32
    %rem3A_378 = arith.remsi %add3A_360, %jit3A_361 : i32
    %ne3A_379 = arith.constant 0 : i32
    %ne3A_380 = arith.cmpi ne, %rem3A_378, %ne3A_379 : i32
    %and3A_381 = arith.andi %ne3A_377, %ne3A_380 : i1
    %sub3A_382 = arith.constant 1 : i32
    %sub3A_383 = arith.subi %div3A_362, %sub3A_382 : i32
    %select_n3A_384 = arith.select %and3A_381, %sub3A_383, %div3A_362 : i32
    %sub3A_385 = arith.subi %select_n3A_384, %select_n3A : i32
    %dma_start3A_386 = arith.constant 8 : i32
    %dma_start3A_387 = arith.constant 0 : i32
    %dma_start3A_388 = tpu.memref_slice %arg6[%dma_start3A_386, %dma_start3A_387] : memref<13x4096xf32, #tpu.memory_space<vmem>> -> memref<1x4096xf32, #tpu.memory_space<vmem>>
    %dma_start3A_389 = tpu.memref_squeeze %dma_start3A_388 : memref<1x4096xf32, #tpu.memory_space<vmem>> -> memref<4096xf32, #tpu.memory_space<vmem>>
    %dma_start3A_390 = arith.constant 0 : i32
    %dma_start3A_391 = tpu.memref_slice %arg5[%sub3A_385, %dma_start3A_390] : memref<2x4096xi32, #tpu.memory_space<vmem>> -> memref<1x4096xi32, #tpu.memory_space<vmem>>
    %dma_start3A_392 = tpu.memref_squeeze %dma_start3A_391 : memref<1x4096xi32, #tpu.memory_space<vmem>> -> memref<4096xi32, #tpu.memory_space<vmem>>
    %dma_start3A_393 = arith.constant 0 : i32
    %dma_start3A_394 = tpu.memref_slice %arg2[%add3A_360, %dma_start3A_393] : memref<416x100000xf32, #tpu.memory_space<hbm>> -> memref<1x100000xf32, #tpu.memory_space<hbm>>
    %dma_start3A_395 = tpu.memref_squeeze %dma_start3A_394 : memref<1x100000xf32, #tpu.memory_space<hbm>> -> memref<100000xf32, #tpu.memory_space<hbm>>
    %dma_start3A_396 = arith.constant 0 : i32
    %dma_start3A_397 = tpu.memref_slice %dma_start3A_395[%dma_start3A_396] : memref<100000xf32, #tpu.memory_space<hbm>> -> memref<100000xf32, #tpu.memory_space<hbm>>
    tpu.enqueue_indirect_dma source(%dma_start3A_397 : memref<100000xf32, #tpu.memory_space<hbm>>) target(%dma_start3A_389 : memref<4096xf32, #tpu.memory_space<vmem>>) offsets(%dma_start3A_392 : memref<4096xi32, #tpu.memory_space<vmem>>) semaphore(%arg7 : memref<!tpu.dma_semaphore, #tpu.memory_space<semaphore_mem>>)
    %add3A_398 = arith.constant 9 : i32
    %add3A_399 = arith.addi %mul3A_2, %add3A_398 : i32
    %jit3A_400 = arith.constant 16 : i32
    %div3A_401 = arith.divsi %add3A_399, %jit3A_400 : i32
    %sign3A_402 = arith.constant 0 : i32
    %sign3A_403 = arith.cmpi sgt, %add3A_399, %sign3A_402 : i32
    %sign3A_404 = arith.extui %sign3A_403 : i1 to i32
    %sign3A_405 = arith.constant 0 : i32
    %sign3A_406 = arith.cmpi slt, %add3A_399, %sign3A_405 : i32
    %sign3A_407 = arith.extui %sign3A_406 : i1 to i32
    %sign3A_408 = arith.subi %sign3A_404, %sign3A_407 : i32
    %sign3A_409 = arith.constant 0 : i32
    %sign3A_410 = arith.cmpi sgt, %jit3A_400, %sign3A_409 : i32
    %sign3A_411 = arith.extui %sign3A_410 : i1 to i32
    %sign3A_412 = arith.constant 0 : i32
    %sign3A_413 = arith.cmpi slt, %jit3A_400, %sign3A_412 : i32
    %sign3A_414 = arith.extui %sign3A_413 : i1 to i32
    %sign3A_415 = arith.subi %sign3A_411, %sign3A_414 : i32
    %ne3A_416 = arith.cmpi ne, %sign3A_408, %sign3A_415 : i32
    %rem3A_417 = arith.remsi %add3A_399, %jit3A_400 : i32
    %ne3A_418 = arith.constant 0 : i32
    %ne3A_419 = arith.cmpi ne, %rem3A_417, %ne3A_418 : i32
    %and3A_420 = arith.andi %ne3A_416, %ne3A_419 : i1
    %sub3A_421 = arith.constant 1 : i32
    %sub3A_422 = arith.subi %div3A_401, %sub3A_421 : i32
    %select_n3A_423 = arith.select %and3A_420, %sub3A_422, %div3A_401 : i32
    %sub3A_424 = arith.subi %select_n3A_423, %select_n3A : i32
    %dma_start3A_425 = arith.constant 9 : i32
    %dma_start3A_426 = arith.constant 0 : i32
    %dma_start3A_427 = tpu.memref_slice %arg6[%dma_start3A_425, %dma_start3A_426] : memref<13x4096xf32, #tpu.memory_space<vmem>> -> memref<1x4096xf32, #tpu.memory_space<vmem>>
    %dma_start3A_428 = tpu.memref_squeeze %dma_start3A_427 : memref<1x4096xf32, #tpu.memory_space<vmem>> -> memref<4096xf32, #tpu.memory_space<vmem>>
    %dma_start3A_429 = arith.constant 0 : i32
    %dma_start3A_430 = tpu.memref_slice %arg5[%sub3A_424, %dma_start3A_429] : memref<2x4096xi32, #tpu.memory_space<vmem>> -> memref<1x4096xi32, #tpu.memory_space<vmem>>
    %dma_start3A_431 = tpu.memref_squeeze %dma_start3A_430 : memref<1x4096xi32, #tpu.memory_space<vmem>> -> memref<4096xi32, #tpu.memory_space<vmem>>
    %dma_start3A_432 = arith.constant 0 : i32
    %dma_start3A_433 = tpu.memref_slice %arg2[%add3A_399, %dma_start3A_432] : memref<416x100000xf32, #tpu.memory_space<hbm>> -> memref<1x100000xf32, #tpu.memory_space<hbm>>
    %dma_start3A_434 = tpu.memref_squeeze %dma_start3A_433 : memref<1x100000xf32, #tpu.memory_space<hbm>> -> memref<100000xf32, #tpu.memory_space<hbm>>
    %dma_start3A_435 = arith.constant 0 : i32
    %dma_start3A_436 = tpu.memref_slice %dma_start3A_434[%dma_start3A_435] : memref<100000xf32, #tpu.memory_space<hbm>> -> memref<100000xf32, #tpu.memory_space<hbm>>
    tpu.enqueue_indirect_dma source(%dma_start3A_436 : memref<100000xf32, #tpu.memory_space<hbm>>) target(%dma_start3A_428 : memref<4096xf32, #tpu.memory_space<vmem>>) offsets(%dma_start3A_431 : memref<4096xi32, #tpu.memory_space<vmem>>) semaphore(%arg7 : memref<!tpu.dma_semaphore, #tpu.memory_space<semaphore_mem>>)
    %add3A_437 = arith.constant 10 : i32
    %add3A_438 = arith.addi %mul3A_2, %add3A_437 : i32
    %jit3A_439 = arith.constant 16 : i32
    %div3A_440 = arith.divsi %add3A_438, %jit3A_439 : i32
    %sign3A_441 = arith.constant 0 : i32
    %sign3A_442 = arith.cmpi sgt, %add3A_438, %sign3A_441 : i32
    %sign3A_443 = arith.extui %sign3A_442 : i1 to i32
    %sign3A_444 = arith.constant 0 : i32
    %sign3A_445 = arith.cmpi slt, %add3A_438, %sign3A_444 : i32
    %sign3A_446 = arith.extui %sign3A_445 : i1 to i32
    %sign3A_447 = arith.subi %sign3A_443, %sign3A_446 : i32
    %sign3A_448 = arith.constant 0 : i32
    %sign3A_449 = arith.cmpi sgt, %jit3A_439, %sign3A_448 : i32
    %sign3A_450 = arith.extui %sign3A_449 : i1 to i32
    %sign3A_451 = arith.constant 0 : i32
    %sign3A_452 = arith.cmpi slt, %jit3A_439, %sign3A_451 : i32
    %sign3A_453 = arith.extui %sign3A_452 : i1 to i32
    %sign3A_454 = arith.subi %sign3A_450, %sign3A_453 : i32
    %ne3A_455 = arith.cmpi ne, %sign3A_447, %sign3A_454 : i32
    %rem3A_456 = arith.remsi %add3A_438, %jit3A_439 : i32
    %ne3A_457 = arith.constant 0 : i32
    %ne3A_458 = arith.cmpi ne, %rem3A_456, %ne3A_457 : i32
    %and3A_459 = arith.andi %ne3A_455, %ne3A_458 : i1
    %sub3A_460 = arith.constant 1 : i32
    %sub3A_461 = arith.subi %div3A_440, %sub3A_460 : i32
    %select_n3A_462 = arith.select %and3A_459, %sub3A_461, %div3A_440 : i32
    %sub3A_463 = arith.subi %select_n3A_462, %select_n3A : i32
    %dma_start3A_464 = arith.constant 10 : i32
    %dma_start3A_465 = arith.constant 0 : i32
    %dma_start3A_466 = tpu.memref_slice %arg6[%dma_start3A_464, %dma_start3A_465] : memref<13x4096xf32, #tpu.memory_space<vmem>> -> memref<1x4096xf32, #tpu.memory_space<vmem>>
    %dma_start3A_467 = tpu.memref_squeeze %dma_start3A_466 : memref<1x4096xf32, #tpu.memory_space<vmem>> -> memref<4096xf32, #tpu.memory_space<vmem>>
    %dma_start3A_468 = arith.constant 0 : i32
    %dma_start3A_469 = tpu.memref_slice %arg5[%sub3A_463, %dma_start3A_468] : memref<2x4096xi32, #tpu.memory_space<vmem>> -> memref<1x4096xi32, #tpu.memory_space<vmem>>
    %dma_start3A_470 = tpu.memref_squeeze %dma_start3A_469 : memref<1x4096xi32, #tpu.memory_space<vmem>> -> memref<4096xi32, #tpu.memory_space<vmem>>
    %dma_start3A_471 = arith.constant 0 : i32
    %dma_start3A_472 = tpu.memref_slice %arg2[%add3A_438, %dma_start3A_471] : memref<416x100000xf32, #tpu.memory_space<hbm>> -> memref<1x100000xf32, #tpu.memory_space<hbm>>
    %dma_start3A_473 = tpu.memref_squeeze %dma_start3A_472 : memref<1x100000xf32, #tpu.memory_space<hbm>> -> memref<100000xf32, #tpu.memory_space<hbm>>
    %dma_start3A_474 = arith.constant 0 : i32
    %dma_start3A_475 = tpu.memref_slice %dma_start3A_473[%dma_start3A_474] : memref<100000xf32, #tpu.memory_space<hbm>> -> memref<100000xf32, #tpu.memory_space<hbm>>
    tpu.enqueue_indirect_dma source(%dma_start3A_475 : memref<100000xf32, #tpu.memory_space<hbm>>) target(%dma_start3A_467 : memref<4096xf32, #tpu.memory_space<vmem>>) offsets(%dma_start3A_470 : memref<4096xi32, #tpu.memory_space<vmem>>) semaphore(%arg7 : memref<!tpu.dma_semaphore, #tpu.memory_space<semaphore_mem>>)
    %add3A_476 = arith.constant 11 : i32
    %add3A_477 = arith.addi %mul3A_2, %add3A_476 : i32
    %jit3A_478 = arith.constant 16 : i32
    %div3A_479 = arith.divsi %add3A_477, %jit3A_478 : i32
    %sign3A_480 = arith.constant 0 : i32
    %sign3A_481 = arith.cmpi sgt, %add3A_477, %sign3A_480 : i32
    %sign3A_482 = arith.extui %sign3A_481 : i1 to i32
    %sign3A_483 = arith.constant 0 : i32
    %sign3A_484 = arith.cmpi slt, %add3A_477, %sign3A_483 : i32
    %sign3A_485 = arith.extui %sign3A_484 : i1 to i32
    %sign3A_486 = arith.subi %sign3A_482, %sign3A_485 : i32
    %sign3A_487 = arith.constant 0 : i32
    %sign3A_488 = arith.cmpi sgt, %jit3A_478, %sign3A_487 : i32
    %sign3A_489 = arith.extui %sign3A_488 : i1 to i32
    %sign3A_490 = arith.constant 0 : i32
    %sign3A_491 = arith.cmpi slt, %jit3A_478, %sign3A_490 : i32
    %sign3A_492 = arith.extui %sign3A_491 : i1 to i32
    %sign3A_493 = arith.subi %sign3A_489, %sign3A_492 : i32
    %ne3A_494 = arith.cmpi ne, %sign3A_486, %sign3A_493 : i32
    %rem3A_495 = arith.remsi %add3A_477, %jit3A_478 : i32
    %ne3A_496 = arith.constant 0 : i32
    %ne3A_497 = arith.cmpi ne, %rem3A_495, %ne3A_496 : i32
    %and3A_498 = arith.andi %ne3A_494, %ne3A_497 : i1
    %sub3A_499 = arith.constant 1 : i32
    %sub3A_500 = arith.subi %div3A_479, %sub3A_499 : i32
    %select_n3A_501 = arith.select %and3A_498, %sub3A_500, %div3A_479 : i32
    %sub3A_502 = arith.subi %select_n3A_501, %select_n3A : i32
    %dma_start3A_503 = arith.constant 11 : i32
    %dma_start3A_504 = arith.constant 0 : i32
    %dma_start3A_505 = tpu.memref_slice %arg6[%dma_start3A_503, %dma_start3A_504] : memref<13x4096xf32, #tpu.memory_space<vmem>> -> memref<1x4096xf32, #tpu.memory_space<vmem>>
    %dma_start3A_506 = tpu.memref_squeeze %dma_start3A_505 : memref<1x4096xf32, #tpu.memory_space<vmem>> -> memref<4096xf32, #tpu.memory_space<vmem>>
    %dma_start3A_507 = arith.constant 0 : i32
    %dma_start3A_508 = tpu.memref_slice %arg5[%sub3A_502, %dma_start3A_507] : memref<2x4096xi32, #tpu.memory_space<vmem>> -> memref<1x4096xi32, #tpu.memory_space<vmem>>
    %dma_start3A_509 = tpu.memref_squeeze %dma_start3A_508 : memref<1x4096xi32, #tpu.memory_space<vmem>> -> memref<4096xi32, #tpu.memory_space<vmem>>
    %dma_start3A_510 = arith.constant 0 : i32
    %dma_start3A_511 = tpu.memref_slice %arg2[%add3A_477, %dma_start3A_510] : memref<416x100000xf32, #tpu.memory_space<hbm>> -> memref<1x100000xf32, #tpu.memory_space<hbm>>
    %dma_start3A_512 = tpu.memref_squeeze %dma_start3A_511 : memref<1x100000xf32, #tpu.memory_space<hbm>> -> memref<100000xf32, #tpu.memory_space<hbm>>
    %dma_start3A_513 = arith.constant 0 : i32
    %dma_start3A_514 = tpu.memref_slice %dma_start3A_512[%dma_start3A_513] : memref<100000xf32, #tpu.memory_space<hbm>> -> memref<100000xf32, #tpu.memory_space<hbm>>
    tpu.enqueue_indirect_dma source(%dma_start3A_514 : memref<100000xf32, #tpu.memory_space<hbm>>) target(%dma_start3A_506 : memref<4096xf32, #tpu.memory_space<vmem>>) offsets(%dma_start3A_509 : memref<4096xi32, #tpu.memory_space<vmem>>) semaphore(%arg7 : memref<!tpu.dma_semaphore, #tpu.memory_space<semaphore_mem>>)
    %add3A_515 = arith.constant 12 : i32
    %add3A_516 = arith.addi %mul3A_2, %add3A_515 : i32
    %jit3A_517 = arith.constant 16 : i32
    %div3A_518 = arith.divsi %add3A_516, %jit3A_517 : i32
    %sign3A_519 = arith.constant 0 : i32
    %sign3A_520 = arith.cmpi sgt, %add3A_516, %sign3A_519 : i32
    %sign3A_521 = arith.extui %sign3A_520 : i1 to i32
    %sign3A_522 = arith.constant 0 : i32
    %sign3A_523 = arith.cmpi slt, %add3A_516, %sign3A_522 : i32
    %sign3A_524 = arith.extui %sign3A_523 : i1 to i32
    %sign3A_525 = arith.subi %sign3A_521, %sign3A_524 : i32
    %sign3A_526 = arith.constant 0 : i32
    %sign3A_527 = arith.cmpi sgt, %jit3A_517, %sign3A_526 : i32
    %sign3A_528 = arith.extui %sign3A_527 : i1 to i32
    %sign3A_529 = arith.constant 0 : i32
    %sign3A_530 = arith.cmpi slt, %jit3A_517, %sign3A_529 : i32
    %sign3A_531 = arith.extui %sign3A_530 : i1 to i32
    %sign3A_532 = arith.subi %sign3A_528, %sign3A_531 : i32
    %ne3A_533 = arith.cmpi ne, %sign3A_525, %sign3A_532 : i32
    %rem3A_534 = arith.remsi %add3A_516, %jit3A_517 : i32
    %ne3A_535 = arith.constant 0 : i32
    %ne3A_536 = arith.cmpi ne, %rem3A_534, %ne3A_535 : i32
    %and3A_537 = arith.andi %ne3A_533, %ne3A_536 : i1
    %sub3A_538 = arith.constant 1 : i32
    %sub3A_539 = arith.subi %div3A_518, %sub3A_538 : i32
    %select_n3A_540 = arith.select %and3A_537, %sub3A_539, %div3A_518 : i32
    %sub3A_541 = arith.subi %select_n3A_540, %select_n3A : i32
    %dma_start3A_542 = arith.constant 12 : i32
    %dma_start3A_543 = arith.constant 0 : i32
    %dma_start3A_544 = tpu.memref_slice %arg6[%dma_start3A_542, %dma_start3A_543] : memref<13x4096xf32, #tpu.memory_space<vmem>> -> memref<1x4096xf32, #tpu.memory_space<vmem>>
    %dma_start3A_545 = tpu.memref_squeeze %dma_start3A_544 : memref<1x4096xf32, #tpu.memory_space<vmem>> -> memref<4096xf32, #tpu.memory_space<vmem>>
    %dma_start3A_546 = arith.constant 0 : i32
    %dma_start3A_547 = tpu.memref_slice %arg5[%sub3A_541, %dma_start3A_546] : memref<2x4096xi32, #tpu.memory_space<vmem>> -> memref<1x4096xi32, #tpu.memory_space<vmem>>
    %dma_start3A_548 = tpu.memref_squeeze %dma_start3A_547 : memref<1x4096xi32, #tpu.memory_space<vmem>> -> memref<4096xi32, #tpu.memory_space<vmem>>
    %dma_start3A_549 = arith.constant 0 : i32
    %dma_start3A_550 = tpu.memref_slice %arg2[%add3A_516, %dma_start3A_549] : memref<416x100000xf32, #tpu.memory_space<hbm>> -> memref<1x100000xf32, #tpu.memory_space<hbm>>
    %dma_start3A_551 = tpu.memref_squeeze %dma_start3A_550 : memref<1x100000xf32, #tpu.memory_space<hbm>> -> memref<100000xf32, #tpu.memory_space<hbm>>
    %dma_start3A_552 = arith.constant 0 : i32
    %dma_start3A_553 = tpu.memref_slice %dma_start3A_551[%dma_start3A_552] : memref<100000xf32, #tpu.memory_space<hbm>> -> memref<100000xf32, #tpu.memory_space<hbm>>
    tpu.enqueue_indirect_dma source(%dma_start3A_553 : memref<100000xf32, #tpu.memory_space<hbm>>) target(%dma_start3A_545 : memref<4096xf32, #tpu.memory_space<vmem>>) offsets(%dma_start3A_548 : memref<4096xi32, #tpu.memory_space<vmem>>) semaphore(%arg7 : memref<!tpu.dma_semaphore, #tpu.memory_space<semaphore_mem>>)
    %dma_wait3A = arith.constant 0 : i32
    %dma_wait3A_554 = arith.constant 0 : i32
    %dma_wait3A_555 = tpu.memref_slice %arg6[%dma_wait3A, %dma_wait3A_554] : memref<13x4096xf32, #tpu.memory_space<vmem>> -> memref<1x4096xf32, #tpu.memory_space<vmem>>
    %dma_wait3A_556 = tpu.memref_squeeze %dma_wait3A_555 : memref<1x4096xf32, #tpu.memory_space<vmem>> -> memref<4096xf32, #tpu.memory_space<vmem>>
    %dma_wait3A_557 = arith.constant 0 : i32
    %dma_wait3A_558 = tpu.memref_slice %arg5[%sub3A_74, %dma_wait3A_557] : memref<2x4096xi32, #tpu.memory_space<vmem>> -> memref<1x4096xi32, #tpu.memory_space<vmem>>
    %dma_wait3A_559 = tpu.memref_squeeze %dma_wait3A_558 : memref<1x4096xi32, #tpu.memory_space<vmem>> -> memref<4096xi32, #tpu.memory_space<vmem>>
    %dma_wait3A_560 = arith.constant 0 : i32
    %dma_wait3A_561 = tpu.memref_slice %arg2[%add3A_49, %dma_wait3A_560] : memref<416x100000xf32, #tpu.memory_space<hbm>> -> memref<1x100000xf32, #tpu.memory_space<hbm>>
    %dma_wait3A_562 = tpu.memref_squeeze %dma_wait3A_561 : memref<1x100000xf32, #tpu.memory_space<hbm>> -> memref<100000xf32, #tpu.memory_space<hbm>>
    %dma_wait3A_563 = arith.constant 0 : i32
    %dma_wait3A_564 = tpu.memref_slice %dma_wait3A_562[%dma_wait3A_563] : memref<100000xf32, #tpu.memory_space<hbm>> -> memref<100000xf32, #tpu.memory_space<hbm>>
    tpu.wait_indirect_dma semaphore(%arg7 : memref<!tpu.dma_semaphore, #tpu.memory_space<semaphore_mem>>) src(%dma_wait3A_564 : memref<100000xf32, #tpu.memory_space<hbm>>) dst(%dma_wait3A_556 : memref<4096xf32, #tpu.memory_space<vmem>>)
    %dma_wait3A_565 = arith.constant 1 : i32
    %dma_wait3A_566 = arith.constant 0 : i32
    %dma_wait3A_567 = tpu.memref_slice %arg6[%dma_wait3A_565, %dma_wait3A_566] : memref<13x4096xf32, #tpu.memory_space<vmem>> -> memref<1x4096xf32, #tpu.memory_space<vmem>>
    %dma_wait3A_568 = tpu.memref_squeeze %dma_wait3A_567 : memref<1x4096xf32, #tpu.memory_space<vmem>> -> memref<4096xf32, #tpu.memory_space<vmem>>
    %dma_wait3A_569 = arith.constant 0 : i32
    %dma_wait3A_570 = tpu.memref_slice %arg5[%sub3A_112, %dma_wait3A_569] : memref<2x4096xi32, #tpu.memory_space<vmem>> -> memref<1x4096xi32, #tpu.memory_space<vmem>>
    %dma_wait3A_571 = tpu.memref_squeeze %dma_wait3A_570 : memref<1x4096xi32, #tpu.memory_space<vmem>> -> memref<4096xi32, #tpu.memory_space<vmem>>
    %dma_wait3A_572 = arith.constant 0 : i32
    %dma_wait3A_573 = tpu.memref_slice %arg2[%add3A_87, %dma_wait3A_572] : memref<416x100000xf32, #tpu.memory_space<hbm>> -> memref<1x100000xf32, #tpu.memory_space<hbm>>
    %dma_wait3A_574 = tpu.memref_squeeze %dma_wait3A_573 : memref<1x100000xf32, #tpu.memory_space<hbm>> -> memref<100000xf32, #tpu.memory_space<hbm>>
    %dma_wait3A_575 = arith.constant 0 : i32
    %dma_wait3A_576 = tpu.memref_slice %dma_wait3A_574[%dma_wait3A_575] : memref<100000xf32, #tpu.memory_space<hbm>> -> memref<100000xf32, #tpu.memory_space<hbm>>
    tpu.wait_indirect_dma semaphore(%arg7 : memref<!tpu.dma_semaphore, #tpu.memory_space<semaphore_mem>>) src(%dma_wait3A_576 : memref<100000xf32, #tpu.memory_space<hbm>>) dst(%dma_wait3A_568 : memref<4096xf32, #tpu.memory_space<vmem>>)
    %dma_wait3A_577 = arith.constant 2 : i32
    %dma_wait3A_578 = arith.constant 0 : i32
    %dma_wait3A_579 = tpu.memref_slice %arg6[%dma_wait3A_577, %dma_wait3A_578] : memref<13x4096xf32, #tpu.memory_space<vmem>> -> memref<1x4096xf32, #tpu.memory_space<vmem>>
    %dma_wait3A_580 = tpu.memref_squeeze %dma_wait3A_579 : memref<1x4096xf32, #tpu.memory_space<vmem>> -> memref<4096xf32, #tpu.memory_space<vmem>>
    %dma_wait3A_581 = arith.constant 0 : i32
    %dma_wait3A_582 = tpu.memref_slice %arg5[%sub3A_151, %dma_wait3A_581] : memref<2x4096xi32, #tpu.memory_space<vmem>> -> memref<1x4096xi32, #tpu.memory_space<vmem>>
    %dma_wait3A_583 = tpu.memref_squeeze %dma_wait3A_582 : memref<1x4096xi32, #tpu.memory_space<vmem>> -> memref<4096xi32, #tpu.memory_space<vmem>>
    %dma_wait3A_584 = arith.constant 0 : i32
    %dma_wait3A_585 = tpu.memref_slice %arg2[%add3A_126, %dma_wait3A_584] : memref<416x100000xf32, #tpu.memory_space<hbm>> -> memref<1x100000xf32, #tpu.memory_space<hbm>>
    %dma_wait3A_586 = tpu.memref_squeeze %dma_wait3A_585 : memref<1x100000xf32, #tpu.memory_space<hbm>> -> memref<100000xf32, #tpu.memory_space<hbm>>
    %dma_wait3A_587 = arith.constant 0 : i32
    %dma_wait3A_588 = tpu.memref_slice %dma_wait3A_586[%dma_wait3A_587] : memref<100000xf32, #tpu.memory_space<hbm>> -> memref<100000xf32, #tpu.memory_space<hbm>>
    tpu.wait_indirect_dma semaphore(%arg7 : memref<!tpu.dma_semaphore, #tpu.memory_space<semaphore_mem>>) src(%dma_wait3A_588 : memref<100000xf32, #tpu.memory_space<hbm>>) dst(%dma_wait3A_580 : memref<4096xf32, #tpu.memory_space<vmem>>)
    %dma_wait3A_589 = arith.constant 3 : i32
    %dma_wait3A_590 = arith.constant 0 : i32
    %dma_wait3A_591 = tpu.memref_slice %arg6[%dma_wait3A_589, %dma_wait3A_590] : memref<13x4096xf32, #tpu.memory_space<vmem>> -> memref<1x4096xf32, #tpu.memory_space<vmem>>
    %dma_wait3A_592 = tpu.memref_squeeze %dma_wait3A_591 : memref<1x4096xf32, #tpu.memory_space<vmem>> -> memref<4096xf32, #tpu.memory_space<vmem>>
    %dma_wait3A_593 = arith.constant 0 : i32
    %dma_wait3A_594 = tpu.memref_slice %arg5[%sub3A_190, %dma_wait3A_593] : memref<2x4096xi32, #tpu.memory_space<vmem>> -> memref<1x4096xi32, #tpu.memory_space<vmem>>
    %dma_wait3A_595 = tpu.memref_squeeze %dma_wait3A_594 : memref<1x4096xi32, #tpu.memory_space<vmem>> -> memref<4096xi32, #tpu.memory_space<vmem>>
    %dma_wait3A_596 = arith.constant 0 : i32
    %dma_wait3A_597 = tpu.memref_slice %arg2[%add3A_165, %dma_wait3A_596] : memref<416x100000xf32, #tpu.memory_space<hbm>> -> memref<1x100000xf32, #tpu.memory_space<hbm>>
    %dma_wait3A_598 = tpu.memref_squeeze %dma_wait3A_597 : memref<1x100000xf32, #tpu.memory_space<hbm>> -> memref<100000xf32, #tpu.memory_space<hbm>>
    %dma_wait3A_599 = arith.constant 0 : i32
    %dma_wait3A_600 = tpu.memref_slice %dma_wait3A_598[%dma_wait3A_599] : memref<100000xf32, #tpu.memory_space<hbm>> -> memref<100000xf32, #tpu.memory_space<hbm>>
    tpu.wait_indirect_dma semaphore(%arg7 : memref<!tpu.dma_semaphore, #tpu.memory_space<semaphore_mem>>) src(%dma_wait3A_600 : memref<100000xf32, #tpu.memory_space<hbm>>) dst(%dma_wait3A_592 : memref<4096xf32, #tpu.memory_space<vmem>>)
    %dma_wait3A_601 = arith.constant 4 : i32
    %dma_wait3A_602 = arith.constant 0 : i32
    %dma_wait3A_603 = tpu.memref_slice %arg6[%dma_wait3A_601, %dma_wait3A_602] : memref<13x4096xf32, #tpu.memory_space<vmem>> -> memref<1x4096xf32, #tpu.memory_space<vmem>>
    %dma_wait3A_604 = tpu.memref_squeeze %dma_wait3A_603 : memref<1x4096xf32, #tpu.memory_space<vmem>> -> memref<4096xf32, #tpu.memory_space<vmem>>
    %dma_wait3A_605 = arith.constant 0 : i32
    %dma_wait3A_606 = tpu.memref_slice %arg5[%sub3A_229, %dma_wait3A_605] : memref<2x4096xi32, #tpu.memory_space<vmem>> -> memref<1x4096xi32, #tpu.memory_space<vmem>>
    %dma_wait3A_607 = tpu.memref_squeeze %dma_wait3A_606 : memref<1x4096xi32, #tpu.memory_space<vmem>> -> memref<4096xi32, #tpu.memory_space<vmem>>
    %dma_wait3A_608 = arith.constant 0 : i32
    %dma_wait3A_609 = tpu.memref_slice %arg2[%add3A_204, %dma_wait3A_608] : memref<416x100000xf32, #tpu.memory_space<hbm>> -> memref<1x100000xf32, #tpu.memory_space<hbm>>
    %dma_wait3A_610 = tpu.memref_squeeze %dma_wait3A_609 : memref<1x100000xf32, #tpu.memory_space<hbm>> -> memref<100000xf32, #tpu.memory_space<hbm>>
    %dma_wait3A_611 = arith.constant 0 : i32
    %dma_wait3A_612 = tpu.memref_slice %dma_wait3A_610[%dma_wait3A_611] : memref<100000xf32, #tpu.memory_space<hbm>> -> memref<100000xf32, #tpu.memory_space<hbm>>
    tpu.wait_indirect_dma semaphore(%arg7 : memref<!tpu.dma_semaphore, #tpu.memory_space<semaphore_mem>>) src(%dma_wait3A_612 : memref<100000xf32, #tpu.memory_space<hbm>>) dst(%dma_wait3A_604 : memref<4096xf32, #tpu.memory_space<vmem>>)
    %dma_wait3A_613 = arith.constant 5 : i32
    %dma_wait3A_614 = arith.constant 0 : i32
    %dma_wait3A_615 = tpu.memref_slice %arg6[%dma_wait3A_613, %dma_wait3A_614] : memref<13x4096xf32, #tpu.memory_space<vmem>> -> memref<1x4096xf32, #tpu.memory_space<vmem>>
    %dma_wait3A_616 = tpu.memref_squeeze %dma_wait3A_615 : memref<1x4096xf32, #tpu.memory_space<vmem>> -> memref<4096xf32, #tpu.memory_space<vmem>>
    %dma_wait3A_617 = arith.constant 0 : i32
    %dma_wait3A_618 = tpu.memref_slice %arg5[%sub3A_268, %dma_wait3A_617] : memref<2x4096xi32, #tpu.memory_space<vmem>> -> memref<1x4096xi32, #tpu.memory_space<vmem>>
    %dma_wait3A_619 = tpu.memref_squeeze %dma_wait3A_618 : memref<1x4096xi32, #tpu.memory_space<vmem>> -> memref<4096xi32, #tpu.memory_space<vmem>>
    %dma_wait3A_620 = arith.constant 0 : i32
    %dma_wait3A_621 = tpu.memref_slice %arg2[%add3A_243, %dma_wait3A_620] : memref<416x100000xf32, #tpu.memory_space<hbm>> -> memref<1x100000xf32, #tpu.memory_space<hbm>>
    %dma_wait3A_622 = tpu.memref_squeeze %dma_wait3A_621 : memref<1x100000xf32, #tpu.memory_space<hbm>> -> memref<100000xf32, #tpu.memory_space<hbm>>
    %dma_wait3A_623 = arith.constant 0 : i32
    %dma_wait3A_624 = tpu.memref_slice %dma_wait3A_622[%dma_wait3A_623] : memref<100000xf32, #tpu.memory_space<hbm>> -> memref<100000xf32, #tpu.memory_space<hbm>>
    tpu.wait_indirect_dma semaphore(%arg7 : memref<!tpu.dma_semaphore, #tpu.memory_space<semaphore_mem>>) src(%dma_wait3A_624 : memref<100000xf32, #tpu.memory_space<hbm>>) dst(%dma_wait3A_616 : memref<4096xf32, #tpu.memory_space<vmem>>)
    %dma_wait3A_625 = arith.constant 6 : i32
    %dma_wait3A_626 = arith.constant 0 : i32
    %dma_wait3A_627 = tpu.memref_slice %arg6[%dma_wait3A_625, %dma_wait3A_626] : memref<13x4096xf32, #tpu.memory_space<vmem>> -> memref<1x4096xf32, #tpu.memory_space<vmem>>
    %dma_wait3A_628 = tpu.memref_squeeze %dma_wait3A_627 : memref<1x4096xf32, #tpu.memory_space<vmem>> -> memref<4096xf32, #tpu.memory_space<vmem>>
    %dma_wait3A_629 = arith.constant 0 : i32
    %dma_wait3A_630 = tpu.memref_slice %arg5[%sub3A_307, %dma_wait3A_629] : memref<2x4096xi32, #tpu.memory_space<vmem>> -> memref<1x4096xi32, #tpu.memory_space<vmem>>
    %dma_wait3A_631 = tpu.memref_squeeze %dma_wait3A_630 : memref<1x4096xi32, #tpu.memory_space<vmem>> -> memref<4096xi32, #tpu.memory_space<vmem>>
    %dma_wait3A_632 = arith.constant 0 : i32
    %dma_wait3A_633 = tpu.memref_slice %arg2[%add3A_282, %dma_wait3A_632] : memref<416x100000xf32, #tpu.memory_space<hbm>> -> memref<1x100000xf32, #tpu.memory_space<hbm>>
    %dma_wait3A_634 = tpu.memref_squeeze %dma_wait3A_633 : memref<1x100000xf32, #tpu.memory_space<hbm>> -> memref<100000xf32, #tpu.memory_space<hbm>>
    %dma_wait3A_635 = arith.constant 0 : i32
    %dma_wait3A_636 = tpu.memref_slice %dma_wait3A_634[%dma_wait3A_635] : memref<100000xf32, #tpu.memory_space<hbm>> -> memref<100000xf32, #tpu.memory_space<hbm>>
    tpu.wait_indirect_dma semaphore(%arg7 : memref<!tpu.dma_semaphore, #tpu.memory_space<semaphore_mem>>) src(%dma_wait3A_636 : memref<100000xf32, #tpu.memory_space<hbm>>) dst(%dma_wait3A_628 : memref<4096xf32, #tpu.memory_space<vmem>>)
    %dma_wait3A_637 = arith.constant 7 : i32
    %dma_wait3A_638 = arith.constant 0 : i32
    %dma_wait3A_639 = tpu.memref_slice %arg6[%dma_wait3A_637, %dma_wait3A_638] : memref<13x4096xf32, #tpu.memory_space<vmem>> -> memref<1x4096xf32, #tpu.memory_space<vmem>>
    %dma_wait3A_640 = tpu.memref_squeeze %dma_wait3A_639 : memref<1x4096xf32, #tpu.memory_space<vmem>> -> memref<4096xf32, #tpu.memory_space<vmem>>
    %dma_wait3A_641 = arith.constant 0 : i32
    %dma_wait3A_642 = tpu.memref_slice %arg5[%sub3A_346, %dma_wait3A_641] : memref<2x4096xi32, #tpu.memory_space<vmem>> -> memref<1x4096xi32, #tpu.memory_space<vmem>>
    %dma_wait3A_643 = tpu.memref_squeeze %dma_wait3A_642 : memref<1x4096xi32, #tpu.memory_space<vmem>> -> memref<4096xi32, #tpu.memory_space<vmem>>
    %dma_wait3A_644 = arith.constant 0 : i32
    %dma_wait3A_645 = tpu.memref_slice %arg2[%add3A_321, %dma_wait3A_644] : memref<416x100000xf32, #tpu.memory_space<hbm>> -> memref<1x100000xf32, #tpu.memory_space<hbm>>
    %dma_wait3A_646 = tpu.memref_squeeze %dma_wait3A_645 : memref<1x100000xf32, #tpu.memory_space<hbm>> -> memref<100000xf32, #tpu.memory_space<hbm>>
    %dma_wait3A_647 = arith.constant 0 : i32
    %dma_wait3A_648 = tpu.memref_slice %dma_wait3A_646[%dma_wait3A_647] : memref<100000xf32, #tpu.memory_space<hbm>> -> memref<100000xf32, #tpu.memory_space<hbm>>
    tpu.wait_indirect_dma semaphore(%arg7 : memref<!tpu.dma_semaphore, #tpu.memory_space<semaphore_mem>>) src(%dma_wait3A_648 : memref<100000xf32, #tpu.memory_space<hbm>>) dst(%dma_wait3A_640 : memref<4096xf32, #tpu.memory_space<vmem>>)
    %dma_wait3A_649 = arith.constant 8 : i32
    %dma_wait3A_650 = arith.constant 0 : i32
    %dma_wait3A_651 = tpu.memref_slice %arg6[%dma_wait3A_649, %dma_wait3A_650] : memref<13x4096xf32, #tpu.memory_space<vmem>> -> memref<1x4096xf32, #tpu.memory_space<vmem>>
    %dma_wait3A_652 = tpu.memref_squeeze %dma_wait3A_651 : memref<1x4096xf32, #tpu.memory_space<vmem>> -> memref<4096xf32, #tpu.memory_space<vmem>>
    %dma_wait3A_653 = arith.constant 0 : i32
    %dma_wait3A_654 = tpu.memref_slice %arg5[%sub3A_385, %dma_wait3A_653] : memref<2x4096xi32, #tpu.memory_space<vmem>> -> memref<1x4096xi32, #tpu.memory_space<vmem>>
    %dma_wait3A_655 = tpu.memref_squeeze %dma_wait3A_654 : memref<1x4096xi32, #tpu.memory_space<vmem>> -> memref<4096xi32, #tpu.memory_space<vmem>>
    %dma_wait3A_656 = arith.constant 0 : i32
    %dma_wait3A_657 = tpu.memref_slice %arg2[%add3A_360, %dma_wait3A_656] : memref<416x100000xf32, #tpu.memory_space<hbm>> -> memref<1x100000xf32, #tpu.memory_space<hbm>>
    %dma_wait3A_658 = tpu.memref_squeeze %dma_wait3A_657 : memref<1x100000xf32, #tpu.memory_space<hbm>> -> memref<100000xf32, #tpu.memory_space<hbm>>
    %dma_wait3A_659 = arith.constant 0 : i32
    %dma_wait3A_660 = tpu.memref_slice %dma_wait3A_658[%dma_wait3A_659] : memref<100000xf32, #tpu.memory_space<hbm>> -> memref<100000xf32, #tpu.memory_space<hbm>>
    tpu.wait_indirect_dma semaphore(%arg7 : memref<!tpu.dma_semaphore, #tpu.memory_space<semaphore_mem>>) src(%dma_wait3A_660 : memref<100000xf32, #tpu.memory_space<hbm>>) dst(%dma_wait3A_652 : memref<4096xf32, #tpu.memory_space<vmem>>)
    %dma_wait3A_661 = arith.constant 9 : i32
    %dma_wait3A_662 = arith.constant 0 : i32
    %dma_wait3A_663 = tpu.memref_slice %arg6[%dma_wait3A_661, %dma_wait3A_662] : memref<13x4096xf32, #tpu.memory_space<vmem>> -> memref<1x4096xf32, #tpu.memory_space<vmem>>
    %dma_wait3A_664 = tpu.memref_squeeze %dma_wait3A_663 : memref<1x4096xf32, #tpu.memory_space<vmem>> -> memref<4096xf32, #tpu.memory_space<vmem>>
    %dma_wait3A_665 = arith.constant 0 : i32
    %dma_wait3A_666 = tpu.memref_slice %arg5[%sub3A_424, %dma_wait3A_665] : memref<2x4096xi32, #tpu.memory_space<vmem>> -> memref<1x4096xi32, #tpu.memory_space<vmem>>
    %dma_wait3A_667 = tpu.memref_squeeze %dma_wait3A_666 : memref<1x4096xi32, #tpu.memory_space<vmem>> -> memref<4096xi32, #tpu.memory_space<vmem>>
    %dma_wait3A_668 = arith.constant 0 : i32
    %dma_wait3A_669 = tpu.memref_slice %arg2[%add3A_399, %dma_wait3A_668] : memref<416x100000xf32, #tpu.memory_space<hbm>> -> memref<1x100000xf32, #tpu.memory_space<hbm>>
    %dma_wait3A_670 = tpu.memref_squeeze %dma_wait3A_669 : memref<1x100000xf32, #tpu.memory_space<hbm>> -> memref<100000xf32, #tpu.memory_space<hbm>>
    %dma_wait3A_671 = arith.constant 0 : i32
    %dma_wait3A_672 = tpu.memref_slice %dma_wait3A_670[%dma_wait3A_671] : memref<100000xf32, #tpu.memory_space<hbm>> -> memref<100000xf32, #tpu.memory_space<hbm>>
    tpu.wait_indirect_dma semaphore(%arg7 : memref<!tpu.dma_semaphore, #tpu.memory_space<semaphore_mem>>) src(%dma_wait3A_672 : memref<100000xf32, #tpu.memory_space<hbm>>) dst(%dma_wait3A_664 : memref<4096xf32, #tpu.memory_space<vmem>>)
    %dma_wait3A_673 = arith.constant 10 : i32
    %dma_wait3A_674 = arith.constant 0 : i32
    %dma_wait3A_675 = tpu.memref_slice %arg6[%dma_wait3A_673, %dma_wait3A_674] : memref<13x4096xf32, #tpu.memory_space<vmem>> -> memref<1x4096xf32, #tpu.memory_space<vmem>>
    %dma_wait3A_676 = tpu.memref_squeeze %dma_wait3A_675 : memref<1x4096xf32, #tpu.memory_space<vmem>> -> memref<4096xf32, #tpu.memory_space<vmem>>
    %dma_wait3A_677 = arith.constant 0 : i32
    %dma_wait3A_678 = tpu.memref_slice %arg5[%sub3A_463, %dma_wait3A_677] : memref<2x4096xi32, #tpu.memory_space<vmem>> -> memref<1x4096xi32, #tpu.memory_space<vmem>>
    %dma_wait3A_679 = tpu.memref_squeeze %dma_wait3A_678 : memref<1x4096xi32, #tpu.memory_space<vmem>> -> memref<4096xi32, #tpu.memory_space<vmem>>
    %dma_wait3A_680 = arith.constant 0 : i32
    %dma_wait3A_681 = tpu.memref_slice %arg2[%add3A_438, %dma_wait3A_680] : memref<416x100000xf32, #tpu.memory_space<hbm>> -> memref<1x100000xf32, #tpu.memory_space<hbm>>
    %dma_wait3A_682 = tpu.memref_squeeze %dma_wait3A_681 : memref<1x100000xf32, #tpu.memory_space<hbm>> -> memref<100000xf32, #tpu.memory_space<hbm>>
    %dma_wait3A_683 = arith.constant 0 : i32
    %dma_wait3A_684 = tpu.memref_slice %dma_wait3A_682[%dma_wait3A_683] : memref<100000xf32, #tpu.memory_space<hbm>> -> memref<100000xf32, #tpu.memory_space<hbm>>
    tpu.wait_indirect_dma semaphore(%arg7 : memref<!tpu.dma_semaphore, #tpu.memory_space<semaphore_mem>>) src(%dma_wait3A_684 : memref<100000xf32, #tpu.memory_space<hbm>>) dst(%dma_wait3A_676 : memref<4096xf32, #tpu.memory_space<vmem>>)
    %dma_wait3A_685 = arith.constant 11 : i32
    %dma_wait3A_686 = arith.constant 0 : i32
    %dma_wait3A_687 = tpu.memref_slice %arg6[%dma_wait3A_685, %dma_wait3A_686] : memref<13x4096xf32, #tpu.memory_space<vmem>> -> memref<1x4096xf32, #tpu.memory_space<vmem>>
    %dma_wait3A_688 = tpu.memref_squeeze %dma_wait3A_687 : memref<1x4096xf32, #tpu.memory_space<vmem>> -> memref<4096xf32, #tpu.memory_space<vmem>>
    %dma_wait3A_689 = arith.constant 0 : i32
    %dma_wait3A_690 = tpu.memref_slice %arg5[%sub3A_502, %dma_wait3A_689] : memref<2x4096xi32, #tpu.memory_space<vmem>> -> memref<1x4096xi32, #tpu.memory_space<vmem>>
    %dma_wait3A_691 = tpu.memref_squeeze %dma_wait3A_690 : memref<1x4096xi32, #tpu.memory_space<vmem>> -> memref<4096xi32, #tpu.memory_space<vmem>>
    %dma_wait3A_692 = arith.constant 0 : i32
    %dma_wait3A_693 = tpu.memref_slice %arg2[%add3A_477, %dma_wait3A_692] : memref<416x100000xf32, #tpu.memory_space<hbm>> -> memref<1x100000xf32, #tpu.memory_space<hbm>>
    %dma_wait3A_694 = tpu.memref_squeeze %dma_wait3A_693 : memref<1x100000xf32, #tpu.memory_space<hbm>> -> memref<100000xf32, #tpu.memory_space<hbm>>
    %dma_wait3A_695 = arith.constant 0 : i32
    %dma_wait3A_696 = tpu.memref_slice %dma_wait3A_694[%dma_wait3A_695] : memref<100000xf32, #tpu.memory_space<hbm>> -> memref<100000xf32, #tpu.memory_space<hbm>>
    tpu.wait_indirect_dma semaphore(%arg7 : memref<!tpu.dma_semaphore, #tpu.memory_space<semaphore_mem>>) src(%dma_wait3A_696 : memref<100000xf32, #tpu.memory_space<hbm>>) dst(%dma_wait3A_688 : memref<4096xf32, #tpu.memory_space<vmem>>)
    %dma_wait3A_697 = arith.constant 12 : i32
    %dma_wait3A_698 = arith.constant 0 : i32
    %dma_wait3A_699 = tpu.memref_slice %arg6[%dma_wait3A_697, %dma_wait3A_698] : memref<13x4096xf32, #tpu.memory_space<vmem>> -> memref<1x4096xf32, #tpu.memory_space<vmem>>
    %dma_wait3A_700 = tpu.memref_squeeze %dma_wait3A_699 : memref<1x4096xf32, #tpu.memory_space<vmem>> -> memref<4096xf32, #tpu.memory_space<vmem>>
    %dma_wait3A_701 = arith.constant 0 : i32
    %dma_wait3A_702 = tpu.memref_slice %arg5[%sub3A_541, %dma_wait3A_701] : memref<2x4096xi32, #tpu.memory_space<vmem>> -> memref<1x4096xi32, #tpu.memory_space<vmem>>
    %dma_wait3A_703 = tpu.memref_squeeze %dma_wait3A_702 : memref<1x4096xi32, #tpu.memory_space<vmem>> -> memref<4096xi32, #tpu.memory_space<vmem>>
    %dma_wait3A_704 = arith.constant 0 : i32
    %dma_wait3A_705 = tpu.memref_slice %arg2[%add3A_516, %dma_wait3A_704] : memref<416x100000xf32, #tpu.memory_space<hbm>> -> memref<1x100000xf32, #tpu.memory_space<hbm>>
    %dma_wait3A_706 = tpu.memref_squeeze %dma_wait3A_705 : memref<1x100000xf32, #tpu.memory_space<hbm>> -> memref<100000xf32, #tpu.memory_space<hbm>>
    %dma_wait3A_707 = arith.constant 0 : i32
    %dma_wait3A_708 = tpu.memref_slice %dma_wait3A_706[%dma_wait3A_707] : memref<100000xf32, #tpu.memory_space<hbm>> -> memref<100000xf32, #tpu.memory_space<hbm>>
    tpu.wait_indirect_dma semaphore(%arg7 : memref<!tpu.dma_semaphore, #tpu.memory_space<semaphore_mem>>) src(%dma_wait3A_708 : memref<100000xf32, #tpu.memory_space<hbm>>) dst(%dma_wait3A_700 : memref<4096xf32, #tpu.memory_space<vmem>>)
    "tpu.region"() ({
      %run_scoped3A_709 = tpu.sem_alloc : memref<!tpu.dma_semaphore, #tpu.memory_space<semaphore_mem>>
      %dma_start3A_710 = arith.constant 0 : i32
      %dma_start3A_711 = tpu.memref_slice %arg4[%mul3A_2, %dma_start3A_710] : memref<416x4096xf32, #tpu.memory_space<hbm>> -> memref<13x4096xf32, #tpu.memory_space<hbm>>
      %dma_start3A_712 = arith.constant 0 : i32
      %dma_start3A_713 = tpu.memref_slice %arg4[%mul3A_2, %dma_start3A_712] : memref<416x4096xf32, #tpu.memory_space<hbm>> -> memref<13x4096xf32, #tpu.memory_space<hbm>>
      tpu.enqueue_dma source(%arg6 : memref<13x4096xf32, #tpu.memory_space<vmem>>) target(%dma_start3A_713 : memref<13x4096xf32, #tpu.memory_space<hbm>>) target_semaphore(%run_scoped3A_709 : memref<!tpu.dma_semaphore, #tpu.memory_space<semaphore_mem>>)
      %dma_wait3A_714 = arith.constant 0 : i32
      %dma_wait3A_715 = tpu.memref_slice %arg4[%mul3A_2, %dma_wait3A_714] : memref<416x4096xf32, #tpu.memory_space<hbm>> -> memref<13x4096xf32, #tpu.memory_space<hbm>>
      %dma_wait3A_716 = arith.constant 0 : i32
      %dma_wait3A_717 = tpu.memref_slice %arg4[%mul3A_2, %dma_wait3A_716] : memref<416x4096xf32, #tpu.memory_space<hbm>> -> memref<13x4096xf32, #tpu.memory_space<hbm>>
      tpu.wait_dma2 semaphore(%run_scoped3A_709 : memref<!tpu.dma_semaphore, #tpu.memory_space<semaphore_mem>>) src(%arg6 : memref<13x4096xf32, #tpu.memory_space<vmem>>) dst(%dma_wait3A_717 : memref<13x4096xf32, #tpu.memory_space<hbm>>)
      tpu.yield
    }) : () -> ()
    return
  }
}

module attributes {stable_mosaic.version = 14 : i64} {
  func.func @_tc_body(%arg0: i32, %arg1: memref<13x512xf32, #tpu.memory_space<vmem>>, %arg2: memref<416x512xf32, #tpu.memory_space<vmem>>, %arg3: memref<416x512xf32, #tpu.memory_space<vmem>>, %arg4: memref<13x16xf32, #tpu.memory_space<vmem>>, %arg5: memref<13x16xf32, #tpu.memory_space<vmem>>, %arg6: memref<1x39xf32, #tpu.memory_space<vmem>>, %arg7: memref<1x1xf32, #tpu.memory_space<vmem>>, %arg8: memref<208x1xf32, #tpu.memory_space<vmem>>, %arg9: memref<208x1xf32, #tpu.memory_space<vmem>>, %arg10: memref<400x208xf32, #tpu.memory_space<vmem>>, %arg11: memref<400x416xf32, #tpu.memory_space<vmem>>, %arg12: memref<400x1xf32, #tpu.memory_space<vmem>>, %arg13: memref<400x400xf32, #tpu.memory_space<vmem>>, %arg14: memref<400x1xf32, #tpu.memory_space<vmem>>, %arg15: memref<1x400xf32, #tpu.memory_space<vmem>>, %arg16: memref<1x1xf32, #tpu.memory_space<vmem>>, %arg17: memref<26x416xf32, #tpu.memory_space<vmem>>, %arg18: memref<416x26xf32, #tpu.memory_space<vmem>>, %arg19: memref<208x13xf32, #tpu.memory_space<vmem>>, %arg20: memref<1x512xf32, #tpu.memory_space<vmem>>, %arg21: memref<1x1xf32, #tpu.memory_space<vmem>>, %arg22: memref<208x1xf32, #tpu.memory_space<vmem>>, %arg23: memref<416x1xf32, #tpu.memory_space<vmem>>, %arg24: memref<1x1xf32, #tpu.memory_space<vmem>>) attributes {dimension_semantics = [#tpu.dimension_semantics<arbitrary>], iteration_bounds = array<i64: 8>, scalar_prefetch = 0 : i64, scratch_operands = 3 : i64, tpu.core_type = #tpu.core_type<tc>, window_params = [{transform_indices = @transform_0, window_bounds = array<i64: 13, 512>}, {transform_indices = @transform_1, window_bounds = array<i64: 416, 512>}, {transform_indices = @transform_2, window_bounds = array<i64: 416, 512>}, {pipeline_mode = #tpu.pipeline_mode<synchronous>, transform_indices = @transform_3, window_bounds = array<i64: 13, 16>}, {pipeline_mode = #tpu.pipeline_mode<synchronous>, transform_indices = @transform_4, window_bounds = array<i64: 13, 16>}, {pipeline_mode = #tpu.pipeline_mode<synchronous>, transform_indices = @transform_5, window_bounds = array<i64: 1, 39>}, {pipeline_mode = #tpu.pipeline_mode<synchronous>, transform_indices = @transform_6, window_bounds = array<i64: 1, 1>}, {pipeline_mode = #tpu.pipeline_mode<synchronous>, transform_indices = @transform_7, window_bounds = array<i64: 208, 1>}, {pipeline_mode = #tpu.pipeline_mode<synchronous>, transform_indices = @transform_8, window_bounds = array<i64: 208, 1>}, {pipeline_mode = #tpu.pipeline_mode<synchronous>, transform_indices = @transform_9, window_bounds = array<i64: 400, 208>}, {pipeline_mode = #tpu.pipeline_mode<synchronous>, transform_indices = @transform_10, window_bounds = array<i64: 400, 416>}, {pipeline_mode = #tpu.pipeline_mode<synchronous>, transform_indices = @transform_11, window_bounds = array<i64: 400, 1>}, {pipeline_mode = #tpu.pipeline_mode<synchronous>, transform_indices = @transform_12, window_bounds = array<i64: 400, 400>}, {pipeline_mode = #tpu.pipeline_mode<synchronous>, transform_indices = @transform_13, window_bounds = array<i64: 400, 1>}, {pipeline_mode = #tpu.pipeline_mode<synchronous>, transform_indices = @transform_14, window_bounds = array<i64: 1, 400>}, {pipeline_mode = #tpu.pipeline_mode<synchronous>, transform_indices = @transform_15, window_bounds = array<i64: 1, 1>}, {pipeline_mode = #tpu.pipeline_mode<synchronous>, transform_indices = @transform_16, window_bounds = array<i64: 26, 416>}, {pipeline_mode = #tpu.pipeline_mode<synchronous>, transform_indices = @transform_17, window_bounds = array<i64: 416, 26>}, {pipeline_mode = #tpu.pipeline_mode<synchronous>, transform_indices = @transform_18, window_bounds = array<i64: 208, 13>}, {transform_indices = @transform_19, window_bounds = array<i64: 1, 512>}, {pipeline_mode = #tpu.pipeline_mode<synchronous>, transform_indices = @transform_20, window_bounds = array<i64: 1, 1>}]} {
    %eq3A = arith.constant 0 : i32
    %eq3A_0 = arith.cmpi eq, %arg0, %eq3A : i32
    %convert_element_type3A = arith.extui %eq3A_0 : i1 to i32
    %cond3A = arith.constant 0 : i32
    %cond3A_1 = arith.cmpi ne, %convert_element_type3A, %cond3A : i32
    scf.if %cond3A_1 {
      %broadcast_in_dim3A_209 = arith.constant 0.000000e+00 : f32
      %broadcast_in_dim3A_210 = vector.broadcast %broadcast_in_dim3A_209 : f32 to vector<208x1xf32>
      %swap3A_211 = arith.constant 0 : index
      %swap3A_212 = arith.constant 0 : index
      %swap3A_213 = vector.load %arg22[%swap3A_211, %swap3A_212] : memref<208x1xf32, #tpu.memory_space<vmem>>, vector<208x1xf32>
      tpu.vector_store %arg22[%swap3A_211, %swap3A_212], %broadcast_in_dim3A_210 {strides = array<i32>} : memref<208x1xf32, #tpu.memory_space<vmem>>, vector<208x1xf32>,
      %broadcast_in_dim3A_214 = arith.constant 0.000000e+00 : f32
      %broadcast_in_dim3A_215 = vector.broadcast %broadcast_in_dim3A_214 : f32 to vector<416x1xf32>
      %swap3A_216 = arith.constant 0 : index
      %swap3A_217 = arith.constant 0 : index
      %swap3A_218 = vector.load %arg23[%swap3A_216, %swap3A_217] : memref<416x1xf32, #tpu.memory_space<vmem>>, vector<416x1xf32>
      tpu.vector_store %arg23[%swap3A_216, %swap3A_217], %broadcast_in_dim3A_215 {strides = array<i32>} : memref<416x1xf32, #tpu.memory_space<vmem>>, vector<416x1xf32>,
      %broadcast_in_dim3A_219 = arith.constant 0.000000e+00 : f32
      %broadcast_in_dim3A_220 = vector.broadcast %broadcast_in_dim3A_219 : f32 to vector<1x1xf32>
      %swap3A_221 = arith.constant 0 : index
      %swap3A_222 = arith.constant 0 : index
      %swap3A_223 = vector.load %arg24[%swap3A_221, %swap3A_222] : memref<1x1xf32, #tpu.memory_space<vmem>>, vector<1x1xf32>
      tpu.vector_store %arg24[%swap3A_221, %swap3A_222], %broadcast_in_dim3A_220 {strides = array<i32>} : memref<1x1xf32, #tpu.memory_space<vmem>>, vector<1x1xf32>,
    } else {
    }
    %get3A = arith.constant 0 : index
    %get3A_2 = arith.constant 0 : index
    %get3A_3 = vector.load %arg1[%get3A, %get3A_2] : memref<13x512xf32, #tpu.memory_space<vmem>>, vector<13x512xf32>
    %get3A_4 = arith.constant 0 : index
    %get3A_5 = arith.constant 0 : index
    %get3A_6 = vector.load %arg2[%get3A_4, %get3A_5] : memref<416x512xf32, #tpu.memory_space<vmem>>, vector<416x512xf32>
    %get3A_7 = arith.constant 0 : index
    %get3A_8 = arith.constant 0 : index
    %get3A_9 = vector.load %arg3[%get3A_7, %get3A_8] : memref<416x512xf32, #tpu.memory_space<vmem>>, vector<416x512xf32>
    %get3A_10 = arith.constant 0 : index
    %get3A_11 = arith.constant 0 : index
    %get3A_12 = vector.load %arg17[%get3A_10, %get3A_11] : memref<26x416xf32, #tpu.memory_space<vmem>>, vector<26x416xf32>
    %get3A_13 = arith.constant 0 : index
    %get3A_14 = arith.constant 0 : index
    %get3A_15 = vector.load %arg18[%get3A_13, %get3A_14] : memref<416x26xf32, #tpu.memory_space<vmem>>, vector<416x26xf32>
    %get3A_16 = arith.constant 0 : index
    %get3A_17 = arith.constant 0 : index
    %get3A_18 = vector.load %arg19[%get3A_16, %get3A_17] : memref<208x13xf32, #tpu.memory_space<vmem>>, vector<208x13xf32>
    %mul3A = arith.mulf %get3A_6, %get3A_6 : vector<416x512xf32>
    %dot_general3A = arith.constant dense<0.000000e+00> : vector<26x512xf32>
    %dot_general3A_19 = tpu.matmul %get3A_12, %mul3A, %dot_general3A {dimension_numbers = #tpu.dot_dimension_numbers<[1], [0], [0], [1], [0, 0, 1, 1], [], []>, transpose_lhs_hint = false} : vector<26x416xf32>, vector<416x512xf32>, vector<26x512xf32> -> vector<26x512xf32>
    %sqrt3A = math.sqrt %dot_general3A_19 : vector<26x512xf32>
    %gt3A = arith.constant 1.000000e-01 : f32
    %gt3A_20 = vector.broadcast %gt3A : f32 to vector<26x512xf32>
    %gt3A_21 = arith.cmpf ogt, %sqrt3A, %gt3A_20 : vector<26x512xf32>
    %add3A = arith.constant 1.000000e-07 : f32
    %add3A_22 = vector.broadcast %add3A : f32 to vector<26x512xf32>
    %add3A_23 = arith.addf %sqrt3A, %add3A_22 : vector<26x512xf32>
    %div3A = arith.constant 1.000000e-01 : f32
    %div3A_24 = vector.broadcast %div3A : f32 to vector<26x512xf32>
    %div3A_25 = arith.divf %div3A_24, %add3A_23 : vector<26x512xf32>
    %jit3A = arith.constant 1.000000e+00 : f32
    %broadcast_in_dim3A = vector.broadcast %jit3A : f32 to vector<26x512xf32>
    %select_n3A = arith.select %gt3A_21, %div3A_25, %broadcast_in_dim3A : vector<26x512xi1>, vector<26x512xf32>
    %dot_general3A_26 = arith.constant dense<0.000000e+00> : vector<416x512xf32>
    %dot_general3A_27 = tpu.matmul %get3A_15, %select_n3A, %dot_general3A_26 {dimension_numbers = #tpu.dot_dimension_numbers<[1], [0], [0], [1], [0, 0, 1, 1], [], []>, transpose_lhs_hint = false} : vector<416x26xf32>, vector<26x512xf32>, vector<416x512xf32> -> vector<416x512xf32>
    %mul3A_28 = arith.mulf %get3A_6, %dot_general3A_27 : vector<416x512xf32>
    %mul3A_29 = arith.mulf %get3A_9, %get3A_9 : vector<416x512xf32>
    %dot_general3A_30 = arith.constant dense<0.000000e+00> : vector<26x512xf32>
    %dot_general3A_31 = tpu.matmul %get3A_12, %mul3A_29, %dot_general3A_30 {dimension_numbers = #tpu.dot_dimension_numbers<[1], [0], [0], [1], [0, 0, 1, 1], [], []>, transpose_lhs_hint = false} : vector<26x416xf32>, vector<416x512xf32>, vector<26x512xf32> -> vector<26x512xf32>
    %sqrt3A_32 = math.sqrt %dot_general3A_31 : vector<26x512xf32>
    %gt3A_33 = arith.constant 1.000000e-01 : f32
    %gt3A_34 = vector.broadcast %gt3A_33 : f32 to vector<26x512xf32>
    %gt3A_35 = arith.cmpf ogt, %sqrt3A_32, %gt3A_34 : vector<26x512xf32>
    %add3A_36 = arith.constant 1.000000e-07 : f32
    %add3A_37 = vector.broadcast %add3A_36 : f32 to vector<26x512xf32>
    %add3A_38 = arith.addf %sqrt3A_32, %add3A_37 : vector<26x512xf32>
    %div3A_39 = arith.constant 1.000000e-01 : f32
    %div3A_40 = vector.broadcast %div3A_39 : f32 to vector<26x512xf32>
    %div3A_41 = arith.divf %div3A_40, %add3A_38 : vector<26x512xf32>
    %jit3A_42 = arith.constant 1.000000e+00 : f32
    %broadcast_in_dim3A_43 = vector.broadcast %jit3A_42 : f32 to vector<26x512xf32>
    %select_n3A_44 = arith.select %gt3A_35, %div3A_41, %broadcast_in_dim3A_43 : vector<26x512xi1>, vector<26x512xf32>
    %dot_general3A_45 = arith.constant dense<0.000000e+00> : vector<416x512xf32>
    %dot_general3A_46 = tpu.matmul %get3A_15, %select_n3A_44, %dot_general3A_45 {dimension_numbers = #tpu.dot_dimension_numbers<[1], [0], [0], [1], [0, 0, 1, 1], [], []>, transpose_lhs_hint = false} : vector<416x26xf32>, vector<26x512xf32>, vector<416x512xf32> -> vector<416x512xf32>
    %mul3A_47 = arith.mulf %get3A_9, %dot_general3A_46 : vector<416x512xf32>
    %get3A_48 = arith.constant 0 : index
    %get3A_49 = arith.constant 0 : index
    %get3A_50 = vector.load %arg4[%get3A_48, %get3A_49] : memref<13x16xf32, #tpu.memory_space<vmem>>, vector<13x16xf32>
    %reduce_sum3A = arith.constant dense<0.000000e+00> : vector<13xf32>
    %reduce_sum3A_51 = vector.multi_reduction <add>, %get3A_50, %reduce_sum3A [1] : vector<13x16xf32> to vector<13xf32>
    %broadcast_in_dim3A_52 = vector.shape_cast %reduce_sum3A_51 : vector<13xf32> to vector<13x1xf32>
    %get3A_53 = arith.constant 0 : index
    %get3A_54 = arith.constant 0 : index
    %get3A_55 = vector.load %arg5[%get3A_53, %get3A_54] : memref<13x16xf32, #tpu.memory_space<vmem>>, vector<13x16xf32>
    %reduce_sum3A_56 = arith.constant dense<0.000000e+00> : vector<13xf32>
    %reduce_sum3A_57 = vector.multi_reduction <add>, %get3A_55, %reduce_sum3A_56 [1] : vector<13x16xf32> to vector<13xf32>
    %broadcast_in_dim3A_58 = vector.shape_cast %reduce_sum3A_57 : vector<13xf32> to vector<13x1xf32>
    %mul3A_59 = vector.broadcast %broadcast_in_dim3A_52 : vector<13x1xf32> to vector<13x512xf32>
    %mul3A_60 = arith.mulf %get3A_3, %mul3A_59 : vector<13x512xf32>
    %add3A_61 = vector.broadcast %broadcast_in_dim3A_58 : vector<13x1xf32> to vector<13x512xf32>
    %add3A_62 = arith.addf %mul3A_60, %add3A_61 : vector<13x512xf32>
    %dot_general3A_63 = arith.constant dense<0.000000e+00> : vector<26x512xf32>
    %dot_general3A_64 = tpu.matmul %get3A_12, %mul3A_28, %dot_general3A_63 {dimension_numbers = #tpu.dot_dimension_numbers<[1], [0], [0], [1], [0, 0, 1, 1], [], []>, transpose_lhs_hint = false} : vector<26x416xf32>, vector<416x512xf32>, vector<26x512xf32> -> vector<26x512xf32>
    %get3A_65 = arith.constant 0 : index
    %get3A_66 = arith.constant 0 : index
    %get3A_67 = vector.load %arg6[%get3A_65, %get3A_66] : memref<1x39xf32, #tpu.memory_space<vmem>>, vector<1x39xf32>
    %slice3A = vector.extract_strided_slice %get3A_67 {offsets = [0, 0], sizes = [1, 13], strides = [1, 1]} : vector<1x39xf32> to vector<1x13xf32>
    %dot_general3A_68 = arith.constant dense<0.000000e+00> : vector<1x512xf32>
    %dot_general3A_69 = tpu.matmul %slice3A, %add3A_62, %dot_general3A_68 {dimension_numbers = #tpu.dot_dimension_numbers<[1], [0], [0], [1], [0, 0, 1, 1], [], []>, transpose_lhs_hint = false} : vector<1x13xf32>, vector<13x512xf32>, vector<1x512xf32> -> vector<1x512xf32>
    %slice3A_70 = vector.extract_strided_slice %get3A_67 {offsets = [0, 13], sizes = [1, 26], strides = [1, 1]} : vector<1x39xf32> to vector<1x26xf32>
    %dot_general3A_71 = arith.constant dense<0.000000e+00> : vector<1x512xf32>
    %dot_general3A_72 = tpu.matmul %slice3A_70, %dot_general3A_64, %dot_general3A_71 {dimension_numbers = #tpu.dot_dimension_numbers<[1], [0], [0], [1], [0, 0, 1, 1], [], []>, transpose_lhs_hint = false} : vector<1x26xf32>, vector<26x512xf32>, vector<1x512xf32> -> vector<1x512xf32>
    %add3A_73 = arith.addf %dot_general3A_69, %dot_general3A_72 : vector<1x512xf32>
    %get3A_74 = arith.constant 0 : index
    %get3A_75 = arith.constant 0 : index
    %get3A_76 = vector.load %arg7[%get3A_74, %get3A_75] : memref<1x1xf32, #tpu.memory_space<vmem>>, vector<1x1xf32>
    %get3A_77 = vector.extract %get3A_76[0, 0] : f32 from vector<1x1xf32>
    %add3A_78 = vector.broadcast %get3A_77 : f32 to vector<1x512xf32>
    %add3A_79 = arith.addf %add3A_73, %add3A_78 : vector<1x512xf32>
    %dot_general3A_80 = arith.constant dense<0.000000e+00> : vector<208x512xf32>
    %dot_general3A_81 = tpu.matmul %get3A_18, %get3A_3, %dot_general3A_80 {dimension_numbers = #tpu.dot_dimension_numbers<[1], [0], [0], [1], [0, 0, 1, 1], [], []>, transpose_lhs_hint = false} : vector<208x13xf32>, vector<13x512xf32>, vector<208x512xf32> -> vector<208x512xf32>
    %get3A_82 = arith.constant 0 : index
    %get3A_83 = arith.constant 0 : index
    %get3A_84 = vector.load %arg8[%get3A_82, %get3A_83] : memref<208x1xf32, #tpu.memory_space<vmem>>, vector<208x1xf32>
    %mul3A_85 = vector.broadcast %get3A_84 : vector<208x1xf32> to vector<208x512xf32>
    %mul3A_86 = arith.mulf %dot_general3A_81, %mul3A_85 : vector<208x512xf32>
    %get3A_87 = arith.constant 0 : index
    %get3A_88 = arith.constant 0 : index
    %get3A_89 = vector.load %arg9[%get3A_87, %get3A_88] : memref<208x1xf32, #tpu.memory_space<vmem>>, vector<208x1xf32>
    %add3A_90 = vector.broadcast %get3A_89 : vector<208x1xf32> to vector<208x512xf32>
    %add3A_91 = arith.addf %mul3A_86, %add3A_90 : vector<208x512xf32>
    %get3A_92 = arith.constant 0 : index
    %get3A_93 = arith.constant 0 : index
    %get3A_94 = vector.load %arg22[%get3A_92, %get3A_93] : memref<208x1xf32, #tpu.memory_space<vmem>>, vector<208x1xf32>
    %reduce_sum3A_95 = arith.constant dense<0.000000e+00> : vector<208xf32>
    %reduce_sum3A_96 = vector.multi_reduction <add>, %add3A_91, %reduce_sum3A_95 [1] : vector<208x512xf32> to vector<208xf32>
    %broadcast_in_dim3A_97 = vector.shape_cast %reduce_sum3A_96 : vector<208xf32> to vector<208x1xf32>
    %add3A_98 = arith.addf %get3A_94, %broadcast_in_dim3A_97 : vector<208x1xf32>
    %swap3A = arith.constant 0 : index
    %swap3A_99 = arith.constant 0 : index
    %swap3A_100 = vector.load %arg22[%swap3A, %swap3A_99] : memref<208x1xf32, #tpu.memory_space<vmem>>, vector<208x1xf32>
    tpu.vector_store %arg22[%swap3A, %swap3A_99], %add3A_98 {strides = array<i32>} : memref<208x1xf32, #tpu.memory_space<vmem>>, vector<208x1xf32>,
    %get3A_101 = arith.constant 0 : index
    %get3A_102 = arith.constant 0 : index
    %get3A_103 = vector.load %arg23[%get3A_101, %get3A_102] : memref<416x1xf32, #tpu.memory_space<vmem>>, vector<416x1xf32>
    %reduce_sum3A_104 = arith.constant dense<0.000000e+00> : vector<416xf32>
    %reduce_sum3A_105 = vector.multi_reduction <add>, %mul3A_47, %reduce_sum3A_104 [1] : vector<416x512xf32> to vector<416xf32>
    %broadcast_in_dim3A_106 = vector.shape_cast %reduce_sum3A_105 : vector<416xf32> to vector<416x1xf32>
    %add3A_107 = arith.addf %get3A_103, %broadcast_in_dim3A_106 : vector<416x1xf32>
    %swap3A_108 = arith.constant 0 : index
    %swap3A_109 = arith.constant 0 : index
    %swap3A_110 = vector.load %arg23[%swap3A_108, %swap3A_109] : memref<416x1xf32, #tpu.memory_space<vmem>>, vector<416x1xf32>
    tpu.vector_store %arg23[%swap3A_108, %swap3A_109], %add3A_107 {strides = array<i32>} : memref<416x1xf32, #tpu.memory_space<vmem>>, vector<416x1xf32>,
    %get3A_111 = arith.constant 0 : index
    %get3A_112 = arith.constant 0 : index
    %get3A_113 = vector.load %arg24[%get3A_111, %get3A_112] : memref<1x1xf32, #tpu.memory_space<vmem>>, vector<1x1xf32>
    %mul3A_114 = arith.mulf %add3A_91, %add3A_91 : vector<208x512xf32>
    %reduce_sum3A_115 = vector.shape_cast %mul3A_114 : vector<208x512xf32> to vector<1x208x512xf32>
    %reduce_sum3A_116 = arith.constant dense<0.000000e+00> : vector<1xf32>
    %reduce_sum3A_117 = vector.multi_reduction <add>, %reduce_sum3A_115, %reduce_sum3A_116 [1, 2] : vector<1x208x512xf32> to vector<1xf32>
    %reduce_sum3A_118 = vector.shape_cast %reduce_sum3A_117 : vector<1xf32> to vector<1x1x1xf32>
    %reduce_sum3A_119 = vector.extract %reduce_sum3A_118[0, 0, 0] : f32 from vector<1x1x1xf32>
    %broadcast_in_dim3A_120 = vector.broadcast %reduce_sum3A_119 : f32 to vector<1x1xf32>
    %mul3A_121 = arith.mulf %mul3A_47, %mul3A_47 : vector<416x512xf32>
    %reduce_sum3A_122 = vector.shape_cast %mul3A_121 : vector<416x512xf32> to vector<1x416x512xf32>
    %reduce_sum3A_123 = arith.constant dense<0.000000e+00> : vector<1xf32>
    %reduce_sum3A_124 = vector.multi_reduction <add>, %reduce_sum3A_122, %reduce_sum3A_123 [1, 2] : vector<1x416x512xf32> to vector<1xf32>
    %reduce_sum3A_125 = vector.shape_cast %reduce_sum3A_124 : vector<1xf32> to vector<1x1x1xf32>
    %reduce_sum3A_126 = vector.extract %reduce_sum3A_125[0, 0, 0] : f32 from vector<1x1x1xf32>
    %broadcast_in_dim3A_127 = vector.broadcast %reduce_sum3A_126 : f32 to vector<1x1xf32>
    %add3A_128 = arith.addf %broadcast_in_dim3A_120, %broadcast_in_dim3A_127 : vector<1x1xf32>
    %add3A_129 = arith.addf %get3A_113, %add3A_128 : vector<1x1xf32>
    %swap3A_130 = arith.constant 0 : index
    %swap3A_131 = arith.constant 0 : index
    %swap3A_132 = vector.load %arg24[%swap3A_130, %swap3A_131] : memref<1x1xf32, #tpu.memory_space<vmem>>, vector<1x1xf32>
    tpu.vector_store %arg24[%swap3A_130, %swap3A_131], %add3A_129 {strides = array<i32>} : memref<1x1xf32, #tpu.memory_space<vmem>>, vector<1x1xf32>,
    %get3A_133 = arith.constant 0 : index
    %get3A_134 = arith.constant 0 : index
    %get3A_135 = vector.load %arg10[%get3A_133, %get3A_134] : memref<400x208xf32, #tpu.memory_space<vmem>>, vector<400x208xf32>
    %dot_general3A_136 = arith.constant dense<0.000000e+00> : vector<400x512xf32>
    %dot_general3A_137 = tpu.matmul %get3A_135, %add3A_91, %dot_general3A_136 {dimension_numbers = #tpu.dot_dimension_numbers<[1], [0], [0], [1], [0, 0, 1, 1], [], []>, transpose_lhs_hint = false} : vector<400x208xf32>, vector<208x512xf32>, vector<400x512xf32> -> vector<400x512xf32>
    %get3A_138 = arith.constant 0 : index
    %get3A_139 = arith.constant 0 : index
    %get3A_140 = vector.load %arg11[%get3A_138, %get3A_139] : memref<400x416xf32, #tpu.memory_space<vmem>>, vector<400x416xf32>
    %dot_general3A_141 = arith.constant dense<0.000000e+00> : vector<400x512xf32>
    %dot_general3A_142 = tpu.matmul %get3A_140, %mul3A_47, %dot_general3A_141 {dimension_numbers = #tpu.dot_dimension_numbers<[1], [0], [0], [1], [0, 0, 1, 1], [], []>, transpose_lhs_hint = false} : vector<400x416xf32>, vector<416x512xf32>, vector<400x512xf32> -> vector<400x512xf32>
    %add3A_143 = arith.addf %dot_general3A_137, %dot_general3A_142 : vector<400x512xf32>
    %get3A_144 = arith.constant 0 : index
    %get3A_145 = arith.constant 0 : index
    %get3A_146 = vector.load %arg12[%get3A_144, %get3A_145] : memref<400x1xf32, #tpu.memory_space<vmem>>, vector<400x1xf32>
    %add3A_147 = vector.broadcast %get3A_146 : vector<400x1xf32> to vector<400x512xf32>
    %add3A_148 = arith.addf %add3A_143, %add3A_147 : vector<400x512xf32>
    %max3A = arith.constant 0.000000e+00 : f32
    %max3A_149 = vector.broadcast %max3A : f32 to vector<400x512xf32>
    %max3A_150 = arith.maximumf %add3A_148, %max3A_149 : vector<400x512xf32>
    %get3A_151 = arith.constant 0 : index
    %get3A_152 = arith.constant 0 : index
    %get3A_153 = vector.load %arg13[%get3A_151, %get3A_152] : memref<400x400xf32, #tpu.memory_space<vmem>>, vector<400x400xf32>
    %dot_general3A_154 = arith.constant dense<0.000000e+00> : vector<400x512xf32>
    %dot_general3A_155 = tpu.matmul %get3A_153, %max3A_150, %dot_general3A_154 {dimension_numbers = #tpu.dot_dimension_numbers<[1], [0], [0], [1], [0, 0, 1, 1], [], []>, transpose_lhs_hint = false} : vector<400x400xf32>, vector<400x512xf32>, vector<400x512xf32> -> vector<400x512xf32>
    %get3A_156 = arith.constant 0 : index
    %get3A_157 = arith.constant 0 : index
    %get3A_158 = vector.load %arg14[%get3A_156, %get3A_157] : memref<400x1xf32, #tpu.memory_space<vmem>>, vector<400x1xf32>
    %add3A_159 = vector.broadcast %get3A_158 : vector<400x1xf32> to vector<400x512xf32>
    %add3A_160 = arith.addf %dot_general3A_155, %add3A_159 : vector<400x512xf32>
    %max3A_161 = arith.constant 0.000000e+00 : f32
    %max3A_162 = vector.broadcast %max3A_161 : f32 to vector<400x512xf32>
    %max3A_163 = arith.maximumf %add3A_160, %max3A_162 : vector<400x512xf32>
    %get3A_164 = arith.constant 0 : index
    %get3A_165 = arith.constant 0 : index
    %get3A_166 = vector.load %arg15[%get3A_164, %get3A_165] : memref<1x400xf32, #tpu.memory_space<vmem>>, vector<1x400xf32>
    %dot_general3A_167 = arith.constant dense<0.000000e+00> : vector<1x512xf32>
    %dot_general3A_168 = tpu.matmul %get3A_166, %max3A_163, %dot_general3A_167 {dimension_numbers = #tpu.dot_dimension_numbers<[1], [0], [0], [1], [0, 0, 1, 1], [], []>, transpose_lhs_hint = false} : vector<1x400xf32>, vector<400x512xf32>, vector<1x512xf32> -> vector<1x512xf32>
    %get3A_169 = arith.constant 0 : index
    %get3A_170 = arith.constant 0 : index
    %get3A_171 = vector.load %arg16[%get3A_169, %get3A_170] : memref<1x1xf32, #tpu.memory_space<vmem>>, vector<1x1xf32>
    %get3A_172 = vector.extract %get3A_171[0, 0] : f32 from vector<1x1xf32>
    %add3A_173 = vector.broadcast %get3A_172 : f32 to vector<1x512xf32>
    %add3A_174 = arith.addf %dot_general3A_168, %add3A_173 : vector<1x512xf32>
    %add3A_175 = arith.addf %add3A_79, %add3A_174 : vector<1x512xf32>
    %swap3A_176 = arith.constant 0 : index
    %swap3A_177 = arith.constant 0 : index
    %swap3A_178 = vector.load %arg20[%swap3A_176, %swap3A_177] : memref<1x512xf32, #tpu.memory_space<vmem>>, vector<1x512xf32>
    tpu.vector_store %arg20[%swap3A_176, %swap3A_177], %add3A_175 {strides = array<i32>} : memref<1x512xf32, #tpu.memory_space<vmem>>, vector<1x512xf32>,
    %get3A_179 = arith.constant 0 : index
    %get3A_180 = arith.constant 0 : index
    %get3A_181 = vector.load %arg22[%get3A_179, %get3A_180] : memref<208x1xf32, #tpu.memory_space<vmem>>, vector<208x1xf32>
    %get3A_182 = arith.constant 0 : index
    %get3A_183 = arith.constant 0 : index
    %get3A_184 = vector.load %arg23[%get3A_182, %get3A_183] : memref<416x1xf32, #tpu.memory_space<vmem>>, vector<416x1xf32>
    %mul3A_185 = arith.mulf %get3A_181, %get3A_181 : vector<208x1xf32>
    %reduce_sum3A_186 = vector.shape_cast %mul3A_185 : vector<208x1xf32> to vector<1x208x1xf32>
    %reduce_sum3A_187 = arith.constant dense<0.000000e+00> : vector<1xf32>
    %reduce_sum3A_188 = vector.multi_reduction <add>, %reduce_sum3A_186, %reduce_sum3A_187 [1, 2] : vector<1x208x1xf32> to vector<1xf32>
    %reduce_sum3A_189 = vector.shape_cast %reduce_sum3A_188 : vector<1xf32> to vector<1x1x1xf32>
    %reduce_sum3A_190 = vector.extract %reduce_sum3A_189[0, 0, 0] : f32 from vector<1x1x1xf32>
    %broadcast_in_dim3A_191 = vector.broadcast %reduce_sum3A_190 : f32 to vector<1x1xf32>
    %mul3A_192 = arith.mulf %get3A_184, %get3A_184 : vector<416x1xf32>
    %reduce_sum3A_193 = vector.shape_cast %mul3A_192 : vector<416x1xf32> to vector<1x416x1xf32>
    %reduce_sum3A_194 = arith.constant dense<0.000000e+00> : vector<1xf32>
    %reduce_sum3A_195 = vector.multi_reduction <add>, %reduce_sum3A_193, %reduce_sum3A_194 [1, 2] : vector<1x416x1xf32> to vector<1xf32>
    %reduce_sum3A_196 = vector.shape_cast %reduce_sum3A_195 : vector<1xf32> to vector<1x1x1xf32>
    %reduce_sum3A_197 = vector.extract %reduce_sum3A_196[0, 0, 0] : f32 from vector<1x1x1xf32>
    %broadcast_in_dim3A_198 = vector.broadcast %reduce_sum3A_197 : f32 to vector<1x1xf32>
    %add3A_199 = arith.addf %broadcast_in_dim3A_191, %broadcast_in_dim3A_198 : vector<1x1xf32>
    %get3A_200 = arith.constant 0 : index
    %get3A_201 = arith.constant 0 : index
    %get3A_202 = vector.load %arg24[%get3A_200, %get3A_201] : memref<1x1xf32, #tpu.memory_space<vmem>>, vector<1x1xf32>
    %sub3A = arith.subf %add3A_199, %get3A_202 : vector<1x1xf32>
    %mul3A_203 = arith.constant 5.000000e-01 : f32
    %mul3A_204 = vector.broadcast %mul3A_203 : f32 to vector<1x1xf32>
    %mul3A_205 = arith.mulf %mul3A_204, %sub3A : vector<1x1xf32>
    %swap3A_206 = arith.constant 0 : index
    %swap3A_207 = arith.constant 0 : index
    %swap3A_208 = vector.load %arg21[%swap3A_206, %swap3A_207] : memref<1x1xf32, #tpu.memory_space<vmem>>, vector<1x1xf32>
    tpu.vector_store %arg21[%swap3A_206, %swap3A_207], %mul3A_205 {strides = array<i32>} : memref<1x1xf32, #tpu.memory_space<vmem>>, vector<1x1xf32>,
    return
  }
  func.func @transform_0(%arg0: i32) -> (i32, i32) {
    %c0_i32 = arith.constant 0 : i32
    %c0_i32_0 = arith.constant 0 : i32
    return %c0_i32, %arg0 : i32, i32
  }
  func.func @transform_1(%arg0: i32) -> (i32, i32) {
    %c0_i32 = arith.constant 0 : i32
    %c0_i32_0 = arith.constant 0 : i32
    return %c0_i32, %arg0 : i32, i32
  }
  func.func @transform_2(%arg0: i32) -> (i32, i32) {
    %c0_i32 = arith.constant 0 : i32
    %c0_i32_0 = arith.constant 0 : i32
    return %c0_i32, %arg0 : i32, i32
  }
  func.func @transform_3(%arg0: i32) -> (i32, i32) {
    %c0_i32 = arith.constant 0 : i32
    %c0_i32_0 = arith.constant 0 : i32
    %c0_i32_1 = arith.constant 0 : i32
    return %c0_i32, %c0_i32_0 : i32, i32
  }
  func.func @transform_4(%arg0: i32) -> (i32, i32) {
    %c0_i32 = arith.constant 0 : i32
    %c0_i32_0 = arith.constant 0 : i32
    %c0_i32_1 = arith.constant 0 : i32
    return %c0_i32, %c0_i32_0 : i32, i32
  }
  func.func @transform_5(%arg0: i32) -> (i32, i32) {
    %c0_i32 = arith.constant 0 : i32
    %c0_i32_0 = arith.constant 0 : i32
    %c0_i32_1 = arith.constant 0 : i32
    return %c0_i32, %c0_i32_0 : i32, i32
  }
  func.func @transform_6(%arg0: i32) -> (i32, i32) {
    %c0_i32 = arith.constant 0 : i32
    %c0_i32_0 = arith.constant 0 : i32
    %c0_i32_1 = arith.constant 0 : i32
    return %c0_i32, %c0_i32_0 : i32, i32
  }
  func.func @transform_7(%arg0: i32) -> (i32, i32) {
    %c0_i32 = arith.constant 0 : i32
    %c0_i32_0 = arith.constant 0 : i32
    %c0_i32_1 = arith.constant 0 : i32
    return %c0_i32, %c0_i32_0 : i32, i32
  }
  func.func @transform_8(%arg0: i32) -> (i32, i32) {
    %c0_i32 = arith.constant 0 : i32
    %c0_i32_0 = arith.constant 0 : i32
    %c0_i32_1 = arith.constant 0 : i32
    return %c0_i32, %c0_i32_0 : i32, i32
  }
  func.func @transform_9(%arg0: i32) -> (i32, i32) {
    %c0_i32 = arith.constant 0 : i32
    %c0_i32_0 = arith.constant 0 : i32
    %c0_i32_1 = arith.constant 0 : i32
    return %c0_i32, %c0_i32_0 : i32, i32
  }
  func.func @transform_10(%arg0: i32) -> (i32, i32) {
    %c0_i32 = arith.constant 0 : i32
    %c0_i32_0 = arith.constant 0 : i32
    %c0_i32_1 = arith.constant 0 : i32
    return %c0_i32, %c0_i32_0 : i32, i32
  }
  func.func @transform_11(%arg0: i32) -> (i32, i32) {
    %c0_i32 = arith.constant 0 : i32
    %c0_i32_0 = arith.constant 0 : i32
    %c0_i32_1 = arith.constant 0 : i32
    return %c0_i32, %c0_i32_0 : i32, i32
  }
  func.func @transform_12(%arg0: i32) -> (i32, i32) {
    %c0_i32 = arith.constant 0 : i32
    %c0_i32_0 = arith.constant 0 : i32
    %c0_i32_1 = arith.constant 0 : i32
    return %c0_i32, %c0_i32_0 : i32, i32
  }
  func.func @transform_13(%arg0: i32) -> (i32, i32) {
    %c0_i32 = arith.constant 0 : i32
    %c0_i32_0 = arith.constant 0 : i32
    %c0_i32_1 = arith.constant 0 : i32
    return %c0_i32, %c0_i32_0 : i32, i32
  }
  func.func @transform_14(%arg0: i32) -> (i32, i32) {
    %c0_i32 = arith.constant 0 : i32
    %c0_i32_0 = arith.constant 0 : i32
    %c0_i32_1 = arith.constant 0 : i32
    return %c0_i32, %c0_i32_0 : i32, i32
  }
  func.func @transform_15(%arg0: i32) -> (i32, i32) {
    %c0_i32 = arith.constant 0 : i32
    %c0_i32_0 = arith.constant 0 : i32
    %c0_i32_1 = arith.constant 0 : i32
    return %c0_i32, %c0_i32_0 : i32, i32
  }
  func.func @transform_16(%arg0: i32) -> (i32, i32) {
    %c0_i32 = arith.constant 0 : i32
    %c0_i32_0 = arith.constant 0 : i32
    %c0_i32_1 = arith.constant 0 : i32
    return %c0_i32, %c0_i32_0 : i32, i32
  }
  func.func @transform_17(%arg0: i32) -> (i32, i32) {
    %c0_i32 = arith.constant 0 : i32
    %c0_i32_0 = arith.constant 0 : i32
    %c0_i32_1 = arith.constant 0 : i32
    return %c0_i32, %c0_i32_0 : i32, i32
  }
  func.func @transform_18(%arg0: i32) -> (i32, i32) {
    %c0_i32 = arith.constant 0 : i32
    %c0_i32_0 = arith.constant 0 : i32
    %c0_i32_1 = arith.constant 0 : i32
    return %c0_i32, %c0_i32_0 : i32, i32
  }
  func.func @transform_19(%arg0: i32) -> (i32, i32) {
    %c0_i32 = arith.constant 0 : i32
    %c0_i32_0 = arith.constant 0 : i32
    return %c0_i32, %arg0 : i32, i32
  }
  func.func @transform_20(%arg0: i32) -> (i32, i32) {
    %c0_i32 = arith.constant 0 : i32
    %c0_i32_0 = arith.constant 0 : i32
    %c0_i32_1 = arith.constant 0 : i32
    return %c0_i32, %c0_i32_0 : i32, i32
  }
}

</mosaic_0001>

<sc_bundles>
// kernel: kernel.5.cloned.1.call-start
scs
__scs_entry_jumppad:
0x0: {  	(pc) =	sbr.rel $0x88, $3  }
0x1: {  	(tag) =	ssettag $0x0;
	lr =	simm.s32 $0x1  }
0x2: {  	[smem:$0x3F92] =	sst lr;
	_ =	strace $0xD0000000  }
0x3: {  	_ = 	snop  }
0x4: {  	_ = 	snop  }
0x5: {  	_ = 	snop  }
0x6: {  	_ = 	snop  }
0x7: {  	_ = 	snop  }
__scs_overlays_trampoline_lowered:
0x8: {  	[smem:$0x3FA1] =	sst s0  }
0x9: {  	[smem:$0x3FA2] =	sst s1  }
0xa: {  	[smem:$0x3FA3] =	sst s2  }
0xb: {  	[smem:$0x3FA4] =	sst s3  }
0xc: {  	[smem:$0x3FA5] =	sst s4  }
0xd: {  	[smem:$0x3FA6] =	sst s5  }
0xe: {  	[smem:$0x3FA7] =	sst s6  }
0xf: {  	[smem:$0x3FA8] =	sst s7  }
0x10: {  	[smem:$0x3FA9] =	sst s8  }
0x11: {  	[smem:$0x3FAA] =	sst s9;
	s0 =	simm.s32 @!p0 $0x0  }
0x12: {  	s1 =	sld [smem:$0x3F90];
	s0 =	simm.s32 @p0 $0x1  }
0x13: {  	[smem:$0x3FAB] =	sst s0;
	s0 =	simm.s32 @!p1 $0x0  }
0x14: {  	s2 =	sld [smem:$0x3F8F];
	s0 =	simm.s32 @p1 $0x1  }
0x15: {  	[smem:$0x3FAC] =	sst s0;
	s0 =	simm.s32 @!p2 $0x0  }
0x16: {  	s3 =	sld [smem:$0x3FDB];
	s0 =	simm.s32 @p2 $0x1  }
0x17: {  	s4 =	simm.s32 $0x1BF5;
	[smem:$0x3FAE] =	sst s0  }
0x18: {  	s0 =	sld [smem:$0x3F91];
	_ =	swait.ge [sflag:s4], $0x0  }
0x19: {  	s7 =	sld [smem:$0x3F92]  }
0x1a: {  	s8 =	sadd.s32 $0xFFFFE003, lr  }
0x1b: {  	s9 =	sadd.s32 $0xFFFFFEF7, lr;
	s5 =	simm.s32 $0xFFFFFFFF;
	p2 =	slt.u32 s8, $0xFFFFF086  }
0x1c: {  	p1 =	slt.u32 s9, $0xF7A;
	s5 =	simm.s32 @!p2 $0x0  }
0x1d: {  	s5 =	simm.s32 @p1 $0x1;
	p0 =	seq.s32 s7, s2  }
0x1e: {  	s7 =	smul.u32 @!p0 $0xF7A, s2;
	p2 =	seq.s32 @!p0 s5, $0x0  }
0x1f: {  	s9 =	smul.u32 $0xF7A, s1;
	s8 =	simm.s32 @!p0 $0x1BF5;
	p2 =	por !p2, p0  }
0x20: {  	[sflag:s8] =	ssyncset.s32 @!p0 $0xFFFFF086;
	s6 =	sadd.s32 @!p0 s3, s7;
	s7 =	simm.s32 @!p0 $0x108  }
0x21: {  	s3 =	sadd.s32 s3, s9;
	s6 =	sadd.s32 @!p0 $0x88, s6;
	s7 =	simm.s32 @p2 $0x1082  }
0x22: {  	[simem:s7], [sflag:s8] =	dma.local @!p0 [hbm:s6], $0xF7A  }
0x23: {  	s9 =	sor.u32 $0xD0000000, s2;
	s6 =	simm.s32 $0x108;
	_ =	swait.ge @!p0 [sflag:s8], $0x0  }
0x24: {  	s3 =	sadd.s32 $0x88, s3;
	s6 =	simm.s32 @!p1 $0x1082;
	[sflag:s4] =	ssyncset.s32 $0xFFFFF086  }
0x25: {  	[simem:s6], [sflag:s4] =	dma.local [hbm:s3], $0xF7A  }
0x26: {  	[smem:$0x3F92] =	sst s1;
	(tag) =	ssettag s2;
	_ =	strace s9  }
0x27: {  	s1 =	sld [smem:$0x3FA2]  }
0x28: {  	s2 =	sld [smem:$0x3FA3]  }
0x29: {  	s4 =	sld [smem:$0x3FA5]  }
0x2a: {  	p0 =	seq.s32 s5, $0x0;
	s5 =	sld [smem:$0x3FA6]  }
0x2b: {  	s6 =	sld [smem:$0x3FA7]  }
0x2c: {  	s7 =	sld [smem:$0x3FA8]  }
0x2d: {  	s3 =	simm.s32 $0x108;
	s8 =	sld [smem:$0x3FA9]  }
0x2e: {  	s3 =	simm.s32 @!p0 $0x1082;
	s9 =	sld [smem:$0x3FAA]  }
0x2f: {  	lr =	sadd.s32 s0, s3;
	s0 =	sld [smem:$0x3FA1]  }
0x30: {  	s3 =	sld [smem:$0x3FA4]  }
0x31: {  	[smem:$0x3FAD] =	sst s10  }
0x32: {  	s10 =	sld [smem:$0x3FAB];
	_ =	sdelay $0x3  }
0x33: {  	p0 =	seq.s32 s10, $0x1;
	s10 =	sld [smem:$0x3FAD];
	_ =	sdelay $0x3  }
0x34: {  	[smem:$0x3FAD] =	sst s10  }
0x35: {  	s10 =	sld [smem:$0x3FAC];
	_ =	sdelay $0x3  }
0x36: {  	p1 =	seq.s32 s10, $0x1;
	s10 =	sld [smem:$0x3FAD];
	_ =	sdelay $0x3  }
0x37: {  	[smem:$0x3FAD] =	sst s10  }
0x38: {  	s10 =	sld [smem:$0x3FAE]  }
0x39: {  	_ = 	snop;
	(pc) =	sbr.ind lr, $3  }
0x3a: {  	_ = 	snop  }
0x3b: {  	_ = 	snop  }
0x3c: {  	p2 =	seq.s32 s10, $0x1;
	s10 =	sld [smem:$0x3FAD]  }
0x3d: {  	_ =	shalt  }
0x3e: {  	_ =	shalt  }
0x3f: {  	_ =	shalt  }
0x40: {  	_ =	shalt  }
0x41: {  	_ =	shalt  }
0x42: {  	_ =	shalt  }
0x43: {  	_ =	shalt  }
0x44: {  	_ =	shalt  }
0x45: {  	_ =	shalt  }
0x46: {  	_ =	shalt  }
0x47: {  	_ =	shalt  }
0x48: {  	_ =	shalt  }
0x49: {  	_ =	shalt  }
0x4a: {  	_ =	shalt  }
0x4b: {  	_ =	shalt  }
0x4c: {  	_ =	shalt  }
0x4d: {  	_ =	shalt  }
0x4e: {  	_ =	shalt  }
0x4f: {  	_ =	shalt  }
0x50: {  	_ =	shalt  }
0x51: {  	_ =	shalt  }
0x52: {  	_ =	shalt  }
0x53: {  	_ =	shalt  }
0x54: {  	_ =	shalt  }
0x55: {  	_ =	shalt  }
0x56: {  	_ =	shalt  }
0x57: {  	_ =	shalt  }
0x58: {  	_ =	shalt  }
0x59: {  	_ =	shalt  }
0x5a: {  	_ =	shalt  }
0x5b: {  	_ =	shalt  }
0x5c: {  	_ =	shalt  }
0x5d: {  	_ =	shalt  }
0x5e: {  	_ =	shalt  }
0x5f: {  	_ =	shalt  }
0x60: {  	_ =	shalt  }
0x61: {  	_ =	shalt  }
0x62: {  	_ =	shalt  }
0x63: {  	_ =	shalt  }
0x64: {  	_ =	shalt  }
0x65: {  	_ =	shalt  }
0x66: {  	_ =	shalt  }
0x67: {  	_ =	shalt  }
0x68: {  	_ =	shalt  }
0x69: {  	_ =	shalt  }
0x6a: {  	_ =	shalt  }
0x6b: {  	_ =	shalt  }
0x6c: {  	_ =	shalt  }
0x6d: {  	_ =	shalt  }
0x6e: {  	_ =	shalt  }
0x6f: {  	_ =	shalt  }
0x70: {  	_ =	shalt  }
0x71: {  	_ =	shalt  }
0x72: {  	_ =	shalt  }
0x73: {  	_ =	shalt  }
0x74: {  	_ =	shalt  }
0x75: {  	_ =	shalt  }
0x76: {  	_ =	shalt  }
0x77: {  	_ =	shalt  }
0x78: {  	_ =	shalt  }
0x79: {  	_ =	shalt  }
0x7a: {  	_ =	shalt  }
0x7b: {  	_ =	shalt  }
0x7c: {  	_ =	shalt  }
0x7d: {  	_ =	shalt  }
0x7e: {  	_ =	shalt  }
0x7f: {  	_ =	shalt  }
0x80: {  	_ =	shalt  }
0x81: {  	_ =	shalt  }
0x82: {  	_ =	shalt  }
0x83: {  	_ =	shalt  }
0x84: {  	_ =	shalt  }
0x85: {  	_ =	shalt  }
0x86: {  	_ =	shalt  }
0x87: {  	_ =	shalt  }
.Lfunc_end0:
.L_simem_size_0:
called_computation_lowered:
.L_overlay_start_0:
0x88: {  	s2 =	sld [smem:$0x3FD9]  }
0x89: {  	s3 =	sld [smem:$0x3FFE];
	_ =	sdelay $0x1  }
0x8a: {  	s1 =	srdreg.scid  }
0x8b: {  	s0 =	sand.u32 $0x1, s1  }
0x8c: {  	s17 =	sshll.u32 s0, $0xA;
	s2 =	sadd.s32 s3, s2  }
0x8d: {  	s2 =	sadd.s32 s2, s17  }
0x8e: {  	[smem:$0x3FB9] =	sst s2  }
0x8f: {  	_ = 	snop  }
0x90: {  	(tm) =	ssettm $0x1  }
0x91: {  	s18 =	sld [smem:$0x3FFB];
	_ =	sdelay $0x3  }
0x92: {  	_ =	strace s18  }
0x93: {  	s2 =	sld [smem:$0x3FFC];
	_ =	sdelay $0x3  }
0x94: {  	_ =	strace s2  }
0x95: {  	s2 =	sld [smem:$0x3FFD];
	_ =	sdelay $0x3  }
0x96: {  	_ =	strace s2  }
0x97: {  	_ =	strace $0x8FFFFFFF  }
0x98: {  	s19 =	sld [smem:$0x3FDB];
	_ =	sdelay $0x1  }
0x99: {  	s20 =	simm.s32 $_scs_section_size  }
0x9a: {  	s4 =	simm.s32 $_size__tile_overlayer_lowered;
	s5 =	simm.s32 $_tile_overlayer_lowered  }
0x9b: {  	s6 =	simm.s32 $0x1BFF;
	s21 =	sshll.u32 s5, $0x1;
	s3 =	sadd.s32 s20, s19  }
0x9c: {  	s22 =	simm.s32 $0x0;
	s4 =	sshll.u32 s4, $0x1;
	s5 =	sadd.s32 s21, s3  }
0x9d: {  	[timem:s22], [sflag:s6] =	dma.local [hbm:s5], s4  }
0x9e: {  	_ =	swait.ge [sflag:s6], s4  }
0x9f: {  	s4 =	ssub.s32 $0x0, s4;
	[sflag:s6] =	ssyncset.done $0x0  }
0xa0: {  	[sflag:s6] =	ssyncadd.s32 s4;
	_ =	sdelay $0x1  }
0xa1: {  	s23 =	simm.s32 $0x1B8B  }
0xa2: {  	_ =	swait.ge [sflag:s23], $0x1  }
0xa3: {  	[sflag:s23] =	ssyncset.done $0x0  }
0xa4: {  	[sflag:s23] =	ssyncadd.s32 $0xFFFFFFFF  }
0xa5: {  	s4 =	sld [smem:$0x0]  }
0xa6: {  	s5 =	sand.u32 $0xFFFFFFFE, s1  }
0xa7: {  	p0 =	sne.s32 s1, s5  }
0xa8: {  	s5 =	sshll.u32 @p0 s5, $0xE  }
0xa9: {  	s5 =	sadd.s32 @p0 $0x11B8D, s5;
	s6 =	sshll.u32 @p0 s4, $0x11  }
0xaa: {  	s5 =	sor.u32 @p0 s6, s5  }
0xab: {  	[sflag:s5] =	ssyncadd.remote.s32 @p0 $0x1;
	_ =	sdelay $0x1  }
0xac: {  	s5 =	simm.s32 @p0 $0x1B8D  }
0xad: {  	_ =	swait.eq @p0 [sflag:s5], $0x1  }
0xae: {  	[sflag:s5] =	ssyncadd.s32 @p0 $0xFFFFFFFF  }
0xaf: {  	s6 =	sshll.u32 @!p0 s1, $0xE  }
0xb0: {  	s6 =	sor.u32 @!p0 $0x4000, s6;
	s5 =	simm.s32 @!p0 $0x1B8D  }
0xb1: {  	s4 =	sshll.u32 @!p0 s4, $0x11;
	s6 =	sadd.s32 @!p0 $0x11B8D, s6;
	_ =	swait.eq @!p0 [sflag:s5], $0x1  }
0xb2: {  	s4 =	sor.u32 @!p0 s4, s6;
	[sflag:s5] =	ssyncadd.s32 @!p0 $0xFFFFFFFF  }
0xb3: {  	s25 =	simm.s32 $0x1B8E;
	s24 =	sld [smem:$0x3FFE];
	[sflag:s4] =	ssyncadd.remote.s32 @!p0 $0x1  }
0xb4: {  	s26 =	simm.s32 $execute0_lowered;
	[smem:$0x3FD2] =	sst s25  }
0xb5: {  	s5 =	sshll.u32 s26, $0x1;
	_ =	strace $0x80000049;
	[dreg:$0x1] =	wrdreg $0xFFFFFFFF  }
0xb6: {  	s28 =	simm.s32 $_size_execute0_lowered;
	s3 =	sadd.s32 s3, s5;
	[dreg:$0x0] =	wrdreg $0x0  }
0xb7: {  	s5 =	sshll.u32 s28, $0x1;
	[dreg:$0x2] =	wrdreg s3  }
0xb8: {  	[dreg:$0x3] =	wrdreg s5  }
0xb9: {  	[dreg:$0x4] =	wrdreg $0xC0  }
0xba: {  	_ =	task [dreg:s22], $0x5FFFF  }
0xbb: {  	[dreg:$0x1] =	wrdreg $0xFFFFFFFF  }
0xbc: {  	[dreg:$0x0] =	wrdreg $0x60  }
0xbd: {  	[dreg:$0x2] =	wrdreg s24  }
0xbe: {  	[dreg:$0x3] =	wrdreg $0x9  }
0xbf: {  	_ =	task.clear_ibuf [dreg:s22], $0x4FFFF;
	_ =	strace $0x90000049  }
0xc0: {  	s29 =	simm.s32 $0x9;
	_ =	strace $0x8000004B  }
0xc1: {  	_ =	swait.ge [sflag:s29], $0x1  }
0xc2: {  	[sflag:s29] =	ssyncadd.s32 $0xFFFFFFFF  }
0xc3: {  	_ =	strace $0x9000004B  }
0xc4: {  	_ =	sfence  }
0xc5: {  	s30 =	sld [smem:$0x0];
	_ =	sdelay $0x2  }
0xc6: {  	s31 =	sshll.u32 s1, $0xD;
	s1 =	sshrl.u32 s1, $0x2  }
0xc7: {  	s4 =	sand.u32 $0x4000, s31;
	s1 =	sadd.s32 s1, s30  }
0xc8: {  	s0 =	sor.u32 s4, s0;
	s1 =	sshll.u32 s1, $0x11  }
0xc9: {  	s0 =	sor.u32 s1, s0  }
0xca: {  	s0 =	sadd.s32 $0x8F2B, s0  }
0xcb: {  	[sflag:s0] =	ssyncadd.remote.s32 $0x1  }
0xcc: {  	_ =	sfence.sel $0xFFFF  }
0xcd: {  	[dreg:$0x0] =	wrdreg $0xFFFFFFFF;
	(pc) =	sbr.abs _section_cstart, $3  }
0xce: {  	[dreg:$0x1] =	wrdreg $0xFFFFFFFF  }
0xcf: {  	_ =	task.clear_ibuf [dreg:s22], $0x2FFFF;
	_ =	strace $0x9FFFFFFF  }
0xd0: {  	(tm) =	ssettm $0x7FFFFFFF  }
0xd1: {  	_ =	shalt  }
tec
execute0_lowered:
.L_overlay_start_1:
0x0: {  	(tag) =	ssettag $0x1  }
0x1: {  	s0 =	srdreg.scid;
	s3 =	stileid.u32  }
0x2: {  	s1 =	sand.u32 $0x1, s0;
	s12 =	sshll.u32 s3, $0x1  }
0x3: {  	s4 =	rddreg [dreg:$0x0];
	s2 =	simm.s32 $0x0;
	s0 =	sor.u32 s1, s12  }
0x4: {  	[smem:$0x7FF] =	sst s2;
	s13 =	sadd.s32 $0x52EC00, s4;
	s16 =	smul.u32 $0xD, s0  }
0x5: {  	s4 =	sadd.s32 $0x1E00, s4;
	_ =	strace $0x8000004A;
	s19 =	smul.u32 $0x27AC4, s0  }
0x6: {  	s20 =	sshrl.u32 s16, $0x4;
	s6 =	sadd.s32 $0xC, s16;
	s5 =	sshll.u32 s16, $0x5  }
0x7: {  	s8 =	sadd.s32 $0x1, s16;
	s17 =	sadd.s32 $0x2, s16;
	s23 =	sadd.s32 $0x3, s16  }
0x8: {  	s3 =	sadd.s32 s13, s19;
	s31 =	sadd.s32 $0x4, s16;
	s10 =	sadd.s32 $0x5, s16  }
0x9: {  	s19 =	sadd.s32 $0x7, s16;
	s5 =	sand.u32 $0x3E00, s5;
	s7 =	sshll.u32 s6, $0x5  }
0xa: {  	s9 =	sshrl.u32 s8, $0x4;
	s18 =	smul.u32 $0x30D4, s8;
	s24 =	sshrl.u32 s23, $0x4  }
0xb: {  	s26 =	sadd.s32 $0x61A8, s3;
	s11 =	sshrl.u32 s10, $0x4;
	s5 =	sadd.s32 s4, s5  }
0xc: {  	s7 =	sand.u32 $0x7E00, s7;
	s14 =	ssub.s32 s9, s20;
	[dreg:$0x7] =	wrdreg s26  }
0xd: {  	s25 =	ssub.s32 s24, s20;
	s9 =	sadd.s32 $0x927C, s3;
	[dreg:$0x2] =	wrdreg s5  }
0xe: {  	s12 =	ssub.s32 s11, s20;
	s4 =	sadd.s32 s4, s7;
	[dreg:$0x9] =	wrdreg s9  }
0xf: {  	s15 =	sshll.u32 s14, $0xE;
	s22 =	sadd.s32 s13, s18;
	[dreg:$0x3] =	wrdreg s4  }
0x10: {  	s5 =	sshrl.u32 s17, $0x4;
	s7 =	sshrl.u32 s31, $0x4;
	[dreg:$0x5] =	wrdreg s22  }
0x11: {  	s4 =	sshra.s32 s15, $0x2;
	s21 =	ssub.s32 s5, s20;
	s24 =	rddreg [dreg:$0x2]  }
0x12: {  	s13 =	sadd.s32 $0xC350, s3;
	[dreg:$0x4] =	wrdreg s4;
	s4 =	sshll.u32 s21, $0xE  }
0x13: {  	[tilespmem:s2], [sflag:$0x2] =	stream.linear.gather [hbm4b:s24+s2], $0x1000, $0x38;
	[tilespmem:$0xF000] =	vst v63  }
0x14: {  	s14 =	sadd.s32 $0x6, s16;
	[dreg:$0xb] =	wrdreg s13;
	s4 =	sshra.s32 s4, $0x2  }
0x15: {  	s18 =	sadd.s32 $0xF424, s3;
	[dreg:$0x6] =	wrdreg s4;
	s4 =	sshll.u32 s25, $0xE  }
0x16: {  	s8 =	ssub.s32 s7, s20;
	[dreg:$0xd] =	wrdreg s18;
	s4 =	sshra.s32 s4, $0x2  }
0x17: {  	s15 =	sshrl.u32 s14, $0x4;
	[dreg:$0x8] =	wrdreg s4;
	s4 =	sshll.u32 s8, $0xE  }
0x18: {  	s22 =	sadd.s32 $0x124F8, s3;
	s17 =	ssub.s32 s15, s20;
	s4 =	sshra.s32 s4, $0x2  }
0x19: {  	s21 =	sshrl.u32 s19, $0x4;
	[dreg:$0xa] =	wrdreg s4;
	s4 =	sshll.u32 s12, $0xE  }
0x1a: {  	[dreg:$0xf] =	wrdreg s22;
	s5 =	ssub.s32 s21, s20;
	s4 =	sshra.s32 s4, $0x2  }
0x1b: {  	s25 =	sadd.s32 $0x155CC, s3;
	[dreg:$0xc] =	wrdreg s4;
	s4 =	sshll.u32 s17, $0xE  }
0x1c: {  	s23 =	sshll.u32 s5, $0xE;
	[dreg:$0x11] =	wrdreg s25;
	s4 =	sshra.s32 s4, $0x2  }
0x1d: {  	[dreg:$0xe] =	wrdreg s4;
	s4 =	sshra.s32 s23, $0x2  }
0x1e: {  	[dreg:$0x10] =	wrdreg s4;
	s4 =	simm.s32 $0x2  }
0x1f: {  	_ =	swait.ge [sflag:s4], $0x1000  }
0x20: {  	[sflag:s4] =	ssyncset.done $0x0  }
0x21: {  	s5 =	simm.s32 $0x1000;
	s26 =	rddreg [dreg:$0x3];
	[sflag:s4] =	ssyncadd.s32 $0xFFFFF000  }
0x22: {  	[tilespmem:s5], [sflag:$0x2] =	stream.linear.gather [hbm4b:s26+s2], $0x1000, $0x38;
	[tilespmem:$0xF000] =	vst v63  }
0x23: {  	_ =	swait.ge [sflag:s4], $0x1000  }
0x24: {  	s17 =	rddreg [dreg:$0x11]  }
0x25: {  	s14 =	rddreg [dreg:$0xf]  }
0x26: {  	s13 =	rddreg [dreg:$0xd]  }
0x27: {  	s31 =	sadd.s32 $0x8, s16;
	s12 =	rddreg [dreg:$0xb]  }
0x28: {  	s30 =	simm.s32 $0xE000;
	s7 =	sshrl.u32 s31, $0x4;
	s11 =	rddreg [dreg:$0x8]  }
0x29: {  	s9 =	simm.s32 $0x7000;
	s7 =	ssub.s32 s7, s20;
	s10 =	rddreg [dreg:$0x6]  }
0x2a: {  	s19 =	simm.s32 $0x3000;
	s22 =	sadd.s32 $0x9, s16;
	s8 =	rddreg [dreg:$0x4]  }
0x2b: {  	s21 =	sshrl.u32 s6, $0x4;
	[sflag:s4] =	ssyncset.done $0x0;
	s15 =	rddreg [dreg:$0x5]  }
0x2c: {  	s6 =	simm.s32 $0x2000;
	s18 =	rddreg [dreg:$0x7];
	[sflag:s4] =	ssyncadd.s32 $0xFFFFF000  }
0x2d: {  	[tilespmem:s6], [sflag:$0x1] =	stream.indirect.gather [hbm4b:s3+s5], $0x1, s2, s5, $0xb8;
	[tilespmem:$0xF000] =	vst v63  }
0x2e: {  	s24 =	simm.s32 $0x5000;
	s7 =	sshll.u32 s7, $0xE;
	s25 =	rddreg [dreg:$0xa]  }
0x2f: {  	[tilespmem:s19], [sflag:$0x1] =	stream.indirect.gather [hbm4b:s15+s5], $0x1, s8, s5, $0xb8;
	[tilespmem:$0xF000] =	vst v63  }
0x30: {  	s23 =	simm.s32 $0x4000;
	s31 =	rddreg [dreg:$0xc];
	s15 =	sshrl.u32 s22, $0x4  }
0x31: {  	[tilespmem:s23], [sflag:$0x1] =	stream.indirect.gather [hbm4b:s18+s5], $0x1, s10, s5, $0xb8;
	[tilespmem:$0xF000] =	vst v63  }
0x32: {  	s7 =	sshra.s32 s7, $0x2;
	s19 =	rddreg [dreg:$0x9];
	s15 =	ssub.s32 s15, s20  }
0x33: {  	[tilespmem:s24], [sflag:$0x1] =	stream.indirect.gather [hbm4b:s19+s5], $0x1, s11, s5, $0xb8;
	[tilespmem:$0xF000] =	vst v63  }
0x34: {  	s26 =	simm.s32 $0x6000;
	s22 =	rddreg [dreg:$0x10];
	s15 =	sshll.u32 s15, $0xE  }
0x35: {  	[tilespmem:s26], [sflag:$0x1] =	stream.indirect.gather [hbm4b:s12+s5], $0x1, s25, s5, $0xb8;
	[tilespmem:$0xF000] =	vst v63  }
0x36: {  	s10 =	rddreg [dreg:$0xe];
	s23 =	simm.s32 $0x9000;
	s11 =	sadd.s32 $0xA, s16  }
0x37: {  	[tilespmem:s9], [sflag:$0x1] =	stream.indirect.gather [hbm4b:s13+s5], $0x1, s31, s5, $0xb8;
	[tilespmem:$0xF000] =	vst v63  }
0x38: {  	s15 =	sshra.s32 s15, $0x2;
	s16 =	sadd.s32 $0xB, s16;
	s13 =	sshrl.u32 s11, $0x4  }
0x39: {  	s19 =	sshrl.u32 s16, $0x4;
	s12 =	simm.s32 $0x8000;
	s18 =	ssub.s32 s13, s20  }
0x3a: {  	[tilespmem:s12], [sflag:$0x1] =	stream.indirect.gather [hbm4b:s14+s5], $0x1, s10, s5, $0xb8;
	[tilespmem:$0xF000] =	vst v63  }
0x3b: {  	s24 =	ssub.s32 s19, s20;
	s25 =	simm.s32 $0xA000;
	s18 =	sshll.u32 s18, $0xE  }
0x3c: {  	[tilespmem:s23], [sflag:$0x1] =	stream.indirect.gather [hbm4b:s17+s5], $0x1, s22, s5, $0xb8;
	[tilespmem:$0xF000] =	vst v63  }
0x3d: {  	s26 =	simm.s32 $0xB000;
	s14 =	sadd.s32 $0x186A0, s3;
	s18 =	sshra.s32 s18, $0x2  }
0x3e: {  	[tilespmem:s25], [sflag:$0x1] =	stream.indirect.gather [hbm4b:s14+s5], $0x1, s7, s5, $0xb8;
	[tilespmem:$0xF000] =	vst v63  }
0x3f: {  	s17 =	sadd.s32 $0x1B774, s3;
	s22 =	sshll.u32 s24, $0xE;
	s24 =	ssub.s32 s21, s20  }
0x40: {  	[tilespmem:s26], [sflag:$0x1] =	stream.indirect.gather [hbm4b:s17+s5], $0x1, s15, s5, $0xb8;
	[tilespmem:$0xF000] =	vst v63  }
0x41: {  	s23 =	simm.s32 $0xC000;
	s21 =	sshra.s32 s22, $0x2;
	s22 =	sadd.s32 $0x1E848, s3  }
0x42: {  	[tilespmem:s23], [sflag:$0x1] =	stream.indirect.gather [hbm4b:s22+s5], $0x1, s18, s5, $0xb8;
	[tilespmem:$0xF000] =	vst v63  }
0x43: {  	s25 =	simm.s32 $0xD000;
	s26 =	sshll.u32 s24, $0xE;
	s24 =	sadd.s32 $0x2191C, s3  }
0x44: {  	[tilespmem:s25], [sflag:$0x1] =	stream.indirect.gather [hbm4b:s24+s5], $0x1, s21, s5, $0xb8;
	[tilespmem:$0xF000] =	vst v63  }
0x45: {  	s28 =	simm.s32 $0x1;
	s29 =	sadd.s32 $0x249F0, s3;
	s26 =	sshra.s32 s26, $0x2  }
0x46: {  	[tilespmem:s30], [sflag:$0x1] =	stream.indirect.gather [hbm4b:s29+s5], $0x1, s26, s5, $0xb8;
	[tilespmem:$0xF000] =	vst v63  }
0x47: {  	_ =	swait.ge [sflag:s28], $0x1000  }
0x48: {  	[sflag:s28] =	ssyncset.done $0x0  }
0x49: {  	[sflag:s28] =	ssyncadd.s32 $0xFFFFF000  }
0x4a: {  	_ =	swait.ge [sflag:s28], $0x1000  }
0x4b: {  	[sflag:s28] =	ssyncset.done $0x0  }
0x4c: {  	[sflag:s28] =	ssyncadd.s32 $0xFFFFF000  }
0x4d: {  	_ =	swait.ge [sflag:s28], $0x1000  }
0x4e: {  	[sflag:s28] =	ssyncset.done $0x0  }
0x4f: {  	[sflag:s28] =	ssyncadd.s32 $0xFFFFF000  }
0x50: {  	_ =	swait.ge [sflag:s28], $0x1000  }
0x51: {  	[sflag:s28] =	ssyncset.done $0x0  }
0x52: {  	[sflag:s28] =	ssyncadd.s32 $0xFFFFF000  }
0x53: {  	_ =	swait.ge [sflag:s28], $0x1000  }
0x54: {  	[sflag:s28] =	ssyncset.done $0x0  }
0x55: {  	[sflag:s28] =	ssyncadd.s32 $0xFFFFF000  }
0x56: {  	_ =	swait.ge [sflag:s28], $0x1000  }
0x57: {  	[sflag:s28] =	ssyncset.done $0x0  }
0x58: {  	[sflag:s28] =	ssyncadd.s32 $0xFFFFF000  }
0x59: {  	_ =	swait.ge [sflag:s28], $0x1000  }
0x5a: {  	[sflag:s28] =	ssyncset.done $0x0  }
0x5b: {  	[sflag:s28] =	ssyncadd.s32 $0xFFFFF000  }
0x5c: {  	_ =	swait.ge [sflag:s28], $0x1000  }
0x5d: {  	[sflag:s28] =	ssyncset.done $0x0  }
0x5e: {  	[sflag:s28] =	ssyncadd.s32 $0xFFFFF000  }
0x5f: {  	_ =	swait.ge [sflag:s28], $0x1000  }
0x60: {  	[sflag:s28] =	ssyncset.done $0x0  }
0x61: {  	[sflag:s28] =	ssyncadd.s32 $0xFFFFF000  }
0x62: {  	s1 =	ssub.s32 $0x2, s1;
	_ =	swait.ge [sflag:s28], $0x1000  }
0x63: {  	s31 =	sshrl.u32 s1, $0x1;
	[sflag:s28] =	ssyncset.done $0x0  }
0x64: {  	s1 =	ssub.s32 s1, s31;
	[sflag:s28] =	ssyncadd.s32 $0xFFFFF000  }
0x65: {  	s1 =	smax.u32 s1, $0x1;
	_ =	swait.ge [sflag:s28], $0x1000  }
0x66: {  	p0 =	sne.s32 s1, $0x1;
	[sflag:s28] =	ssyncset.done $0x0  }
.Ltmp0:
0x67: {  	[sflag:s28] =	ssyncadd.s32 $0xFFFFF000;
	(pc) =	sbr.rel @!p0 .LBB2_3-.Ltmp0, $4  }
0x68: {  	s0 =	smul.u32 $0x1A00, s0;
	_ =	swait.ge [sflag:s28], $0x1000  }
0x69: {  	s31 =	rddreg [dreg:$0x0]  }
0x6a: {  	[sflag:s28] =	ssyncset.done $0x0;
	s0 =	sadd.s32 s0, s31  }
0x6b: {  	s1 =	sadd.s32 $0xFFFFFFFF, s1;
	[sflag:s28] =	ssyncadd.s32 $0xFFFFF000;
	s0 =	sadd.s32 $0xA24600, s0  }
0x6c: {  	s20 =	simm.s32 $0x3000  }
.LBB2_2:
0x6d: {  	_ =	swait.ge [sflag:s28], $0x1000  }
0x6e: {  	[sflag:s28] =	ssyncset.done $0x0  }
0x6f: {  	[sflag:s28] =	ssyncadd.s32 $0xFFFFF000  }
0x70: {  	[hbm4b:s0+s2] =	stream.linear.scatter [tilespmem:s6], [sflag:$0x2], $0xD000, $0x38;
	[tilespmem:$0xF000] =	vst v63  }
0x71: {  	_ =	swait.ge [sflag:s4], $0xD000  }
0x72: {  	[sflag:s4] =	ssyncset.done $0x0  }
0x73: {  	s31 =	rddreg [dreg:$0x2];
	[sflag:s4] =	ssyncadd.s32 $0xFFFF3000  }
0x74: {  	[tilespmem:s2], [sflag:$0x2] =	stream.linear.gather [hbm4b:s31+s2], $0x1000, $0x38;
	[tilespmem:$0xF000] =	vst v63  }
0x75: {  	_ =	swait.ge [sflag:s4], $0x1000  }
0x76: {  	[sflag:s4] =	ssyncset.done $0x0  }
0x77: {  	s16 =	rddreg [dreg:$0x3];
	[sflag:s4] =	ssyncadd.s32 $0xFFFFF000  }
0x78: {  	[tilespmem:s5], [sflag:$0x2] =	stream.linear.gather [hbm4b:s16+s2], $0x1000, $0x38;
	[tilespmem:$0xF000] =	vst v63  }
0x79: {  	_ =	swait.ge [sflag:s4], $0x1000  }
0x7a: {  	s31 =	rddreg [dreg:$0x11]  }
0x7b: {  	s8 =	rddreg [dreg:$0xf]  }
0x7c: {  	s9 =	rddreg [dreg:$0xd]  }
0x7d: {  	s10 =	rddreg [dreg:$0xb]  }
0x7e: {  	s11 =	rddreg [dreg:$0x8]  }
0x7f: {  	[sflag:s4] =	ssyncset.done $0x0;
	s12 =	rddreg [dreg:$0x6]  }
0x80: {  	s13 =	rddreg [dreg:$0x4];
	[sflag:s4] =	ssyncadd.s32 $0xFFFFF000  }
0x81: {  	[tilespmem:s6], [sflag:$0x1] =	stream.indirect.gather [hbm4b:s3+s5], $0x1, s2, s5, $0xb8;
	[tilespmem:$0xF000] =	vst v63  }
0x82: {  	s16 =	rddreg [dreg:$0x5]  }
0x83: {  	[tilespmem:s20], [sflag:$0x1] =	stream.indirect.gather [hbm4b:s16+s5], $0x1, s13, s5, $0xb8;
	[tilespmem:$0xF000] =	vst v63  }
0x84: {  	s19 =	rddreg [dreg:$0x7];
	s16 =	simm.s32 $0x4000  }
0x85: {  	[tilespmem:s16], [sflag:$0x1] =	stream.indirect.gather [hbm4b:s19+s5], $0x1, s12, s5, $0xb8;
	[tilespmem:$0xF000] =	vst v63  }
0x86: {  	s13 =	rddreg [dreg:$0x9];
	s19 =	simm.s32 $0x5000  }
0x87: {  	[tilespmem:s19], [sflag:$0x1] =	stream.indirect.gather [hbm4b:s13+s5], $0x1, s11, s5, $0xb8;
	[tilespmem:$0xF000] =	vst v63  }
0x88: {  	s12 =	rddreg [dreg:$0xa];
	s19 =	simm.s32 $0x6000  }
0x89: {  	[tilespmem:s19], [sflag:$0x1] =	stream.indirect.gather [hbm4b:s10+s5], $0x1, s12, s5, $0xb8;
	[tilespmem:$0xF000] =	vst v63  }
0x8a: {  	s11 =	rddreg [dreg:$0xc];
	s19 =	simm.s32 $0x7000  }
0x8b: {  	[tilespmem:s19], [sflag:$0x1] =	stream.indirect.gather [hbm4b:s9+s5], $0x1, s11, s5, $0xb8;
	[tilespmem:$0xF000] =	vst v63  }
0x8c: {  	s16 =	rddreg [dreg:$0xe];
	s13 =	simm.s32 $0x8000  }
0x8d: {  	[tilespmem:s13], [sflag:$0x1] =	stream.indirect.gather [hbm4b:s8+s5], $0x1, s16, s5, $0xb8;
	[tilespmem:$0xF000] =	vst v63  }
0x8e: {  	s12 =	rddreg [dreg:$0x10];
	s16 =	simm.s32 $0x9000  }
0x8f: {  	[tilespmem:s16], [sflag:$0x1] =	stream.indirect.gather [hbm4b:s31+s5], $0x1, s12, s5, $0xb8;
	[tilespmem:$0xF000] =	vst v63  }
0x90: {  	s19 =	simm.s32 $0xA000  }
0x91: {  	[tilespmem:s19], [sflag:$0x1] =	stream.indirect.gather [hbm4b:s14+s5], $0x1, s7, s5, $0xb8;
	[tilespmem:$0xF000] =	vst v63  }
0x92: {  	s31 =	simm.s32 $0xB000  }
0x93: {  	[tilespmem:s31], [sflag:$0x1] =	stream.indirect.gather [hbm4b:s17+s5], $0x1, s15, s5, $0xb8;
	[tilespmem:$0xF000] =	vst v63  }
0x94: {  	_ = 	snop  }
0x95: {  	[tilespmem:s23], [sflag:$0x1] =	stream.indirect.gather [hbm4b:s22+s5], $0x1, s18, s5, $0xb8;
	[tilespmem:$0xF000] =	vst v63  }
0x96: {  	_ = 	snop  }
0x97: {  	[tilespmem:s25], [sflag:$0x1] =	stream.indirect.gather [hbm4b:s24+s5], $0x1, s21, s5, $0xb8;
	[tilespmem:$0xF000] =	vst v63  }
0x98: {  	_ = 	snop  }
0x99: {  	[tilespmem:s30], [sflag:$0x1] =	stream.indirect.gather [hbm4b:s29+s5], $0x1, s26, s5, $0xb8;
	[tilespmem:$0xF000] =	vst v63  }
0x9a: {  	_ =	swait.ge [sflag:s28], $0x1000  }
0x9b: {  	[sflag:s28] =	ssyncset.done $0x0  }
0x9c: {  	[sflag:s28] =	ssyncadd.s32 $0xFFFFF000  }
0x9d: {  	_ =	swait.ge [sflag:s28], $0x1000  }
0x9e: {  	[sflag:s28] =	ssyncset.done $0x0  }
0x9f: {  	[sflag:s28] =	ssyncadd.s32 $0xFFFFF000  }
0xa0: {  	_ =	swait.ge [sflag:s28], $0x1000  }
0xa1: {  	[sflag:s28] =	ssyncset.done $0x0  }
0xa2: {  	[sflag:s28] =	ssyncadd.s32 $0xFFFFF000  }
0xa3: {  	_ =	swait.ge [sflag:s28], $0x1000  }
0xa4: {  	[sflag:s28] =	ssyncset.done $0x0  }
0xa5: {  	[sflag:s28] =	ssyncadd.s32 $0xFFFFF000  }
0xa6: {  	_ =	swait.ge [sflag:s28], $0x1000  }
0xa7: {  	[sflag:s28] =	ssyncset.done $0x0  }
0xa8: {  	[sflag:s28] =	ssyncadd.s32 $0xFFFFF000  }
0xa9: {  	_ =	swait.ge [sflag:s28], $0x1000  }
0xaa: {  	[sflag:s28] =	ssyncset.done $0x0  }
0xab: {  	[sflag:s28] =	ssyncadd.s32 $0xFFFFF000  }
0xac: {  	_ =	swait.ge [sflag:s28], $0x1000  }
0xad: {  	[sflag:s28] =	ssyncset.done $0x0  }
0xae: {  	[sflag:s28] =	ssyncadd.s32 $0xFFFFF000  }
0xaf: {  	_ =	swait.ge [sflag:s28], $0x1000  }
0xb0: {  	[sflag:s28] =	ssyncset.done $0x0  }
0xb1: {  	[sflag:s28] =	ssyncadd.s32 $0xFFFFF000  }
0xb2: {  	_ =	swait.ge [sflag:s28], $0x1000  }
0xb3: {  	[sflag:s28] =	ssyncset.done $0x0  }
0xb4: {  	[sflag:s28] =	ssyncadd.s32 $0xFFFFF000  }
0xb5: {  	_ =	swait.ge [sflag:s28], $0x1000  }
0xb6: {  	[sflag:s28] =	ssyncset.done $0x0  }
0xb7: {  	[sflag:s28] =	ssyncadd.s32 $0xFFFFF000  }
0xb8: {  	p0 =	sne.s32 s1, $0x1;
	_ =	swait.ge [sflag:s28], $0x1000  }
.Ltmp1:
0xb9: {  	[sflag:s28] =	ssyncset.done $0x0;
	(pc) =	sbr.rel @p0 .LBB2_2-.Ltmp1, $4  }
0xba: {  	[sflag:s28] =	ssyncadd.s32 $0xFFFFF000  }
0xbb: {  	_ =	swait.ge [sflag:s28], $0x1000  }
0xbc: {  	[sflag:s28] =	ssyncset.done $0x0  }
0xbd: {  	s1 =	sadd.s32 $0xFFFFFFFF, s1;
	[sflag:s28] =	ssyncadd.s32 $0xFFFFF000  }
.LBB2_3:
0xbe: {  	_ =	swait.ge [sflag:s28], $0x1000  }
0xbf: {  	[sflag:s28] =	ssyncset.done $0x0  }
0xc0: {  	[sflag:s28] =	ssyncadd.s32 $0xFFFFF000  }
0xc1: {  	[hbm4b:s0+s2] =	stream.linear.scatter [tilespmem:s6], [sflag:$0x2], $0xD000, $0x38;
	[tilespmem:$0xF000] =	vst v63  }
0xc2: {  	_ =	swait.ge [sflag:s4], $0xD000  }
0xc3: {  	[sflag:s4] =	ssyncset.done $0x0  }
0xc4: {  	[sflag:s4] =	ssyncadd.s32 $0xFFFF3000  }
0xc5: {  	_ =	sfence.sel $0x180000  }
0xc6: {  	[bflag:$0x0] =	sbarrier.arrive $0xFFFF  }
0xc7: {  	_ =	strace $0x9000004A  }
0xc8: {  	s31 =	stileid.u32;
	[bflag:$0x2] =	sbarrier.arrive $0xFFFF  }
0xc9: {  	p0 =	sne.s32 s31, $0x0;
	s0 =	rddreg [dreg:$0x1]  }
0xca: {  	s0 =	sadd.s32 @!p0 $0x100000, s0  }
0xcb: {  	[sflag:s0] =	ssyncadd.tile.s32 @!p0 $0x1;
	_ =	shalt  }
.Lfunc_end2:
_tile_overlayer_lowered:
.L_overlay_start_2:
0xcc: {  	(tag) =	ssettag $0x2  }
0xcd: {  	s0 =	rddreg [dreg:$0x0];
	s2 =	stileid.u32  }
0xce: {  	s1 =	rddreg [dreg:$0x1];
	p0 =	sne.s32 s2, $0x0  }
0xcf: {  	s3 =	rddreg [dreg:$0x2];
	[bflag:$0x3] =	sbarrier.arrive $0xFFFF;
	s2 =	simm.s32 @!p0 $0x1C02  }
0xd0: {  	[timem:s3], [sflag:s2] =	dma.local @!p0 [hbm:s0], s1  }
0xd1: {  	s0 =	simm.s32 @!p0 $0x2  }
0xd2: {  	_ =	swait.ge @!p0 [sflag:s0], s1  }
0xd3: {  	s1 =	ssub.s32 @!p0 $0x0, s1;
	[sflag:s0] =	ssyncset.done @!p0 $0x0  }
0xd4: {  	[sflag:s0] =	ssyncadd.s32 @!p0 s1  }
0xd5: {  	[bflag:$0x3] =	sbarrier.arrive $0xFFFF  }
0xd6: {  	_ =	shalt  }

// kernel: kernel.8.cloned.1.call-start
scs
__scs_entry_jumppad:
0x0: {  	(pc) =	sbr.rel $0x88, $3  }
0x1: {  	(tag) =	ssettag $0x0;
	lr =	simm.s32 $0x1  }
0x2: {  	[smem:$0x3F92] =	sst lr;
	_ =	strace $0xD0000000  }
0x3: {  	_ = 	snop  }
0x4: {  	_ = 	snop  }
0x5: {  	_ = 	snop  }
0x6: {  	_ = 	snop  }
0x7: {  	_ = 	snop  }
__scs_overlays_trampoline_lowered:
0x8: {  	[smem:$0x3FA1] =	sst s0  }
0x9: {  	[smem:$0x3FA2] =	sst s1  }
0xa: {  	[smem:$0x3FA3] =	sst s2  }
0xb: {  	[smem:$0x3FA4] =	sst s3  }
0xc: {  	[smem:$0x3FA5] =	sst s4  }
0xd: {  	[smem:$0x3FA6] =	sst s5  }
0xe: {  	[smem:$0x3FA7] =	sst s6  }
0xf: {  	[smem:$0x3FA8] =	sst s7  }
0x10: {  	[smem:$0x3FA9] =	sst s8  }
0x11: {  	[smem:$0x3FAA] =	sst s9;
	s0 =	simm.s32 @!p0 $0x0  }
0x12: {  	s1 =	sld [smem:$0x3F90];
	s0 =	simm.s32 @p0 $0x1  }
0x13: {  	[smem:$0x3FAB] =	sst s0;
	s0 =	simm.s32 @!p1 $0x0  }
0x14: {  	s2 =	sld [smem:$0x3F8F];
	s0 =	simm.s32 @p1 $0x1  }
0x15: {  	[smem:$0x3FAC] =	sst s0;
	s0 =	simm.s32 @!p2 $0x0  }
0x16: {  	s3 =	sld [smem:$0x3FDB];
	s0 =	simm.s32 @p2 $0x1  }
0x17: {  	s4 =	simm.s32 $0x1BF5;
	[smem:$0x3FAE] =	sst s0  }
0x18: {  	s0 =	sld [smem:$0x3F91];
	_ =	swait.ge [sflag:s4], $0x0  }
0x19: {  	s7 =	sld [smem:$0x3F92]  }
0x1a: {  	s8 =	sadd.s32 $0xFFFFE003, lr  }
0x1b: {  	s9 =	sadd.s32 $0xFFFFFEF7, lr;
	s5 =	simm.s32 $0xFFFFFFFF;
	p2 =	slt.u32 s8, $0xFFFFF086  }
0x1c: {  	p1 =	slt.u32 s9, $0xF7A;
	s5 =	simm.s32 @!p2 $0x0  }
0x1d: {  	s5 =	simm.s32 @p1 $0x1;
	p0 =	seq.s32 s7, s2  }
0x1e: {  	s7 =	smul.u32 @!p0 $0xF7A, s2;
	p2 =	seq.s32 @!p0 s5, $0x0  }
0x1f: {  	s9 =	smul.u32 $0xF7A, s1;
	s8 =	simm.s32 @!p0 $0x1BF5;
	p2 =	por !p2, p0  }
0x20: {  	[sflag:s8] =	ssyncset.s32 @!p0 $0xFFFFF086;
	s6 =	sadd.s32 @!p0 s3, s7;
	s7 =	simm.s32 @!p0 $0x108  }
0x21: {  	s3 =	sadd.s32 s3, s9;
	s6 =	sadd.s32 @!p0 $0x88, s6;
	s7 =	simm.s32 @p2 $0x1082  }
0x22: {  	[simem:s7], [sflag:s8] =	dma.local @!p0 [hbm:s6], $0xF7A  }
0x23: {  	s9 =	sor.u32 $0xD0000000, s2;
	s6 =	simm.s32 $0x108;
	_ =	swait.ge @!p0 [sflag:s8], $0x0  }
0x24: {  	s3 =	sadd.s32 $0x88, s3;
	s6 =	simm.s32 @!p1 $0x1082;
	[sflag:s4] =	ssyncset.s32 $0xFFFFF086  }
0x25: {  	[simem:s6], [sflag:s4] =	dma.local [hbm:s3], $0xF7A  }
0x26: {  	[smem:$0x3F92] =	sst s1;
	(tag) =	ssettag s2;
	_ =	strace s9  }
0x27: {  	s1 =	sld [smem:$0x3FA2]  }
0x28: {  	s2 =	sld [smem:$0x3FA3]  }
0x29: {  	s4 =	sld [smem:$0x3FA5]  }
0x2a: {  	p0 =	seq.s32 s5, $0x0;
	s5 =	sld [smem:$0x3FA6]  }
0x2b: {  	s6 =	sld [smem:$0x3FA7]  }
0x2c: {  	s7 =	sld [smem:$0x3FA8]  }
0x2d: {  	s3 =	simm.s32 $0x108;
	s8 =	sld [smem:$0x3FA9]  }
0x2e: {  	s3 =	simm.s32 @!p0 $0x1082;
	s9 =	sld [smem:$0x3FAA]  }
0x2f: {  	lr =	sadd.s32 s0, s3;
	s0 =	sld [smem:$0x3FA1]  }
0x30: {  	s3 =	sld [smem:$0x3FA4]  }
0x31: {  	[smem:$0x3FAD] =	sst s10  }
0x32: {  	s10 =	sld [smem:$0x3FAB];
	_ =	sdelay $0x3  }
0x33: {  	p0 =	seq.s32 s10, $0x1;
	s10 =	sld [smem:$0x3FAD];
	_ =	sdelay $0x3  }
0x34: {  	[smem:$0x3FAD] =	sst s10  }
0x35: {  	s10 =	sld [smem:$0x3FAC];
	_ =	sdelay $0x3  }
0x36: {  	p1 =	seq.s32 s10, $0x1;
	s10 =	sld [smem:$0x3FAD];
	_ =	sdelay $0x3  }
0x37: {  	[smem:$0x3FAD] =	sst s10  }
0x38: {  	s10 =	sld [smem:$0x3FAE]  }
0x39: {  	_ = 	snop;
	(pc) =	sbr.ind lr, $3  }
0x3a: {  	_ = 	snop  }
0x3b: {  	_ = 	snop  }
0x3c: {  	p2 =	seq.s32 s10, $0x1;
	s10 =	sld [smem:$0x3FAD]  }
0x3d: {  	_ =	shalt  }
0x3e: {  	_ =	shalt  }
0x3f: {  	_ =	shalt  }
0x40: {  	_ =	shalt  }
0x41: {  	_ =	shalt  }
0x42: {  	_ =	shalt  }
0x43: {  	_ =	shalt  }
0x44: {  	_ =	shalt  }
0x45: {  	_ =	shalt  }
0x46: {  	_ =	shalt  }
0x47: {  	_ =	shalt  }
0x48: {  	_ =	shalt  }
0x49: {  	_ =	shalt  }
0x4a: {  	_ =	shalt  }
0x4b: {  	_ =	shalt  }
0x4c: {  	_ =	shalt  }
0x4d: {  	_ =	shalt  }
0x4e: {  	_ =	shalt  }
0x4f: {  	_ =	shalt  }
0x50: {  	_ =	shalt  }
0x51: {  	_ =	shalt  }
0x52: {  	_ =	shalt  }
0x53: {  	_ =	shalt  }
0x54: {  	_ =	shalt  }
0x55: {  	_ =	shalt  }
0x56: {  	_ =	shalt  }
0x57: {  	_ =	shalt  }
0x58: {  	_ =	shalt  }
0x59: {  	_ =	shalt  }
0x5a: {  	_ =	shalt  }
0x5b: {  	_ =	shalt  }
0x5c: {  	_ =	shalt  }
0x5d: {  	_ =	shalt  }
0x5e: {  	_ =	shalt  }
0x5f: {  	_ =	shalt  }
0x60: {  	_ =	shalt  }
0x61: {  	_ =	shalt  }
0x62: {  	_ =	shalt  }
0x63: {  	_ =	shalt  }
0x64: {  	_ =	shalt  }
0x65: {  	_ =	shalt  }
0x66: {  	_ =	shalt  }
0x67: {  	_ =	shalt  }
0x68: {  	_ =	shalt  }
0x69: {  	_ =	shalt  }
0x6a: {  	_ =	shalt  }
0x6b: {  	_ =	shalt  }
0x6c: {  	_ =	shalt  }
0x6d: {  	_ =	shalt  }
0x6e: {  	_ =	shalt  }
0x6f: {  	_ =	shalt  }
0x70: {  	_ =	shalt  }
0x71: {  	_ =	shalt  }
0x72: {  	_ =	shalt  }
0x73: {  	_ =	shalt  }
0x74: {  	_ =	shalt  }
0x75: {  	_ =	shalt  }
0x76: {  	_ =	shalt  }
0x77: {  	_ =	shalt  }
0x78: {  	_ =	shalt  }
0x79: {  	_ =	shalt  }
0x7a: {  	_ =	shalt  }
0x7b: {  	_ =	shalt  }
0x7c: {  	_ =	shalt  }
0x7d: {  	_ =	shalt  }
0x7e: {  	_ =	shalt  }
0x7f: {  	_ =	shalt  }
0x80: {  	_ =	shalt  }
0x81: {  	_ =	shalt  }
0x82: {  	_ =	shalt  }
0x83: {  	_ =	shalt  }
0x84: {  	_ =	shalt  }
0x85: {  	_ =	shalt  }
0x86: {  	_ =	shalt  }
0x87: {  	_ =	shalt  }
.Lfunc_end0:
.L_simem_size_0:
called_computation.1_lowered:
.L_overlay_start_0:
0x88: {  	s2 =	sld [smem:$0x3FD9]  }
0x89: {  	s3 =	sld [smem:$0x3FFE];
	_ =	sdelay $0x1  }
0x8a: {  	s1 =	srdreg.scid  }
0x8b: {  	s0 =	sand.u32 $0x1, s1  }
0x8c: {  	s16 =	sshll.u32 s0, $0xA;
	s2 =	sadd.s32 s3, s2  }
0x8d: {  	s2 =	sadd.s32 s2, s16  }
0x8e: {  	[smem:$0x3FB9] =	sst s2  }
0x8f: {  	_ = 	snop  }
0x90: {  	(tm) =	ssettm $0x1  }
0x91: {  	s17 =	sld [smem:$0x3FFB];
	_ =	sdelay $0x3  }
0x92: {  	_ =	strace s17  }
0x93: {  	s2 =	sld [smem:$0x3FFC];
	_ =	sdelay $0x3  }
0x94: {  	_ =	strace s2  }
0x95: {  	s2 =	sld [smem:$0x3FFD];
	_ =	sdelay $0x3  }
0x96: {  	_ =	strace s2  }
0x97: {  	_ =	strace $0x8FFFFFFF  }
0x98: {  	s18 =	sld [smem:$0x3FDB];
	_ =	sdelay $0x1  }
0x99: {  	s19 =	simm.s32 $_scs_section_size  }
0x9a: {  	s4 =	simm.s32 $_size__tile_overlayer_lowered;
	s5 =	simm.s32 $_tile_overlayer_lowered  }
0x9b: {  	s22 =	simm.s32 $0x1BFF;
	s21 =	sshll.u32 s5, $0x1;
	s2 =	sadd.s32 s19, s18  }
0x9c: {  	s6 =	simm.s32 $0x0;
	s20 =	sshll.u32 s4, $0x1;
	s4 =	sadd.s32 s21, s2  }
0x9d: {  	[timem:s6], [sflag:s22] =	dma.local [hbm:s4], s20  }
0x9e: {  	_ =	swait.ge [sflag:s22], s20  }
0x9f: {  	s3 =	ssub.s32 $0x0, s20;
	[sflag:s22] =	ssyncset.done $0x0  }
0xa0: {  	[sflag:s22] =	ssyncadd.s32 s3;
	_ =	sdelay $0x1  }
0xa1: {  	s23 =	simm.s32 $0x1B8B  }
0xa2: {  	_ =	swait.ge [sflag:s23], $0x1  }
0xa3: {  	[sflag:s23] =	ssyncset.done $0x0  }
0xa4: {  	s25 =	simm.s32 $0x1B8E;
	s24 =	sld [smem:$0x3FFE];
	[sflag:s23] =	ssyncadd.s32 $0xFFFFFFFF  }
0xa5: {  	s26 =	simm.s32 $execute0_lowered;
	[smem:$0x3FD2] =	sst s25  }
0xa6: {  	s4 =	sshll.u32 s26, $0x1;
	_ =	strace $0x80000046;
	[dreg:$0x1] =	wrdreg $0xFFFFFFFF  }
0xa7: {  	s28 =	simm.s32 $_size_execute0_lowered;
	s2 =	sadd.s32 s2, s4;
	[dreg:$0x0] =	wrdreg $0x0  }
0xa8: {  	s4 =	sshll.u32 s28, $0x1;
	[dreg:$0x2] =	wrdreg s2  }
0xa9: {  	[dreg:$0x3] =	wrdreg s4  }
0xaa: {  	[dreg:$0x4] =	wrdreg $0xC0  }
0xab: {  	_ =	task [dreg:s6], $0x5FFFF  }
0xac: {  	[dreg:$0x1] =	wrdreg $0xFFFFFFFF  }
0xad: {  	[dreg:$0x0] =	wrdreg $0x60  }
0xae: {  	[dreg:$0x2] =	wrdreg s24  }
0xaf: {  	[dreg:$0x3] =	wrdreg $0xA  }
0xb0: {  	_ =	task.clear_ibuf [dreg:s6], $0x4FFFF;
	_ =	strace $0x90000046  }
0xb1: {  	s29 =	simm.s32 $0xA;
	_ =	strace $0x80000048  }
0xb2: {  	_ =	swait.ge [sflag:s29], $0x1  }
0xb3: {  	[sflag:s29] =	ssyncadd.s32 $0xFFFFFFFF  }
0xb4: {  	_ =	strace $0x90000048  }
0xb5: {  	_ =	sfence  }
0xb6: {  	s30 =	sld [smem:$0x0];
	_ =	sdelay $0x2  }
0xb7: {  	s31 =	sshll.u32 s1, $0xD;
	s1 =	sshrl.u32 s1, $0x2  }
0xb8: {  	s3 =	sand.u32 $0x4000, s31;
	s1 =	sadd.s32 s1, s30  }
0xb9: {  	s0 =	sor.u32 s3, s0;
	s1 =	sshll.u32 s1, $0x11  }
0xba: {  	s0 =	sor.u32 s1, s0  }
0xbb: {  	s0 =	sadd.s32 $0x8F2B, s0  }
0xbc: {  	[sflag:s0] =	ssyncadd.remote.s32 $0x1  }
0xbd: {  	_ =	sfence.sel $0xFFFF  }
0xbe: {  	[dreg:$0x0] =	wrdreg $0xFFFFFFFF;
	(pc) =	sbr.abs _section_cstart, $3  }
0xbf: {  	[dreg:$0x1] =	wrdreg $0xFFFFFFFF  }
0xc0: {  	_ =	task.clear_ibuf [dreg:s6], $0x2FFFF;
	_ =	strace $0x9FFFFFFF  }
0xc1: {  	(tm) =	ssettm $0x7FFFFFFF  }
tec
execute0_lowered:
.L_overlay_start_1:
0x0: {  	(tag) =	ssettag $0x1  }
0x1: {  	s0 =	srdreg.scid;
	s1 =	stileid.u32  }
0x2: {  	s0 =	sand.u32 $0x1, s0;
	s1 =	sshll.u32 s1, $0x1  }
0x3: {  	s4 =	rddreg [dreg:$0x0];
	s2 =	simm.s32 $0x0;
	s1 =	sor.u32 s0, s1  }
0x4: {  	[smem:$0x7FF] =	sst s2;
	s3 =	sadd.s32 $0x5200, s4;
	s16 =	smul.u32 $0xD, s1  }
0x5: {  	s4 =	sadd.s32 $0x1E00, s4;
	_ =	strace $0x80000047;
	s14 =	smul.u32 $0x27AC4, s1  }
0x6: {  	s20 =	sshrl.u32 s16, $0x4;
	s6 =	sadd.s32 $0xC, s16;
	s5 =	sshll.u32 s16, $0x5  }
0x7: {  	s8 =	sadd.s32 $0x1, s16;
	s12 =	sadd.s32 $0x2, s16;
	s18 =	sadd.s32 $0x3, s16  }
0x8: {  	s23 =	sadd.s32 $0x4, s16;
	s31 =	sadd.s32 $0x5, s16;
	s5 =	sand.u32 $0x3E00, s5  }
0x9: {  	s7 =	sshll.u32 s6, $0x5;
	s9 =	sshrl.u32 s8, $0x4;
	s13 =	smul.u32 $0x30D4, s8  }
0xa: {  	s19 =	sshrl.u32 s18, $0x4;
	s24 =	sshrl.u32 s23, $0x4;
	s5 =	sadd.s32 s4, s5  }
0xb: {  	s7 =	sand.u32 $0x7E00, s7;
	s10 =	ssub.s32 s9, s20;
	s21 =	ssub.s32 s19, s20  }
0xc: {  	s25 =	ssub.s32 s24, s20;
	[dreg:$0x2] =	wrdreg s5;
	s4 =	sadd.s32 s4, s7  }
0xd: {  	s11 =	sshll.u32 s10, $0xE;
	s5 =	sshrl.u32 s12, $0x4;
	s17 =	sadd.s32 s3, s13  }
0xe: {  	s3 =	sadd.s32 s3, s14;
	s7 =	sshrl.u32 s31, $0x4;
	[dreg:$0x3] =	wrdreg s4  }
0xf: {  	s10 =	sadd.s32 $0x6, s16;
	s14 =	sadd.s32 $0x7, s16;
	[dreg:$0x5] =	wrdreg s17  }
0x10: {  	s4 =	sshra.s32 s11, $0x2;
	s15 =	ssub.s32 s5, s20;
	s19 =	rddreg [dreg:$0x2]  }
0x11: {  	s22 =	sadd.s32 $0x61A8, s3;
	s26 =	sadd.s32 $0x927C, s3;
	[dreg:$0x4] =	wrdreg s4  }
0x12: {  	s8 =	ssub.s32 s7, s20;
	s4 =	sshll.u32 s15, $0xE;
	[dreg:$0x7] =	wrdreg s22  }
0x13: {  	[tilespmem:s2], [sflag:$0x2] =	stream.linear.gather [hbm4b:s19+s2], $0x1000, $0x38;
	[tilespmem:$0xF000] =	vst v63  }
0x14: {  	s9 =	sadd.s32 $0xC350, s3;
	[dreg:$0x9] =	wrdreg s26;
	s4 =	sshra.s32 s4, $0x2  }
0x15: {  	s11 =	sshrl.u32 s10, $0x4;
	[dreg:$0x6] =	wrdreg s4;
	s4 =	sshll.u32 s21, $0xE  }
0x16: {  	s13 =	sadd.s32 $0xF424, s3;
	[dreg:$0xb] =	wrdreg s9;
	s4 =	sshra.s32 s4, $0x2  }
0x17: {  	s17 =	sadd.s32 $0x124F8, s3;
	[dreg:$0x8] =	wrdreg s4;
	s4 =	sshll.u32 s25, $0xE  }
0x18: {  	s12 =	ssub.s32 s11, s20;
	[dreg:$0xd] =	wrdreg s13;
	s4 =	sshra.s32 s4, $0x2  }
0x19: {  	s15 =	sshrl.u32 s14, $0x4;
	[dreg:$0xa] =	wrdreg s4;
	s4 =	sshll.u32 s8, $0xE  }
0x1a: {  	[dreg:$0xf] =	wrdreg s17;
	s5 =	ssub.s32 s15, s20;
	s4 =	sshra.s32 s4, $0x2  }
0x1b: {  	s21 =	sadd.s32 $0x155CC, s3;
	[dreg:$0xc] =	wrdreg s4;
	s4 =	sshll.u32 s12, $0xE  }
0x1c: {  	s18 =	sshll.u32 s5, $0xE;
	[dreg:$0x11] =	wrdreg s21;
	s4 =	sshra.s32 s4, $0x2  }
0x1d: {  	[dreg:$0xe] =	wrdreg s4;
	s4 =	sshra.s32 s18, $0x2  }
0x1e: {  	[dreg:$0x10] =	wrdreg s4;
	s4 =	simm.s32 $0x2  }
0x1f: {  	_ =	swait.ge [sflag:s4], $0x1000  }
0x20: {  	[sflag:s4] =	ssyncset.done $0x0  }
0x21: {  	s5 =	simm.s32 $0x1000;
	s22 =	rddreg [dreg:$0x3];
	[sflag:s4] =	ssyncadd.s32 $0xFFFFF000  }
0x22: {  	[tilespmem:s5], [sflag:$0x2] =	stream.linear.gather [hbm4b:s22+s2], $0x1000, $0x38;
	[tilespmem:$0xF000] =	vst v63  }
0x23: {  	_ =	swait.ge [sflag:s4], $0x1000  }
0x24: {  	s17 =	rddreg [dreg:$0x11]  }
0x25: {  	s14 =	rddreg [dreg:$0xf]  }
0x26: {  	s13 =	rddreg [dreg:$0xd]  }
0x27: {  	s12 =	rddreg [dreg:$0xb]  }
0x28: {  	s11 =	rddreg [dreg:$0x8]  }
0x29: {  	s30 =	simm.s32 $0xE000;
	s23 =	sadd.s32 $0x8, s16;
	s10 =	rddreg [dreg:$0x6]  }
0x2a: {  	s31 =	sadd.s32 $0x9, s16;
	s7 =	sshrl.u32 s23, $0x4;
	s25 =	rddreg [dreg:$0x4]  }
0x2b: {  	s23 =	simm.s32 $0x6000;
	s24 =	ssub.s32 s7, s20;
	s15 =	rddreg [dreg:$0x5]  }
0x2c: {  	s26 =	simm.s32 $0x3000;
	s7 =	sshll.u32 s24, $0xE;
	s18 =	rddreg [dreg:$0x7]  }
0x2d: {  	s21 =	sshrl.u32 s6, $0x4;
	[sflag:s4] =	ssyncset.done $0x0;
	s19 =	rddreg [dreg:$0x9]  }
0x2e: {  	s6 =	simm.s32 $0x2000;
	s22 =	rddreg [dreg:$0xa];
	[sflag:s4] =	ssyncadd.s32 $0xFFFFF000  }
0x2f: {  	[tilespmem:s6], [sflag:$0x1] =	stream.indirect.gather [hbm4b:s3+s5], $0x1, s2, s5, $0xb8;
	[tilespmem:$0xF000] =	vst v63  }
0x30: {  	s9 =	simm.s32 $0x4000;
	s7 =	sshra.s32 s7, $0x2;
	s24 =	rddreg [dreg:$0xc]  }
0x31: {  	[tilespmem:s26], [sflag:$0x1] =	stream.indirect.gather [hbm4b:s15+s5], $0x1, s25, s5, $0xb8;
	[tilespmem:$0xF000] =	vst v63  }
0x32: {  	s15 =	sshrl.u32 s31, $0x4;
	s25 =	simm.s32 $0x7000;
	s26 =	rddreg [dreg:$0xe]  }
0x33: {  	[tilespmem:s9], [sflag:$0x1] =	stream.indirect.gather [hbm4b:s18+s5], $0x1, s10, s5, $0xb8;
	[tilespmem:$0xF000] =	vst v63  }
0x34: {  	s31 =	sadd.s32 $0xA, s16;
	s15 =	ssub.s32 s15, s20;
	s18 =	simm.s32 $0x5000  }
0x35: {  	[tilespmem:s18], [sflag:$0x1] =	stream.indirect.gather [hbm4b:s19+s5], $0x1, s11, s5, $0xb8;
	[tilespmem:$0xF000] =	vst v63  }
0x36: {  	s15 =	sshll.u32 s15, $0xE;
	s9 =	simm.s32 $0x8000;
	s10 =	sshrl.u32 s31, $0x4  }
0x37: {  	[tilespmem:s23], [sflag:$0x1] =	stream.indirect.gather [hbm4b:s12+s5], $0x1, s22, s5, $0xb8;
	[tilespmem:$0xF000] =	vst v63  }
0x38: {  	s15 =	sshra.s32 s15, $0x2;
	s18 =	ssub.s32 s10, s20;
	s11 =	sadd.s32 $0xB, s16  }
0x39: {  	[tilespmem:s25], [sflag:$0x1] =	stream.indirect.gather [hbm4b:s13+s5], $0x1, s24, s5, $0xb8;
	[tilespmem:$0xF000] =	vst v63  }
0x3a: {  	s16 =	simm.s32 $0xA000;
	s18 =	sshll.u32 s18, $0xE;
	s19 =	sshrl.u32 s11, $0x4  }
0x3b: {  	[tilespmem:s9], [sflag:$0x1] =	stream.indirect.gather [hbm4b:s14+s5], $0x1, s26, s5, $0xb8;
	[tilespmem:$0xF000] =	vst v63  }
0x3c: {  	s22 =	rddreg [dreg:$0x10];
	s12 =	simm.s32 $0x9000;
	s18 =	sshra.s32 s18, $0x2  }
0x3d: {  	[tilespmem:s12], [sflag:$0x1] =	stream.indirect.gather [hbm4b:s17+s5], $0x1, s22, s5, $0xb8;
	[tilespmem:$0xF000] =	vst v63  }
0x3e: {  	s23 =	simm.s32 $0xC000;
	s13 =	ssub.s32 s19, s20;
	s14 =	sadd.s32 $0x186A0, s3  }
0x3f: {  	[tilespmem:s16], [sflag:$0x1] =	stream.indirect.gather [hbm4b:s14+s5], $0x1, s7, s5, $0xb8;
	[tilespmem:$0xF000] =	vst v63  }
0x40: {  	s19 =	simm.s32 $0xB000;
	s17 =	sadd.s32 $0x1B774, s3;
	s22 =	sshll.u32 s13, $0xE  }
0x41: {  	[tilespmem:s19], [sflag:$0x1] =	stream.indirect.gather [hbm4b:s17+s5], $0x1, s15, s5, $0xb8;
	[tilespmem:$0xF000] =	vst v63  }
0x42: {  	s24 =	ssub.s32 s21, s20;
	s21 =	sshra.s32 s22, $0x2;
	s22 =	sadd.s32 $0x1E848, s3  }
0x43: {  	[tilespmem:s23], [sflag:$0x1] =	stream.indirect.gather [hbm4b:s22+s5], $0x1, s18, s5, $0xb8;
	[tilespmem:$0xF000] =	vst v63  }
0x44: {  	s25 =	simm.s32 $0xD000;
	s26 =	sshll.u32 s24, $0xE;
	s24 =	sadd.s32 $0x2191C, s3  }
0x45: {  	[tilespmem:s25], [sflag:$0x1] =	stream.indirect.gather [hbm4b:s24+s5], $0x1, s21, s5, $0xb8;
	[tilespmem:$0xF000] =	vst v63  }
0x46: {  	s28 =	simm.s32 $0x1;
	s29 =	sadd.s32 $0x249F0, s3;
	s26 =	sshra.s32 s26, $0x2  }
0x47: {  	[tilespmem:s30], [sflag:$0x1] =	stream.indirect.gather [hbm4b:s29+s5], $0x1, s26, s5, $0xb8;
	[tilespmem:$0xF000] =	vst v63  }
0x48: {  	_ =	swait.ge [sflag:s28], $0x1000  }
0x49: {  	[sflag:s28] =	ssyncset.done $0x0  }
0x4a: {  	[sflag:s28] =	ssyncadd.s32 $0xFFFFF000  }
0x4b: {  	_ =	swait.ge [sflag:s28], $0x1000  }
0x4c: {  	[sflag:s28] =	ssyncset.done $0x0  }
0x4d: {  	[sflag:s28] =	ssyncadd.s32 $0xFFFFF000  }
0x4e: {  	_ =	swait.ge [sflag:s28], $0x1000  }
0x4f: {  	[sflag:s28] =	ssyncset.done $0x0  }
0x50: {  	[sflag:s28] =	ssyncadd.s32 $0xFFFFF000  }
0x51: {  	_ =	swait.ge [sflag:s28], $0x1000  }
0x52: {  	[sflag:s28] =	ssyncset.done $0x0  }
0x53: {  	[sflag:s28] =	ssyncadd.s32 $0xFFFFF000  }
0x54: {  	_ =	swait.ge [sflag:s28], $0x1000  }
0x55: {  	[sflag:s28] =	ssyncset.done $0x0  }
0x56: {  	[sflag:s28] =	ssyncadd.s32 $0xFFFFF000  }
0x57: {  	_ =	swait.ge [sflag:s28], $0x1000  }
0x58: {  	[sflag:s28] =	ssyncset.done $0x0  }
0x59: {  	[sflag:s28] =	ssyncadd.s32 $0xFFFFF000  }
0x5a: {  	_ =	swait.ge [sflag:s28], $0x1000  }
0x5b: {  	[sflag:s28] =	ssyncset.done $0x0  }
0x5c: {  	[sflag:s28] =	ssyncadd.s32 $0xFFFFF000  }
0x5d: {  	_ =	swait.ge [sflag:s28], $0x1000  }
0x5e: {  	[sflag:s28] =	ssyncset.done $0x0  }
0x5f: {  	[sflag:s28] =	ssyncadd.s32 $0xFFFFF000  }
0x60: {  	_ =	swait.ge [sflag:s28], $0x1000  }
0x61: {  	[sflag:s28] =	ssyncset.done $0x0  }
0x62: {  	[sflag:s28] =	ssyncadd.s32 $0xFFFFF000  }
0x63: {  	s0 =	ssub.s32 $0x2, s0;
	_ =	swait.ge [sflag:s28], $0x1000  }
0x64: {  	s31 =	sshrl.u32 s0, $0x1;
	[sflag:s28] =	ssyncset.done $0x0  }
0x65: {  	s0 =	ssub.s32 s0, s31;
	[sflag:s28] =	ssyncadd.s32 $0xFFFFF000  }
0x66: {  	s31 =	smax.u32 s0, $0x1;
	_ =	swait.ge [sflag:s28], $0x1000  }
0x67: {  	p0 =	sne.s32 s31, $0x1;
	[sflag:s28] =	ssyncset.done $0x0  }
.Ltmp0:
0x68: {  	[sflag:s28] =	ssyncadd.s32 $0xFFFFF000;
	(pc) =	sbr.rel @!p0 .LBB2_3-.Ltmp0, $4  }
0x69: {  	s1 =	smul.u32 $0x1A00, s1;
	_ =	swait.ge [sflag:s28], $0x1000  }
0x6a: {  	s20 =	rddreg [dreg:$0x0]  }
0x6b: {  	[sflag:s28] =	ssyncset.done $0x0;
	s0 =	sadd.s32 s1, s20  }
0x6c: {  	s1 =	sadd.s32 $0xFFFFFFFF, s31;
	[sflag:s28] =	ssyncadd.s32 $0xFFFFF000;
	s0 =	sadd.s32 $0x4FAC00, s0  }
0x6d: {  	s20 =	simm.s32 $0x3000  }
.LBB2_2:
0x6e: {  	_ =	swait.ge [sflag:s28], $0x1000  }
0x6f: {  	[sflag:s28] =	ssyncset.done $0x0  }
0x70: {  	[sflag:s28] =	ssyncadd.s32 $0xFFFFF000  }
0x71: {  	[hbm4b:s0+s2] =	stream.linear.scatter [tilespmem:s6], [sflag:$0x2], $0xD000, $0x38;
	[tilespmem:$0xF000] =	vst v63  }
0x72: {  	_ =	swait.ge [sflag:s4], $0xD000  }
0x73: {  	[sflag:s4] =	ssyncset.done $0x0  }
0x74: {  	s31 =	rddreg [dreg:$0x2];
	[sflag:s4] =	ssyncadd.s32 $0xFFFF3000  }
0x75: {  	[tilespmem:s2], [sflag:$0x2] =	stream.linear.gather [hbm4b:s31+s2], $0x1000, $0x38;
	[tilespmem:$0xF000] =	vst v63  }
0x76: {  	_ =	swait.ge [sflag:s4], $0x1000  }
0x77: {  	[sflag:s4] =	ssyncset.done $0x0  }
0x78: {  	s16 =	rddreg [dreg:$0x3];
	[sflag:s4] =	ssyncadd.s32 $0xFFFFF000  }
0x79: {  	[tilespmem:s5], [sflag:$0x2] =	stream.linear.gather [hbm4b:s16+s2], $0x1000, $0x38;
	[tilespmem:$0xF000] =	vst v63  }
0x7a: {  	_ =	swait.ge [sflag:s4], $0x1000  }
0x7b: {  	s31 =	rddreg [dreg:$0x11]  }
0x7c: {  	s8 =	rddreg [dreg:$0xf]  }
0x7d: {  	s9 =	rddreg [dreg:$0xd]  }
0x7e: {  	s10 =	rddreg [dreg:$0xb]  }
0x7f: {  	s11 =	rddreg [dreg:$0x8]  }
0x80: {  	[sflag:s4] =	ssyncset.done $0x0;
	s12 =	rddreg [dreg:$0x6]  }
0x81: {  	s13 =	rddreg [dreg:$0x4];
	[sflag:s4] =	ssyncadd.s32 $0xFFFFF000  }
0x82: {  	[tilespmem:s6], [sflag:$0x1] =	stream.indirect.gather [hbm4b:s3+s5], $0x1, s2, s5, $0xb8;
	[tilespmem:$0xF000] =	vst v63  }
0x83: {  	s16 =	rddreg [dreg:$0x5]  }
0x84: {  	[tilespmem:s20], [sflag:$0x1] =	stream.indirect.gather [hbm4b:s16+s5], $0x1, s13, s5, $0xb8;
	[tilespmem:$0xF000] =	vst v63  }
0x85: {  	s19 =	rddreg [dreg:$0x7];
	s16 =	simm.s32 $0x4000  }
0x86: {  	[tilespmem:s16], [sflag:$0x1] =	stream.indirect.gather [hbm4b:s19+s5], $0x1, s12, s5, $0xb8;
	[tilespmem:$0xF000] =	vst v63  }
0x87: {  	s13 =	rddreg [dreg:$0x9];
	s19 =	simm.s32 $0x5000  }
0x88: {  	[tilespmem:s19], [sflag:$0x1] =	stream.indirect.gather [hbm4b:s13+s5], $0x1, s11, s5, $0xb8;
	[tilespmem:$0xF000] =	vst v63  }
0x89: {  	s12 =	rddreg [dreg:$0xa];
	s19 =	simm.s32 $0x6000  }
0x8a: {  	[tilespmem:s19], [sflag:$0x1] =	stream.indirect.gather [hbm4b:s10+s5], $0x1, s12, s5, $0xb8;
	[tilespmem:$0xF000] =	vst v63  }
0x8b: {  	s11 =	rddreg [dreg:$0xc];
	s19 =	simm.s32 $0x7000  }
0x8c: {  	[tilespmem:s19], [sflag:$0x1] =	stream.indirect.gather [hbm4b:s9+s5], $0x1, s11, s5, $0xb8;
	[tilespmem:$0xF000] =	vst v63  }
0x8d: {  	s16 =	rddreg [dreg:$0xe];
	s13 =	simm.s32 $0x8000  }
0x8e: {  	[tilespmem:s13], [sflag:$0x1] =	stream.indirect.gather [hbm4b:s8+s5], $0x1, s16, s5, $0xb8;
	[tilespmem:$0xF000] =	vst v63  }
0x8f: {  	s12 =	rddreg [dreg:$0x10];
	s16 =	simm.s32 $0x9000  }
0x90: {  	[tilespmem:s16], [sflag:$0x1] =	stream.indirect.gather [hbm4b:s31+s5], $0x1, s12, s5, $0xb8;
	[tilespmem:$0xF000] =	vst v63  }
0x91: {  	s19 =	simm.s32 $0xA000  }
0x92: {  	[tilespmem:s19], [sflag:$0x1] =	stream.indirect.gather [hbm4b:s14+s5], $0x1, s7, s5, $0xb8;
	[tilespmem:$0xF000] =	vst v63  }
0x93: {  	s31 =	simm.s32 $0xB000  }
0x94: {  	[tilespmem:s31], [sflag:$0x1] =	stream.indirect.gather [hbm4b:s17+s5], $0x1, s15, s5, $0xb8;
	[tilespmem:$0xF000] =	vst v63  }
0x95: {  	_ = 	snop  }
0x96: {  	[tilespmem:s23], [sflag:$0x1] =	stream.indirect.gather [hbm4b:s22+s5], $0x1, s18, s5, $0xb8;
	[tilespmem:$0xF000] =	vst v63  }
0x97: {  	_ = 	snop  }
0x98: {  	[tilespmem:s25], [sflag:$0x1] =	stream.indirect.gather [hbm4b:s24+s5], $0x1, s21, s5, $0xb8;
	[tilespmem:$0xF000] =	vst v63  }
0x99: {  	_ = 	snop  }
0x9a: {  	[tilespmem:s30], [sflag:$0x1] =	stream.indirect.gather [hbm4b:s29+s5], $0x1, s26, s5, $0xb8;
	[tilespmem:$0xF000] =	vst v63  }
0x9b: {  	_ =	swait.ge [sflag:s28], $0x1000  }
0x9c: {  	[sflag:s28] =	ssyncset.done $0x0  }
0x9d: {  	[sflag:s28] =	ssyncadd.s32 $0xFFFFF000  }
0x9e: {  	_ =	swait.ge [sflag:s28], $0x1000  }
0x9f: {  	[sflag:s28] =	ssyncset.done $0x0  }
0xa0: {  	[sflag:s28] =	ssyncadd.s32 $0xFFFFF000  }
0xa1: {  	_ =	swait.ge [sflag:s28], $0x1000  }
0xa2: {  	[sflag:s28] =	ssyncset.done $0x0  }
0xa3: {  	[sflag:s28] =	ssyncadd.s32 $0xFFFFF000  }
0xa4: {  	_ =	swait.ge [sflag:s28], $0x1000  }
0xa5: {  	[sflag:s28] =	ssyncset.done $0x0  }
0xa6: {  	[sflag:s28] =	ssyncadd.s32 $0xFFFFF000  }
0xa7: {  	_ =	swait.ge [sflag:s28], $0x1000  }
0xa8: {  	[sflag:s28] =	ssyncset.done $0x0  }
0xa9: {  	[sflag:s28] =	ssyncadd.s32 $0xFFFFF000  }
0xaa: {  	_ =	swait.ge [sflag:s28], $0x1000  }
0xab: {  	[sflag:s28] =	ssyncset.done $0x0  }
0xac: {  	[sflag:s28] =	ssyncadd.s32 $0xFFFFF000  }
0xad: {  	_ =	swait.ge [sflag:s28], $0x1000  }
0xae: {  	[sflag:s28] =	ssyncset.done $0x0  }
0xaf: {  	[sflag:s28] =	ssyncadd.s32 $0xFFFFF000  }
0xb0: {  	_ =	swait.ge [sflag:s28], $0x1000  }
0xb1: {  	[sflag:s28] =	ssyncset.done $0x0  }
0xb2: {  	[sflag:s28] =	ssyncadd.s32 $0xFFFFF000  }
0xb3: {  	_ =	swait.ge [sflag:s28], $0x1000  }
0xb4: {  	[sflag:s28] =	ssyncset.done $0x0  }
0xb5: {  	[sflag:s28] =	ssyncadd.s32 $0xFFFFF000  }
0xb6: {  	_ =	swait.ge [sflag:s28], $0x1000  }
0xb7: {  	[sflag:s28] =	ssyncset.done $0x0  }
0xb8: {  	[sflag:s28] =	ssyncadd.s32 $0xFFFFF000  }
0xb9: {  	p0 =	sne.s32 s1, $0x1;
	_ =	swait.ge [sflag:s28], $0x1000  }
.Ltmp1:
0xba: {  	[sflag:s28] =	ssyncset.done $0x0;
	(pc) =	sbr.rel @p0 .LBB2_2-.Ltmp1, $4  }
0xbb: {  	[sflag:s28] =	ssyncadd.s32 $0xFFFFF000  }
0xbc: {  	_ =	swait.ge [sflag:s28], $0x1000  }
0xbd: {  	[sflag:s28] =	ssyncset.done $0x0  }
0xbe: {  	s1 =	sadd.s32 $0xFFFFFFFF, s1;
	[sflag:s28] =	ssyncadd.s32 $0xFFFFF000  }
.LBB2_3:
0xbf: {  	_ =	swait.ge [sflag:s28], $0x1000  }
0xc0: {  	[sflag:s28] =	ssyncset.done $0x0  }
0xc1: {  	[sflag:s28] =	ssyncadd.s32 $0xFFFFF000  }
0xc2: {  	[hbm4b:s0+s2] =	stream.linear.scatter [tilespmem:s6], [sflag:$0x2], $0xD000, $0x38;
	[tilespmem:$0xF000] =	vst v63  }
0xc3: {  	_ =	swait.ge [sflag:s4], $0xD000  }
0xc4: {  	[sflag:s4] =	ssyncset.done $0x0  }
0xc5: {  	[sflag:s4] =	ssyncadd.s32 $0xFFFF3000  }
0xc6: {  	_ =	sfence.sel $0x180000  }
0xc7: {  	[bflag:$0x0] =	sbarrier.arrive $0xFFFF  }
0xc8: {  	_ =	strace $0x90000047  }
0xc9: {  	s31 =	stileid.u32;
	[bflag:$0x2] =	sbarrier.arrive $0xFFFF  }
0xca: {  	p0 =	sne.s32 s31, $0x0;
	s0 =	rddreg [dreg:$0x1]  }
0xcb: {  	s0 =	sadd.s32 @!p0 $0x100000, s0  }
0xcc: {  	[sflag:s0] =	ssyncadd.tile.s32 @!p0 $0x1;
	_ =	shalt  }
.Lfunc_end2:
_tile_overlayer_lowered:
.L_overlay_start_2:
0xcd: {  	(tag) =	ssettag $0x2  }
0xce: {  	s0 =	rddreg [dreg:$0x0];
	s2 =	stileid.u32  }
0xcf: {  	s1 =	rddreg [dreg:$0x1];
	p0 =	sne.s32 s2, $0x0  }
0xd0: {  	s3 =	rddreg [dreg:$0x2];
	[bflag:$0x3] =	sbarrier.arrive $0xFFFF;
	s2 =	simm.s32 @!p0 $0x1C02  }
0xd1: {  	[timem:s3], [sflag:s2] =	dma.local @!p0 [hbm:s0], s1  }
0xd2: {  	s0 =	simm.s32 @!p0 $0x2  }
0xd3: {  	_ =	swait.ge @!p0 [sflag:s0], s1  }
0xd4: {  	s1 =	ssub.s32 @!p0 $0x0, s1;
	[sflag:s0] =	ssyncset.done @!p0 $0x0  }
0xd5: {  	[sflag:s0] =	ssyncadd.s32 @!p0 s1  }
0xd6: {  	[bflag:$0x3] =	sbarrier.arrive $0xFFFF  }
0xd7: {  	_ =	shalt  }

</sc_bundles>
